<compile_context>
chip_gen: v7x
topology: tpu7x:2x2x1
jax: 0.10.2.dev20260603
libtpu: 0.0.44.dev20260713+nightly
codegen_flags: <defaults>
</compile_context>

<pallas_src>
import functools

import jax
import jax.numpy as jnp
from jax import lax
from jax.experimental import pallas as pl
from jax.experimental.pallas import tpu as pltpu
from jax.experimental.pallas import tpu_sc as plsc

N_NODES = 10000
N_PAD = 10240
N_EDGES = 320000
HID = 64
N_GRAPHS = 128

_NC, _NS = 2, 16
_NW = _NC * _NS
_CH = 128
_CPT = 80
_E_PAD = _NW * _CPT * _CH
_NBUF = 8
_LA = 4
_RPT = N_PAD // _NS


def _edge_agg(y, src2d, dst2d):
    mesh = plsc.VectorSubcoreMesh(core_axis_name="c", subcore_axis_name="s")

    @functools.partial(
        pl.kernel,
        mesh=mesh,
        compiler_params=pltpu.CompilerParams(use_tc_tiling_on_sc=False),
        out_type=[jax.ShapeDtypeStruct((N_PAD, HID), jnp.float32),
                  jax.ShapeDtypeStruct((N_PAD, HID), jnp.float32)],
        scratch_types=[
            pltpu.VMEM((_CPT, _CH), jnp.int32),
            pltpu.VMEM((_CPT, _CH), jnp.int32),
            [pltpu.VMEM((_CH, HID), jnp.float32) for _ in range(_NBUF)],
            pltpu.VMEM_SHARED((N_PAD, HID), jnp.float32),
            [pltpu.SemaphoreType.DMA for _ in range(_NBUF)],
            [pltpu.SemaphoreType.DMA for _ in range(_NBUF)],
        ],
    )
    def agg(y_hbm, src_hbm, dst_hbm, out0_hbm, out1_hbm,
            sidx, didx, rows, acc, sem_g, sem_s):
        c = lax.axis_index("c")
        s = lax.axis_index("s")
        tid = c * _NS + s

        zeros16 = jnp.zeros((16,), jnp.float32)
        zbuf = rows[0]

        def zrow(r, _):
            for j in range(HID // 16):
                zbuf[r, pl.ds(j * 16, 16)] = zeros16
            return ()

        lax.fori_loop(0, _CH, zrow, ())
        for i in range(_RPT // _CH):
            pltpu.sync_copy(zbuf, acc.at[pl.ds(s * _RPT + i * _CH, _CH)])

        r0 = tid * _CPT
        pltpu.sync_copy(src_hbm.at[pl.ds(r0, _CPT)], sidx)
        pltpu.sync_copy(dst_hbm.at[pl.ds(r0, _CPT)], didx)
        plsc.subcore_barrier()

        def g_start(j, b):
            pltpu.async_copy(y_hbm.at[sidx.at[j]], rows[b], sem_g[b])

        def g_wait(b):
            pltpu.make_async_copy(y_hbm.at[pl.ds(0, _CH)], rows[b],
                                  sem_g[b]).wait()

        def s_start(k, b):
            pltpu.async_copy(rows[b], acc.at[didx.at[k]], sem_s[b], add=True)

        def s_wait(b):
            pltpu.make_async_copy(rows[b], acc.at[pl.ds(0, _CH)],
                                  sem_s[b]).wait()

        for j in range(_LA):
            g_start(j, j)
        for k in range(_LA):
            g_start(k + _LA, k + _LA)
            g_wait(k)
            s_start(k, k)

        def group(g, _):
            for b8 in range(_NBUF):
                k = _LA + g * _NBUF + b8
                bj = b8
                s_wait(bj)
                g_start(k + _LA, bj)
                b = (_LA + b8) % _NBUF
                g_wait(b)
                s_start(k, b)
            return ()

        lax.fori_loop(0, (_CPT - 2 * _LA) // _NBUF, group, ())

        for k in range(_CPT - _LA, _CPT):
            b = k % _NBUF
            g_wait(b)
            s_start(k, b)
        for b in range(_NBUF):
            s_wait(b)

        plsc.subcore_barrier()

        @pl.when(c == 0)
        def _flush0():
            pltpu.sync_copy(acc.at[pl.ds(s * _RPT, _RPT)],
                            out0_hbm.at[pl.ds(s * _RPT, _RPT)])

        @pl.when(c == 1)
        def _flush1():
            pltpu.sync_copy(acc.at[pl.ds(s * _RPT, _RPT)],
                            out1_hbm.at[pl.ds(s * _RPT, _RPT)])

    return agg(y, src2d, dst2d)


_BM = 1024
_HN = N_PAD // 2


_EB = N_EDGES // 5


def _proj_body(xa_ref, xb_ref, w_ref, e_ref, o_ref, os_ref, od_ref):
    i = pl.program_id(0)
    a = jnp.dot(xa_ref[...], w_ref[...], preferred_element_type=jnp.float32)
    b = jnp.dot(xb_ref[...], w_ref[...], preferred_element_type=jnp.float32)
    nvalid_b = N_NODES - _HN - i * _BM
    valid_b = lax.broadcasted_iota(jnp.int32, (_BM, HID), 0) < nvalid_b
    o_ref[...] = jnp.concatenate([a, jnp.where(valid_b, b, 0.0)], axis=1)
    os_ref[pl.ds(i * _EB, _EB)] = _sigma(e_ref[0])
    od_ref[pl.ds(i * _EB, _EB)] = _sigma(e_ref[1])

    @pl.when(i == pl.num_programs(0) - 1)
    def _pad():
        npad = _E_PAD - N_EDGES
        ar = lax.broadcasted_iota(jnp.int32, (npad,), 0)
        os_ref[pl.ds(N_EDGES, npad)] = _sigma(ar % N_NODES)
        od_ref[pl.ds(N_EDGES, npad)] = _sigma(
            N_NODES + ar % (N_PAD - N_NODES))


def _proj(x, w, edge_index):
    k = x.shape[1]
    n = w.shape[1]
    nb = _HN // _BM
    return pl.pallas_call(
        _proj_body,
        grid=(nb,),
        in_specs=[
            pl.BlockSpec((_BM, k), lambda i: (i, 0)),
            pl.BlockSpec((_BM, k), lambda i: (i + _HN // _BM, 0)),
            pl.BlockSpec((k, n), lambda i: (0, 0)),
            pl.BlockSpec((2, _EB), lambda i: (0, i)),
        ],
        out_specs=[
            pl.BlockSpec((_BM, 2 * n), lambda i: (i, 0)),
            pl.BlockSpec((_E_PAD,), lambda i: (0,)),
            pl.BlockSpec((_E_PAD,), lambda i: (0,)),
        ],
        out_shape=[
            jax.ShapeDtypeStruct((_HN, 2 * n), jnp.float32),
            jax.ShapeDtypeStruct((_E_PAD,), jnp.int32),
            jax.ShapeDtypeStruct((_E_PAD,), jnp.int32),
        ],
    )(x, x, w, edge_index)


def _mid_body(y1_ref, p0_ref, p1_ref, b1a_ref, w1b_ref, b1b_ref, w2a_ref,
              o_ref):
    u = jnp.maximum(y1_ref[...] + p0_ref[...] + p1_ref[...] + b1a_ref[...],
                    0.0)
    h = jnp.maximum(
        jnp.dot(u, w1b_ref[...], preferred_element_type=jnp.float32)
        + b1b_ref[...], 0.0)
    o_ref[...] = jnp.dot(h, w2a_ref[...], preferred_element_type=jnp.float32)


def _mid(y1, p0, p1, b1a2, w1b_bd, b1b2, w2a_bd):
    return pl.pallas_call(
        _mid_body,
        grid=(_HN // _BM,),
        in_specs=[
            pl.BlockSpec((_BM, 2 * HID), lambda i: (i, 0)),
            pl.BlockSpec((_BM, 2 * HID), lambda i: (i, 0)),
            pl.BlockSpec((_BM, 2 * HID), lambda i: (i, 0)),
            pl.BlockSpec((1, 2 * HID), lambda i: (0, 0)),
            pl.BlockSpec((2 * HID, 2 * HID), lambda i: (0, 0)),
            pl.BlockSpec((1, 2 * HID), lambda i: (0, 0)),
            pl.BlockSpec((2 * HID, 2 * HID), lambda i: (0, 0)),
        ],
        out_specs=pl.BlockSpec((_BM, 2 * HID), lambda i: (i, 0)),
        out_shape=jax.ShapeDtypeStruct((_HN, 2 * HID), jnp.float32),
    )(y1, p0, p1, b1a2, w1b_bd, b1b2, w2a_bd)


def _tail_body(y2_ref, p0_ref, p1_ref, b2a_ref, w2b_ref, b2b_ref, batch_ref,
               wg_ref, bg_ref, wo_ref, bo_ref, g_ref, o_ref):
    i = pl.program_id(0)
    ng = pl.num_programs(0)
    v = jnp.maximum(y2_ref[...] + p0_ref[...] + p1_ref[...] + b2a_ref[...],
                    0.0)
    h2 = jnp.maximum(
        jnp.dot(v, w2b_ref[...], preferred_element_type=jnp.float32)
        + b2b_ref[...], 0.0)
    gio = lax.broadcasted_iota(jnp.int32, (N_GRAPHS, _BM), 0)
    ids_a = batch_ref[pl.ds(i, 1), :]
    ids_b = batch_ref[pl.ds(i + ng, 1), :]
    onehot_a = (jnp.broadcast_to(ids_a, (N_GRAPHS, _BM)) == gio
                ).astype(jnp.float32)
    onehot_b = (jnp.broadcast_to(ids_b, (N_GRAPHS, _BM)) == gio
                ).astype(jnp.float32)
    nvalid_b = N_NODES - _HN - i * _BM
    valid_b = lax.broadcasted_iota(jnp.int32, (_BM, HID), 0) < nvalid_b
    h2b = jnp.where(valid_b, h2[:, HID:], 0.0)
    gpart = (lax.dot_general(onehot_a, h2[:, :HID], (((1,), (0,)), ((), ())),
                             preferred_element_type=jnp.float32)
             + lax.dot_general(onehot_b, h2b, (((1,), (0,)), ((), ())),
                               preferred_element_type=jnp.float32))

    @pl.when(i == 0)
    def _init():
        g_ref[...] = gpart

    @pl.when(i > 0)
    def _accum():
        g_ref[...] += gpart

    @pl.when(i == ng - 1)
    def _head():
        g = g_ref[...]
        t = jnp.maximum(
            jnp.dot(g, wg_ref[...], preferred_element_type=jnp.float32)
            + bg_ref[...], 0.0)
        o_ref[...] = (jnp.dot(t, wo_ref[...],
                              preferred_element_type=jnp.float32)
                      + bo_ref[...])


def _tail_stage(y2, p0, p1, b2a2, w2b_bd, b2b2, batch2d, wg2, bg, wo, bo):
    out_dim = wo.shape[1]
    nb = _HN // _BM
    _, out = pl.pallas_call(
        _tail_body,
        grid=(nb,),
        in_specs=[
            pl.BlockSpec((_BM, 2 * HID), lambda i: (i, 0)),
            pl.BlockSpec((_BM, 2 * HID), lambda i: (i, 0)),
            pl.BlockSpec((_BM, 2 * HID), lambda i: (i, 0)),
            pl.BlockSpec((1, 2 * HID), lambda i: (0, 0)),
            pl.BlockSpec((2 * HID, 2 * HID), lambda i: (0, 0)),
            pl.BlockSpec((1, 2 * HID), lambda i: (0, 0)),
            pl.BlockSpec((2 * nb, _BM), lambda i: (0, 0)),
            pl.BlockSpec((HID, HID), lambda i: (0, 0)),
            pl.BlockSpec((1, HID), lambda i: (0, 0)),
            pl.BlockSpec((HID, out_dim), lambda i: (0, 0)),
            pl.BlockSpec((1, out_dim), lambda i: (0, 0)),
        ],
        out_specs=[
            pl.BlockSpec((N_GRAPHS, HID), lambda i: (0, 0)),
            pl.BlockSpec((N_GRAPHS, out_dim), lambda i: (0, 0)),
        ],
        out_shape=[
            jax.ShapeDtypeStruct((N_GRAPHS, HID), jnp.float32),
            jax.ShapeDtypeStruct((N_GRAPHS, out_dim), jnp.float32),
        ],
    )(y2, p0, p1, b2a2, w2b_bd, b2b2, batch2d, wg2, bg, wo, bo)
    return out


def _pair2(v):
    return jnp.concatenate([v, v]).reshape(1, -1)


def _blockdiag(w):
    z = jnp.zeros_like(w)
    return jnp.concatenate(
        [jnp.concatenate([w, z], axis=1), jnp.concatenate([z, w], axis=1)],
        axis=0)


def _sigma(i):
    return jnp.where(i < _HN, 2 * i, 2 * i - (N_PAD - 1))


_EB = N_EDGES // 5


def _proj_body(xa_ref, xb_ref, w_ref, e_ref, o_ref, os_ref, od_ref):
    i = pl.program_id(0)
    a = jnp.dot(xa_ref[...], w_ref[...], preferred_element_type=jnp.float32)
    b = jnp.dot(xb_ref[...], w_ref[...], preferred_element_type=jnp.float32)
    nvalid_b = N_NODES - _HN - i * _BM
    valid_b = lax.broadcasted_iota(jnp.int32, (_BM, HID), 0) < nvalid_b
    o_ref[...] = jnp.concatenate([a, jnp.where(valid_b, b, 0.0)], axis=1)
    os_ref[pl.ds(i * _EB, _EB)] = _sigma(e_ref[0])
    od_ref[pl.ds(i * _EB, _EB)] = _sigma(e_ref[1])

    @pl.when(i == pl.num_programs(0) - 1)
    def _pad():
        npad = _E_PAD - N_EDGES
        ar = lax.broadcasted_iota(jnp.int32, (npad,), 0)
        os_ref[pl.ds(N_EDGES, npad)] = _sigma(ar % N_NODES)
        od_ref[pl.ds(N_EDGES, npad)] = _sigma(
            N_NODES + ar % (N_PAD - N_NODES))


def _proj(x, w, edge_index):
    k = x.shape[1]
    n = w.shape[1]
    nb = _HN // _BM
    return pl.pallas_call(
        _proj_body,
        grid=(nb,),
        in_specs=[
            pl.BlockSpec((_BM, k), lambda i: (i, 0)),
            pl.BlockSpec((_BM, k), lambda i: (i + _HN // _BM, 0)),
            pl.BlockSpec((k, n), lambda i: (0, 0)),
            pl.BlockSpec((2, _EB), lambda i: (0, i)),
        ],
        out_specs=[
            pl.BlockSpec((_BM, 2 * n), lambda i: (i, 0)),
            pl.BlockSpec((_E_PAD,), lambda i: (0,)),
            pl.BlockSpec((_E_PAD,), lambda i: (0,)),
        ],
        out_shape=[
            jax.ShapeDtypeStruct((_HN, 2 * n), jnp.float32),
            jax.ShapeDtypeStruct((_E_PAD,), jnp.int32),
            jax.ShapeDtypeStruct((_E_PAD,), jnp.int32),
        ],
    )(x, x, w, edge_index)


def _mid_body(y1_ref, p0_ref, p1_ref, b1a_ref, w1b_ref, b1b_ref, w2a_ref,
              o_ref):
    u = jnp.maximum(y1_ref[...] + p0_ref[...] + p1_ref[...] + b1a_ref[...],
                    0.0)
    h = jnp.maximum(
        jnp.dot(u, w1b_ref[...], preferred_element_type=jnp.float32)
        + b1b_ref[...], 0.0)
    o_ref[...] = jnp.dot(h, w2a_ref[...], preferred_element_type=jnp.float32)


def _mid(y1, p0, p1, b1a2, w1b_bd, b1b2, w2a_bd):
    return pl.pallas_call(
        _mid_body,
        grid=(_HN // _BM,),
        in_specs=[
            pl.BlockSpec((_BM, 2 * HID), lambda i: (i, 0)),
            pl.BlockSpec((_BM, 2 * HID), lambda i: (i, 0)),
            pl.BlockSpec((_BM, 2 * HID), lambda i: (i, 0)),
            pl.BlockSpec((1, 2 * HID), lambda i: (0, 0)),
            pl.BlockSpec((2 * HID, 2 * HID), lambda i: (0, 0)),
            pl.BlockSpec((1, 2 * HID), lambda i: (0, 0)),
            pl.BlockSpec((2 * HID, 2 * HID), lambda i: (0, 0)),
        ],
        out_specs=pl.BlockSpec((_BM, 2 * HID), lambda i: (i, 0)),
        out_shape=jax.ShapeDtypeStruct((_HN, 2 * HID), jnp.float32),
    )(y1, p0, p1, b1a2, w1b_bd, b1b2, w2a_bd)


def _tail_body(y2_ref, p0_ref, p1_ref, b2a_ref, w2b_ref, b2b_ref, batch_ref,
               wg_ref, bg_ref, wo_ref, bo_ref, g_ref, o_ref):
    i = pl.program_id(0)
    ng = pl.num_programs(0)
    v = jnp.maximum(y2_ref[...] + p0_ref[...] + p1_ref[...] + b2a_ref[...],
                    0.0)
    h2 = jnp.maximum(
        jnp.dot(v, w2b_ref[...], preferred_element_type=jnp.float32)
        + b2b_ref[...], 0.0)
    gio = lax.broadcasted_iota(jnp.int32, (N_GRAPHS, _BM), 0)
    ids_a = batch_ref[pl.ds(i, 1), :]
    ids_b = batch_ref[pl.ds(i + ng, 1), :]
    onehot_a = (jnp.broadcast_to(ids_a, (N_GRAPHS, _BM)) == gio
                ).astype(jnp.float32)
    onehot_b = (jnp.broadcast_to(ids_b, (N_GRAPHS, _BM)) == gio
                ).astype(jnp.float32)
    nvalid_b = N_NODES - _HN - i * _BM
    valid_b = lax.broadcasted_iota(jnp.int32, (_BM, HID), 0) < nvalid_b
    h2b = jnp.where(valid_b, h2[:, HID:], 0.0)
    gpart = (lax.dot_general(onehot_a, h2[:, :HID], (((1,), (0,)), ((), ())),
                             preferred_element_type=jnp.float32)
             + lax.dot_general(onehot_b, h2b, (((1,), (0,)), ((), ())),
                               preferred_element_type=jnp.float32))

    @pl.when(i == 0)
    def _init():
        g_ref[...] = gpart

    @pl.when(i > 0)
    def _accum():
        g_ref[...] += gpart

    @pl.when(i == ng - 1)
    def _head():
        g = g_ref[...]
        t = jnp.maximum(
            jnp.dot(g, wg_ref[...], preferred_element_type=jnp.float32)
            + bg_ref[...], 0.0)
        o_ref[...] = (jnp.dot(t, wo_ref[...],
                              preferred_element_type=jnp.float32)
                      + bo_ref[...])


def _tail_stage(y2, p0, p1, b2a2, w2b_bd, b2b2, batch2d, wg2, bg, wo, bo):
    out_dim = wo.shape[1]
    nb = _HN // _BM
    _, out = pl.pallas_call(
        _tail_body,
        grid=(nb,),
        in_specs=[
            pl.BlockSpec((_BM, 2 * HID), lambda i: (i, 0)),
            pl.BlockSpec((_BM, 2 * HID), lambda i: (i, 0)),
            pl.BlockSpec((_BM, 2 * HID), lambda i: (i, 0)),
            pl.BlockSpec((1, 2 * HID), lambda i: (0, 0)),
            pl.BlockSpec((2 * HID, 2 * HID), lambda i: (0, 0)),
            pl.BlockSpec((1, 2 * HID), lambda i: (0, 0)),
            pl.BlockSpec((2 * nb, _BM), lambda i: (0, 0)),
            pl.BlockSpec((HID, HID), lambda i: (0, 0)),
            pl.BlockSpec((1, HID), lambda i: (0, 0)),
            pl.BlockSpec((HID, out_dim), lambda i: (0, 0)),
            pl.BlockSpec((1, out_dim), lambda i: (0, 0)),
        ],
        out_specs=[
            pl.BlockSpec((N_GRAPHS, HID), lambda i: (0, 0)),
            pl.BlockSpec((N_GRAPHS, out_dim), lambda i: (0, 0)),
        ],
        out_shape=[
            jax.ShapeDtypeStruct((N_GRAPHS, HID), jnp.float32),
            jax.ShapeDtypeStruct((N_GRAPHS, out_dim), jnp.float32),
        ],
    )(y2, p0, p1, b2a2, w2b_bd, b2b2, batch2d, wg2, bg, wo, bo)
    return out


def _pair2(v):
    return jnp.concatenate([v, v]).reshape(1, -1)


def _blockdiag(w):
    z = jnp.zeros_like(w)
    return jnp.concatenate(
        [jnp.concatenate([w, z], axis=1), jnp.concatenate([z, w], axis=1)],
        axis=0)


def _sigma(i):
    return jnp.where(i < _HN, 2 * i, 2 * i - (N_PAD - 1))


_EB = N_EDGES // 5


def _edge_prep_body(e_ref, os_ref, od_ref):
    i = pl.program_id(0)
    s = _sigma(e_ref[0])
    d = _sigma(e_ref[1])
    os_ref[pl.ds(i * _EB, _EB)] = s
    od_ref[pl.ds(i * _EB, _EB)] = d

    @pl.when(i == pl.num_programs(0) - 1)
    def _pad():
        npad = _E_PAD - N_EDGES
        ar = lax.broadcasted_iota(jnp.int32, (npad,), 0)
        os_ref[pl.ds(N_EDGES, npad)] = _sigma(ar % N_NODES)
        od_ref[pl.ds(N_EDGES, npad)] = _sigma(
            N_NODES + ar % (N_PAD - N_NODES))


def _edge_prep(edge_index):
    outs = pl.pallas_call(
        _edge_prep_body,
        grid=(N_EDGES // _EB,),
        in_specs=[
            pl.BlockSpec((2, _EB), lambda i: (0, i)),
        ],
        out_specs=[
            pl.BlockSpec((_E_PAD,), lambda i: (0,)),
            pl.BlockSpec((_E_PAD,), lambda i: (0,)),
        ],
        out_shape=[
            jax.ShapeDtypeStruct((_E_PAD,), jnp.int32),
            jax.ShapeDtypeStruct((_E_PAD,), jnp.int32),
        ],
    )(edge_index)
    return outs


def kernel(x, edge_index, batch, W1a, b1a, W1b, b1b, W2a, b2a, W2b, b2b,
           Wg, bg, Wo, bo):
    ei = edge_index.astype(jnp.int32)
    nb = _HN // _BM
    batch2d = jnp.concatenate(
        [batch.astype(jnp.int32),
         jnp.zeros((N_PAD - N_NODES,), jnp.int32)]).reshape(2 * nb, _BM)

    y1, src1d, dst1d = _proj(x, W1a, ei)
    src = src1d.reshape(_E_PAD // _CH, _CH)
    dst = dst1d.reshape(_E_PAD // _CH, _CH)
    p1a, p1b = _edge_agg(y1.reshape(N_PAD, HID), src, dst)
    y2 = _mid(y1, p1a.reshape(_HN, 2 * HID), p1b.reshape(_HN, 2 * HID),
              _pair2(b1a), _blockdiag(W1b), _pair2(b1b), _blockdiag(W2a))
    p2a, p2b = _edge_agg(y2.reshape(N_PAD, HID), src, dst)
    return _tail_stage(y2, p2a.reshape(_HN, 2 * HID), p2b.reshape(_HN, 2 * HID),
                       _pair2(b2a), _blockdiag(W2b), _pair2(b2b),
                       batch2d, Wg, bg.reshape(1, -1), Wo, bo.reshape(1, -1))

# --- scband reference (transcript-rebuilt; emitter-appended) ---
"""Pipeline reference for scband-gin-76613626626159 (READ-ONLY COPY).

The authoritative reference and input builder live on the scoring server;
editing this copy changes nothing except your own understanding.
"""

import jax, jax.numpy as jnp
import numpy as np

N_NODES = 10000
N_EDGES = 320000
D_FEAT = 128
HIDDEN = 64
OUT_DIM = 5
N_GRAPHS = 128


def setup_inputs(seed: int = 0) -> dict:
    key = jax.random.key(seed)
    ks = jax.random.split(key, 16)
    x = jax.random.normal(ks[0], (N_NODES, D_FEAT), dtype=jnp.float32)
    edge_index = jax.random.randint(ks[1], (2, N_EDGES), 0, N_NODES, dtype=jnp.int64)
    batch = jnp.sort(jax.random.randint(ks[2], (N_NODES,), 0, N_GRAPHS, dtype=jnp.int64))
    def lin(k, fan_in, fan_out):
        bound = 1.0 / np.sqrt(fan_in)
        kw, kb = jax.random.split(k)
        W = jax.random.uniform(kw, (fan_in, fan_out), minval=-bound, maxval=bound, dtype=jnp.float32)
        b = jax.random.uniform(kb, (fan_out,), minval=-bound, maxval=bound, dtype=jnp.float32)
        return W, b
    W1a, b1a = lin(ks[3], D_FEAT, HIDDEN)
    W1b, b1b = lin(ks[4], HIDDEN, HIDDEN)
    W2a, b2a = lin(ks[5], HIDDEN, HIDDEN)
    W2b, b2b = lin(ks[6], HIDDEN, HIDDEN)
    Wg, bg = lin(ks[7], HIDDEN, 64)
    Wo, bo = lin(ks[8], 64, OUT_DIM)
    return {"x": x, "edge_index": edge_index, "batch": batch,
            "W1a": W1a, "b1a": b1a, "W1b": W1b, "b1b": b1b,
            "W2a": W2a, "b2a": b2a, "W2b": W2b, "b2b": b2b,
            "Wg": Wg, "bg": bg, "Wo": Wo, "bo": bo}


def reference(x, edge_index, batch, W1a, b1a, W1b, b1b, W2a, b2a, W2b, b2b, Wg, bg, Wo, bo):
    src = edge_index[0]
    dst = edge_index[1]
    n = x.shape[0]
    # GINConv layer 1: h = MLP((1+eps)*x + sum_{j in N(i)} x_j), eps = 0
    agg1 = jax.ops.segment_sum(jnp.take(x, src, axis=0), dst, num_segments=n)
    h = x + agg1
    h = jnp.maximum(h @ W1a + b1a, 0.0) @ W1b + b1b
    h = jnp.maximum(h, 0.0)  # F.relu after conv1
    # GINConv layer 2
    agg2 = jax.ops.segment_sum(jnp.take(h, src, axis=0), dst, num_segments=n)
    h2 = h + agg2
    h2 = jnp.maximum(h2 @ W2a + b2a, 0.0) @ W2b + b2b
    h2 = jnp.maximum(h2, 0.0)  # F.relu after conv2
    # global_add_pool over graphs
    g = jax.ops.segment_sum(h2, batch, num_segments=N_GRAPHS)
    g = jnp.maximum(g @ Wg + bg, 0.0)
    return g @ Wo + bo

if __name__ == "__main__":
    import jax
    _d = setup_inputs()
    print(jax.jit(kernel)(*tuple(_d.values())))

</pallas_src>

<mosaic_0001>
#map = affine_map<(d0, d1) -> (0, 0)>
module attributes {stable_mosaic.version = 14 : i64} {
  func.func @agg(%arg0: i32, %arg1: i32, %arg2: memref<10240x64xf32, #tpu.memory_space<hbm>>, %arg3: memref<2560x128xi32, #tpu.memory_space<hbm>>, %arg4: memref<2560x128xi32, #tpu.memory_space<hbm>>, %arg5: memref<10240x64xf32, #tpu.memory_space<hbm>>, %arg6: memref<10240x64xf32, #tpu.memory_space<hbm>>, %arg7: memref<80x128xi32, #tpu.memory_space<vmem>>, %arg8: memref<80x128xi32, #tpu.memory_space<vmem>>, %arg9: memref<128x64xf32, #tpu.memory_space<vmem>>, %arg10: memref<128x64xf32, #tpu.memory_space<vmem>>, %arg11: memref<128x64xf32, #tpu.memory_space<vmem>>, %arg12: memref<128x64xf32, #tpu.memory_space<vmem>>, %arg13: memref<128x64xf32, #tpu.memory_space<vmem>>, %arg14: memref<128x64xf32, #tpu.memory_space<vmem>>, %arg15: memref<128x64xf32, #tpu.memory_space<vmem>>, %arg16: memref<128x64xf32, #tpu.memory_space<vmem>>, %arg17: memref<10240x64xf32, #tpu.memory_space<vmem_shared>>, %arg18: memref<!tpu.dma_semaphore, #tpu.memory_space<semaphore_mem>>, %arg19: memref<!tpu.dma_semaphore, #tpu.memory_space<semaphore_mem>>, %arg20: memref<!tpu.dma_semaphore, #tpu.memory_space<semaphore_mem>>, %arg21: memref<!tpu.dma_semaphore, #tpu.memory_space<semaphore_mem>>, %arg22: memref<!tpu.dma_semaphore, #tpu.memory_space<semaphore_mem>>, %arg23: memref<!tpu.dma_semaphore, #tpu.memory_space<semaphore_mem>>, %arg24: memref<!tpu.dma_semaphore, #tpu.memory_space<semaphore_mem>>, %arg25: memref<!tpu.dma_semaphore, #tpu.memory_space<semaphore_mem>>, %arg26: memref<!tpu.dma_semaphore, #tpu.memory_space<semaphore_mem>>, %arg27: memref<!tpu.dma_semaphore, #tpu.memory_space<semaphore_mem>>, %arg28: memref<!tpu.dma_semaphore, #tpu.memory_space<semaphore_mem>>, %arg29: memref<!tpu.dma_semaphore, #tpu.memory_space<semaphore_mem>>, %arg30: memref<!tpu.dma_semaphore, #tpu.memory_space<semaphore_mem>>, %arg31: memref<!tpu.dma_semaphore, #tpu.memory_space<semaphore_mem>>, %arg32: memref<!tpu.dma_semaphore, #tpu.memory_space<semaphore_mem>>, %arg33: memref<!tpu.dma_semaphore, #tpu.memory_space<semaphore_mem>>) attributes {dimension_semantics = [#tpu.dimension_semantics<core_parallel>, #tpu.dimension_semantics<subcore_parallel>], iteration_bounds = array<i64: 2, 16>, scalar_prefetch = 0 : i64, scratch_operands = 27 : i64, tpu.core_type = #tpu.core_type<sc_vector_subcore>, window_params = [{transform_indices = #map}, {transform_indices = #map}, {transform_indices = #map}, {transform_indices = #map}, {transform_indices = #map}]} {
    %mul3A = arith.constant 16 : i32
    %mul3A_0 = arith.muli %arg0, %mul3A : i32
    %add3A = arith.addi %mul3A_0, %arg1 : i32
    %broadcast_in_dim3A = arith.constant 0.000000e+00 : f32
    %broadcast_in_dim3A_1 = vector.broadcast %broadcast_in_dim3A : f32 to vector<16xf32>
    %scan3A = arith.constant 0 : i32
    %scan3A_2 = arith.constant 128 : i32
    %scan3A_3 = arith.addi %scan3A, %scan3A_2 : i32
    %scan3A_4 = arith.constant 1 : i32
    scf.for %scan3A_247 = %scan3A to %scan3A_3 step %scan3A_4  : i32 {
      %swap3A = arith.index_cast %scan3A_247 : i32 to index
      %swap3A_248 = arith.constant 0 : index
      %swap3A_249 = tpu.vector_load %arg9[%swap3A, %swap3A_248] {strides = array<i32>} : memref<128x64xf32, #tpu.memory_space<vmem>>, vector<1x16xf32>,
      %swap3A_250 = vector.shape_cast %swap3A_249 : vector<1x16xf32> to vector<16xf32>
      %swap3A_251 = vector.shape_cast %broadcast_in_dim3A_1 : vector<16xf32> to vector<1x16xf32>
      tpu.vector_store %arg9[%swap3A, %swap3A_248], %swap3A_251 {strides = array<i32>} : memref<128x64xf32, #tpu.memory_space<vmem>>, vector<1x16xf32>,
      %swap3A_252 = arith.index_cast %scan3A_247 : i32 to index
      %swap3A_253 = arith.constant 16 : index
      %swap3A_254 = tpu.vector_load %arg9[%swap3A_252, %swap3A_253] {strides = array<i32>} : memref<128x64xf32, #tpu.memory_space<vmem>>, vector<1x16xf32>,
      %swap3A_255 = vector.shape_cast %swap3A_254 : vector<1x16xf32> to vector<16xf32>
      %swap3A_256 = vector.shape_cast %broadcast_in_dim3A_1 : vector<16xf32> to vector<1x16xf32>
      tpu.vector_store %arg9[%swap3A_252, %swap3A_253], %swap3A_256 {strides = array<i32>} : memref<128x64xf32, #tpu.memory_space<vmem>>, vector<1x16xf32>,
      %swap3A_257 = arith.index_cast %scan3A_247 : i32 to index
      %swap3A_258 = arith.constant 32 : index
      %swap3A_259 = tpu.vector_load %arg9[%swap3A_257, %swap3A_258] {strides = array<i32>} : memref<128x64xf32, #tpu.memory_space<vmem>>, vector<1x16xf32>,
      %swap3A_260 = vector.shape_cast %swap3A_259 : vector<1x16xf32> to vector<16xf32>
      %swap3A_261 = vector.shape_cast %broadcast_in_dim3A_1 : vector<16xf32> to vector<1x16xf32>
      tpu.vector_store %arg9[%swap3A_257, %swap3A_258], %swap3A_261 {strides = array<i32>} : memref<128x64xf32, #tpu.memory_space<vmem>>, vector<1x16xf32>,
      %swap3A_262 = arith.index_cast %scan3A_247 : i32 to index
      %swap3A_263 = arith.constant 48 : index
      %swap3A_264 = tpu.vector_load %arg9[%swap3A_262, %swap3A_263] {strides = array<i32>} : memref<128x64xf32, #tpu.memory_space<vmem>>, vector<1x16xf32>,
      %swap3A_265 = vector.shape_cast %swap3A_264 : vector<1x16xf32> to vector<16xf32>
      %swap3A_266 = vector.shape_cast %broadcast_in_dim3A_1 : vector<16xf32> to vector<1x16xf32>
      tpu.vector_store %arg9[%swap3A_262, %swap3A_263], %swap3A_266 {strides = array<i32>} : memref<128x64xf32, #tpu.memory_space<vmem>>, vector<1x16xf32>,
    }
    %scan3A_5 = arith.constant 128 : i32
    %mul3A_6 = arith.constant 640 : i32
    %mul3A_7 = arith.muli %arg1, %mul3A_6 : i32
    %add3A_8 = arith.constant 0 : i32
    %add3A_9 = arith.addi %mul3A_7, %add3A_8 : i32
    "tpu.region"() ({
      %run_scoped3A = tpu.sem_alloc : memref<!tpu.dma_semaphore, #tpu.memory_space<semaphore_mem>>
      %dma_start3A_247 = arith.constant 0 : i32
      %dma_start3A_248 = tpu.memref_slice %arg17[%add3A_9, %dma_start3A_247] : memref<10240x64xf32, #tpu.memory_space<vmem_shared>> -> memref<128x64xf32, #tpu.memory_space<vmem_shared>>
      %dma_start3A_249 = arith.constant 0 : i32
      %dma_start3A_250 = tpu.memref_slice %arg17[%add3A_9, %dma_start3A_249] : memref<10240x64xf32, #tpu.memory_space<vmem_shared>> -> memref<128x64xf32, #tpu.memory_space<vmem_shared>>
      tpu.enqueue_dma source(%arg9 : memref<128x64xf32, #tpu.memory_space<vmem>>) target(%dma_start3A_250 : memref<128x64xf32, #tpu.memory_space<vmem_shared>>) target_semaphore(%run_scoped3A : memref<!tpu.dma_semaphore, #tpu.memory_space<semaphore_mem>>)
      %dma_wait3A_251 = arith.constant 0 : i32
      %dma_wait3A_252 = tpu.memref_slice %arg17[%add3A_9, %dma_wait3A_251] : memref<10240x64xf32, #tpu.memory_space<vmem_shared>> -> memref<128x64xf32, #tpu.memory_space<vmem_shared>>
      %dma_wait3A_253 = arith.constant 0 : i32
      %dma_wait3A_254 = tpu.memref_slice %arg17[%add3A_9, %dma_wait3A_253] : memref<10240x64xf32, #tpu.memory_space<vmem_shared>> -> memref<128x64xf32, #tpu.memory_space<vmem_shared>>
      tpu.wait_dma2 semaphore(%run_scoped3A : memref<!tpu.dma_semaphore, #tpu.memory_space<semaphore_mem>>) src(%arg9 : memref<128x64xf32, #tpu.memory_space<vmem>>) dst(%dma_wait3A_254 : memref<128x64xf32, #tpu.memory_space<vmem_shared>>)
      tpu.yield
    }) : () -> ()
    %mul3A_10 = arith.constant 640 : i32
    %mul3A_11 = arith.muli %arg1, %mul3A_10 : i32
    %add3A_12 = arith.constant 128 : i32
    %add3A_13 = arith.addi %mul3A_11, %add3A_12 : i32
    "tpu.region"() ({
      %run_scoped3A = tpu.sem_alloc : memref<!tpu.dma_semaphore, #tpu.memory_space<semaphore_mem>>
      %dma_start3A_247 = arith.constant 0 : i32
      %dma_start3A_248 = tpu.memref_slice %arg17[%add3A_13, %dma_start3A_247] : memref<10240x64xf32, #tpu.memory_space<vmem_shared>> -> memref<128x64xf32, #tpu.memory_space<vmem_shared>>
      %dma_start3A_249 = arith.constant 0 : i32
      %dma_start3A_250 = tpu.memref_slice %arg17[%add3A_13, %dma_start3A_249] : memref<10240x64xf32, #tpu.memory_space<vmem_shared>> -> memref<128x64xf32, #tpu.memory_space<vmem_shared>>
      tpu.enqueue_dma source(%arg9 : memref<128x64xf32, #tpu.memory_space<vmem>>) target(%dma_start3A_250 : memref<128x64xf32, #tpu.memory_space<vmem_shared>>) target_semaphore(%run_scoped3A : memref<!tpu.dma_semaphore, #tpu.memory_space<semaphore_mem>>)
      %dma_wait3A_251 = arith.constant 0 : i32
      %dma_wait3A_252 = tpu.memref_slice %arg17[%add3A_13, %dma_wait3A_251] : memref<10240x64xf32, #tpu.memory_space<vmem_shared>> -> memref<128x64xf32, #tpu.memory_space<vmem_shared>>
      %dma_wait3A_253 = arith.constant 0 : i32
      %dma_wait3A_254 = tpu.memref_slice %arg17[%add3A_13, %dma_wait3A_253] : memref<10240x64xf32, #tpu.memory_space<vmem_shared>> -> memref<128x64xf32, #tpu.memory_space<vmem_shared>>
      tpu.wait_dma2 semaphore(%run_scoped3A : memref<!tpu.dma_semaphore, #tpu.memory_space<semaphore_mem>>) src(%arg9 : memref<128x64xf32, #tpu.memory_space<vmem>>) dst(%dma_wait3A_254 : memref<128x64xf32, #tpu.memory_space<vmem_shared>>)
      tpu.yield
    }) : () -> ()
    %mul3A_14 = arith.constant 640 : i32
    %mul3A_15 = arith.muli %arg1, %mul3A_14 : i32
    %add3A_16 = arith.constant 256 : i32
    %add3A_17 = arith.addi %mul3A_15, %add3A_16 : i32
    "tpu.region"() ({
      %run_scoped3A = tpu.sem_alloc : memref<!tpu.dma_semaphore, #tpu.memory_space<semaphore_mem>>
      %dma_start3A_247 = arith.constant 0 : i32
      %dma_start3A_248 = tpu.memref_slice %arg17[%add3A_17, %dma_start3A_247] : memref<10240x64xf32, #tpu.memory_space<vmem_shared>> -> memref<128x64xf32, #tpu.memory_space<vmem_shared>>
      %dma_start3A_249 = arith.constant 0 : i32
      %dma_start3A_250 = tpu.memref_slice %arg17[%add3A_17, %dma_start3A_249] : memref<10240x64xf32, #tpu.memory_space<vmem_shared>> -> memref<128x64xf32, #tpu.memory_space<vmem_shared>>
      tpu.enqueue_dma source(%arg9 : memref<128x64xf32, #tpu.memory_space<vmem>>) target(%dma_start3A_250 : memref<128x64xf32, #tpu.memory_space<vmem_shared>>) target_semaphore(%run_scoped3A : memref<!tpu.dma_semaphore, #tpu.memory_space<semaphore_mem>>)
      %dma_wait3A_251 = arith.constant 0 : i32
      %dma_wait3A_252 = tpu.memref_slice %arg17[%add3A_17, %dma_wait3A_251] : memref<10240x64xf32, #tpu.memory_space<vmem_shared>> -> memref<128x64xf32, #tpu.memory_space<vmem_shared>>
      %dma_wait3A_253 = arith.constant 0 : i32
      %dma_wait3A_254 = tpu.memref_slice %arg17[%add3A_17, %dma_wait3A_253] : memref<10240x64xf32, #tpu.memory_space<vmem_shared>> -> memref<128x64xf32, #tpu.memory_space<vmem_shared>>
      tpu.wait_dma2 semaphore(%run_scoped3A : memref<!tpu.dma_semaphore, #tpu.memory_space<semaphore_mem>>) src(%arg9 : memref<128x64xf32, #tpu.memory_space<vmem>>) dst(%dma_wait3A_254 : memref<128x64xf32, #tpu.memory_space<vmem_shared>>)
      tpu.yield
    }) : () -> ()
    %mul3A_18 = arith.constant 640 : i32
    %mul3A_19 = arith.muli %arg1, %mul3A_18 : i32
    %add3A_20 = arith.constant 384 : i32
    %add3A_21 = arith.addi %mul3A_19, %add3A_20 : i32
    "tpu.region"() ({
      %run_scoped3A = tpu.sem_alloc : memref<!tpu.dma_semaphore, #tpu.memory_space<semaphore_mem>>
      %dma_start3A_247 = arith.constant 0 : i32
      %dma_start3A_248 = tpu.memref_slice %arg17[%add3A_21, %dma_start3A_247] : memref<10240x64xf32, #tpu.memory_space<vmem_shared>> -> memref<128x64xf32, #tpu.memory_space<vmem_shared>>
      %dma_start3A_249 = arith.constant 0 : i32
      %dma_start3A_250 = tpu.memref_slice %arg17[%add3A_21, %dma_start3A_249] : memref<10240x64xf32, #tpu.memory_space<vmem_shared>> -> memref<128x64xf32, #tpu.memory_space<vmem_shared>>
      tpu.enqueue_dma source(%arg9 : memref<128x64xf32, #tpu.memory_space<vmem>>) target(%dma_start3A_250 : memref<128x64xf32, #tpu.memory_space<vmem_shared>>) target_semaphore(%run_scoped3A : memref<!tpu.dma_semaphore, #tpu.memory_space<semaphore_mem>>)
      %dma_wait3A_251 = arith.constant 0 : i32
      %dma_wait3A_252 = tpu.memref_slice %arg17[%add3A_21, %dma_wait3A_251] : memref<10240x64xf32, #tpu.memory_space<vmem_shared>> -> memref<128x64xf32, #tpu.memory_space<vmem_shared>>
      %dma_wait3A_253 = arith.constant 0 : i32
      %dma_wait3A_254 = tpu.memref_slice %arg17[%add3A_21, %dma_wait3A_253] : memref<10240x64xf32, #tpu.memory_space<vmem_shared>> -> memref<128x64xf32, #tpu.memory_space<vmem_shared>>
      tpu.wait_dma2 semaphore(%run_scoped3A : memref<!tpu.dma_semaphore, #tpu.memory_space<semaphore_mem>>) src(%arg9 : memref<128x64xf32, #tpu.memory_space<vmem>>) dst(%dma_wait3A_254 : memref<128x64xf32, #tpu.memory_space<vmem_shared>>)
      tpu.yield
    }) : () -> ()
    %mul3A_22 = arith.constant 640 : i32
    %mul3A_23 = arith.muli %arg1, %mul3A_22 : i32
    %add3A_24 = arith.constant 512 : i32
    %add3A_25 = arith.addi %mul3A_23, %add3A_24 : i32
    "tpu.region"() ({
      %run_scoped3A = tpu.sem_alloc : memref<!tpu.dma_semaphore, #tpu.memory_space<semaphore_mem>>
      %dma_start3A_247 = arith.constant 0 : i32
      %dma_start3A_248 = tpu.memref_slice %arg17[%add3A_25, %dma_start3A_247] : memref<10240x64xf32, #tpu.memory_space<vmem_shared>> -> memref<128x64xf32, #tpu.memory_space<vmem_shared>>
      %dma_start3A_249 = arith.constant 0 : i32
      %dma_start3A_250 = tpu.memref_slice %arg17[%add3A_25, %dma_start3A_249] : memref<10240x64xf32, #tpu.memory_space<vmem_shared>> -> memref<128x64xf32, #tpu.memory_space<vmem_shared>>
      tpu.enqueue_dma source(%arg9 : memref<128x64xf32, #tpu.memory_space<vmem>>) target(%dma_start3A_250 : memref<128x64xf32, #tpu.memory_space<vmem_shared>>) target_semaphore(%run_scoped3A : memref<!tpu.dma_semaphore, #tpu.memory_space<semaphore_mem>>)
      %dma_wait3A_251 = arith.constant 0 : i32
      %dma_wait3A_252 = tpu.memref_slice %arg17[%add3A_25, %dma_wait3A_251] : memref<10240x64xf32, #tpu.memory_space<vmem_shared>> -> memref<128x64xf32, #tpu.memory_space<vmem_shared>>
      %dma_wait3A_253 = arith.constant 0 : i32
      %dma_wait3A_254 = tpu.memref_slice %arg17[%add3A_25, %dma_wait3A_253] : memref<10240x64xf32, #tpu.memory_space<vmem_shared>> -> memref<128x64xf32, #tpu.memory_space<vmem_shared>>
      tpu.wait_dma2 semaphore(%run_scoped3A : memref<!tpu.dma_semaphore, #tpu.memory_space<semaphore_mem>>) src(%arg9 : memref<128x64xf32, #tpu.memory_space<vmem>>) dst(%dma_wait3A_254 : memref<128x64xf32, #tpu.memory_space<vmem_shared>>)
      tpu.yield
    }) : () -> ()
    %mul3A_26 = arith.constant 80 : i32
    %mul3A_27 = arith.muli %add3A, %mul3A_26 : i32
    "tpu.region"() ({
      %run_scoped3A = tpu.sem_alloc : memref<!tpu.dma_semaphore, #tpu.memory_space<semaphore_mem>>
      %dma_start3A_247 = arith.constant 0 : i32
      %dma_start3A_248 = tpu.memref_slice %arg3[%mul3A_27, %dma_start3A_247] : memref<2560x128xi32, #tpu.memory_space<hbm>> -> memref<80x128xi32, #tpu.memory_space<hbm>>
      %dma_start3A_249 = arith.constant 0 : i32
      %dma_start3A_250 = tpu.memref_slice %arg3[%mul3A_27, %dma_start3A_249] : memref<2560x128xi32, #tpu.memory_space<hbm>> -> memref<80x128xi32, #tpu.memory_space<hbm>>
      tpu.enqueue_dma source(%dma_start3A_250 : memref<80x128xi32, #tpu.memory_space<hbm>>) target(%arg7 : memref<80x128xi32, #tpu.memory_space<vmem>>) target_semaphore(%run_scoped3A : memref<!tpu.dma_semaphore, #tpu.memory_space<semaphore_mem>>)
      %dma_wait3A_251 = arith.constant 0 : i32
      %dma_wait3A_252 = tpu.memref_slice %arg3[%mul3A_27, %dma_wait3A_251] : memref<2560x128xi32, #tpu.memory_space<hbm>> -> memref<80x128xi32, #tpu.memory_space<hbm>>
      %dma_wait3A_253 = arith.constant 0 : i32
      %dma_wait3A_254 = tpu.memref_slice %arg3[%mul3A_27, %dma_wait3A_253] : memref<2560x128xi32, #tpu.memory_space<hbm>> -> memref<80x128xi32, #tpu.memory_space<hbm>>
      tpu.wait_dma2 semaphore(%run_scoped3A : memref<!tpu.dma_semaphore, #tpu.memory_space<semaphore_mem>>) src(%dma_wait3A_254 : memref<80x128xi32, #tpu.memory_space<hbm>>) dst(%arg7 : memref<80x128xi32, #tpu.memory_space<vmem>>)
      tpu.yield
    }) : () -> ()
    "tpu.region"() ({
      %run_scoped3A = tpu.sem_alloc : memref<!tpu.dma_semaphore, #tpu.memory_space<semaphore_mem>>
      %dma_start3A_247 = arith.constant 0 : i32
      %dma_start3A_248 = tpu.memref_slice %arg4[%mul3A_27, %dma_start3A_247] : memref<2560x128xi32, #tpu.memory_space<hbm>> -> memref<80x128xi32, #tpu.memory_space<hbm>>
      %dma_start3A_249 = arith.constant 0 : i32
      %dma_start3A_250 = tpu.memref_slice %arg4[%mul3A_27, %dma_start3A_249] : memref<2560x128xi32, #tpu.memory_space<hbm>> -> memref<80x128xi32, #tpu.memory_space<hbm>>
      tpu.enqueue_dma source(%dma_start3A_250 : memref<80x128xi32, #tpu.memory_space<hbm>>) target(%arg8 : memref<80x128xi32, #tpu.memory_space<vmem>>) target_semaphore(%run_scoped3A : memref<!tpu.dma_semaphore, #tpu.memory_space<semaphore_mem>>)
      %dma_wait3A_251 = arith.constant 0 : i32
      %dma_wait3A_252 = tpu.memref_slice %arg4[%mul3A_27, %dma_wait3A_251] : memref<2560x128xi32, #tpu.memory_space<hbm>> -> memref<80x128xi32, #tpu.memory_space<hbm>>
      %dma_wait3A_253 = arith.constant 0 : i32
      %dma_wait3A_254 = tpu.memref_slice %arg4[%mul3A_27, %dma_wait3A_253] : memref<2560x128xi32, #tpu.memory_space<hbm>> -> memref<80x128xi32, #tpu.memory_space<hbm>>
      tpu.wait_dma2 semaphore(%run_scoped3A : memref<!tpu.dma_semaphore, #tpu.memory_space<semaphore_mem>>) src(%dma_wait3A_254 : memref<80x128xi32, #tpu.memory_space<hbm>>) dst(%arg8 : memref<80x128xi32, #tpu.memory_space<vmem>>)
      tpu.yield
    }) : () -> ()
    %barrier3A = arith.constant 0 : index
    tpu.barrier barrier_id(%barrier3A)
    %dma_start3A = arith.constant 0 : i32
    %dma_start3A_28 = arith.constant 0 : i32
    %dma_start3A_29 = tpu.memref_slice %arg7[%dma_start3A, %dma_start3A_28] : memref<80x128xi32, #tpu.memory_space<vmem>> -> memref<1x128xi32, #tpu.memory_space<vmem>>
    %dma_start3A_30 = tpu.memref_squeeze %dma_start3A_29 : memref<1x128xi32, #tpu.memory_space<vmem>> -> memref<128xi32, #tpu.memory_space<vmem>>
    %dma_start3A_31 = arith.constant 0 : i32
    %dma_start3A_32 = arith.constant 0 : i32
    %dma_start3A_33 = tpu.memref_slice %arg2[%dma_start3A_31, %dma_start3A_32] : memref<10240x64xf32, #tpu.memory_space<hbm>> -> memref<10240x64xf32, #tpu.memory_space<hbm>>
    tpu.enqueue_indirect_dma source(%dma_start3A_33 : memref<10240x64xf32, #tpu.memory_space<hbm>>) target(%arg9 : memref<128x64xf32, #tpu.memory_space<vmem>>) offsets(%dma_start3A_30 : memref<128xi32, #tpu.memory_space<vmem>>) semaphore(%arg18 : memref<!tpu.dma_semaphore, #tpu.memory_space<semaphore_mem>>)
    %dma_start3A_34 = arith.constant 1 : i32
    %dma_start3A_35 = arith.constant 0 : i32
    %dma_start3A_36 = tpu.memref_slice %arg7[%dma_start3A_34, %dma_start3A_35] : memref<80x128xi32, #tpu.memory_space<vmem>> -> memref<1x128xi32, #tpu.memory_space<vmem>>
    %dma_start3A_37 = tpu.memref_squeeze %dma_start3A_36 : memref<1x128xi32, #tpu.memory_space<vmem>> -> memref<128xi32, #tpu.memory_space<vmem>>
    %dma_start3A_38 = arith.constant 0 : i32
    %dma_start3A_39 = arith.constant 0 : i32
    %dma_start3A_40 = tpu.memref_slice %arg2[%dma_start3A_38, %dma_start3A_39] : memref<10240x64xf32, #tpu.memory_space<hbm>> -> memref<10240x64xf32, #tpu.memory_space<hbm>>
    tpu.enqueue_indirect_dma source(%dma_start3A_40 : memref<10240x64xf32, #tpu.memory_space<hbm>>) target(%arg10 : memref<128x64xf32, #tpu.memory_space<vmem>>) offsets(%dma_start3A_37 : memref<128xi32, #tpu.memory_space<vmem>>) semaphore(%arg19 : memref<!tpu.dma_semaphore, #tpu.memory_space<semaphore_mem>>)
    %dma_start3A_41 = arith.constant 2 : i32
    %dma_start3A_42 = arith.constant 0 : i32
    %dma_start3A_43 = tpu.memref_slice %arg7[%dma_start3A_41, %dma_start3A_42] : memref<80x128xi32, #tpu.memory_space<vmem>> -> memref<1x128xi32, #tpu.memory_space<vmem>>
    %dma_start3A_44 = tpu.memref_squeeze %dma_start3A_43 : memref<1x128xi32, #tpu.memory_space<vmem>> -> memref<128xi32, #tpu.memory_space<vmem>>
    %dma_start3A_45 = arith.constant 0 : i32
    %dma_start3A_46 = arith.constant 0 : i32
    %dma_start3A_47 = tpu.memref_slice %arg2[%dma_start3A_45, %dma_start3A_46] : memref<10240x64xf32, #tpu.memory_space<hbm>> -> memref<10240x64xf32, #tpu.memory_space<hbm>>
    tpu.enqueue_indirect_dma source(%dma_start3A_47 : memref<10240x64xf32, #tpu.memory_space<hbm>>) target(%arg11 : memref<128x64xf32, #tpu.memory_space<vmem>>) offsets(%dma_start3A_44 : memref<128xi32, #tpu.memory_space<vmem>>) semaphore(%arg20 : memref<!tpu.dma_semaphore, #tpu.memory_space<semaphore_mem>>)
    %dma_start3A_48 = arith.constant 3 : i32
    %dma_start3A_49 = arith.constant 0 : i32
    %dma_start3A_50 = tpu.memref_slice %arg7[%dma_start3A_48, %dma_start3A_49] : memref<80x128xi32, #tpu.memory_space<vmem>> -> memref<1x128xi32, #tpu.memory_space<vmem>>
    %dma_start3A_51 = tpu.memref_squeeze %dma_start3A_50 : memref<1x128xi32, #tpu.memory_space<vmem>> -> memref<128xi32, #tpu.memory_space<vmem>>
    %dma_start3A_52 = arith.constant 0 : i32
    %dma_start3A_53 = arith.constant 0 : i32
    %dma_start3A_54 = tpu.memref_slice %arg2[%dma_start3A_52, %dma_start3A_53] : memref<10240x64xf32, #tpu.memory_space<hbm>> -> memref<10240x64xf32, #tpu.memory_space<hbm>>
    tpu.enqueue_indirect_dma source(%dma_start3A_54 : memref<10240x64xf32, #tpu.memory_space<hbm>>) target(%arg12 : memref<128x64xf32, #tpu.memory_space<vmem>>) offsets(%dma_start3A_51 : memref<128xi32, #tpu.memory_space<vmem>>) semaphore(%arg21 : memref<!tpu.dma_semaphore, #tpu.memory_space<semaphore_mem>>)
    %dma_start3A_55 = arith.constant 4 : i32
    %dma_start3A_56 = arith.constant 0 : i32
    %dma_start3A_57 = tpu.memref_slice %arg7[%dma_start3A_55, %dma_start3A_56] : memref<80x128xi32, #tpu.memory_space<vmem>> -> memref<1x128xi32, #tpu.memory_space<vmem>>
    %dma_start3A_58 = tpu.memref_squeeze %dma_start3A_57 : memref<1x128xi32, #tpu.memory_space<vmem>> -> memref<128xi32, #tpu.memory_space<vmem>>
    %dma_start3A_59 = arith.constant 0 : i32
    %dma_start3A_60 = arith.constant 0 : i32
    %dma_start3A_61 = tpu.memref_slice %arg2[%dma_start3A_59, %dma_start3A_60] : memref<10240x64xf32, #tpu.memory_space<hbm>> -> memref<10240x64xf32, #tpu.memory_space<hbm>>
    tpu.enqueue_indirect_dma source(%dma_start3A_61 : memref<10240x64xf32, #tpu.memory_space<hbm>>) target(%arg13 : memref<128x64xf32, #tpu.memory_space<vmem>>) offsets(%dma_start3A_58 : memref<128xi32, #tpu.memory_space<vmem>>) semaphore(%arg22 : memref<!tpu.dma_semaphore, #tpu.memory_space<semaphore_mem>>)
    %dma_wait3A = arith.constant 0 : i32
    %dma_wait3A_62 = arith.constant 0 : i32
    %dma_wait3A_63 = tpu.memref_slice %arg2[%dma_wait3A, %dma_wait3A_62] : memref<10240x64xf32, #tpu.memory_space<hbm>> -> memref<128x64xf32, #tpu.memory_space<hbm>>
    %dma_wait3A_64 = arith.constant 0 : i32
    %dma_wait3A_65 = arith.constant 0 : i32
    %dma_wait3A_66 = tpu.memref_slice %arg2[%dma_wait3A_64, %dma_wait3A_65] : memref<10240x64xf32, #tpu.memory_space<hbm>> -> memref<128x64xf32, #tpu.memory_space<hbm>>
    tpu.wait_dma2 semaphore(%arg18 : memref<!tpu.dma_semaphore, #tpu.memory_space<semaphore_mem>>) src(%dma_wait3A_66 : memref<128x64xf32, #tpu.memory_space<hbm>>) dst(%arg9 : memref<128x64xf32, #tpu.memory_space<vmem>>)
    %dma_start3A_67 = arith.constant 0 : i32
    %dma_start3A_68 = arith.constant 0 : i32
    %dma_start3A_69 = tpu.memref_slice %arg8[%dma_start3A_67, %dma_start3A_68] : memref<80x128xi32, #tpu.memory_space<vmem>> -> memref<1x128xi32, #tpu.memory_space<vmem>>
    %dma_start3A_70 = tpu.memref_squeeze %dma_start3A_69 : memref<1x128xi32, #tpu.memory_space<vmem>> -> memref<128xi32, #tpu.memory_space<vmem>>
    %dma_start3A_71 = arith.constant 0 : i32
    %dma_start3A_72 = arith.constant 0 : i32
    %dma_start3A_73 = tpu.memref_slice %arg17[%dma_start3A_71, %dma_start3A_72] : memref<10240x64xf32, #tpu.memory_space<vmem_shared>> -> memref<10240x64xf32, #tpu.memory_space<vmem_shared>>
    tpu.enqueue_indirect_dma source(%arg9 : memref<128x64xf32, #tpu.memory_space<vmem>>) target(%dma_start3A_73 : memref<10240x64xf32, #tpu.memory_space<vmem_shared>>) offsets(%dma_start3A_70 : memref<128xi32, #tpu.memory_space<vmem>>) semaphore(%arg26 : memref<!tpu.dma_semaphore, #tpu.memory_space<semaphore_mem>>) {add = true}
    %dma_start3A_74 = arith.constant 5 : i32
    %dma_start3A_75 = arith.constant 0 : i32
    %dma_start3A_76 = tpu.memref_slice %arg7[%dma_start3A_74, %dma_start3A_75] : memref<80x128xi32, #tpu.memory_space<vmem>> -> memref<1x128xi32, #tpu.memory_space<vmem>>
    %dma_start3A_77 = tpu.memref_squeeze %dma_start3A_76 : memref<1x128xi32, #tpu.memory_space<vmem>> -> memref<128xi32, #tpu.memory_space<vmem>>
    %dma_start3A_78 = arith.constant 0 : i32
    %dma_start3A_79 = arith.constant 0 : i32
    %dma_start3A_80 = tpu.memref_slice %arg2[%dma_start3A_78, %dma_start3A_79] : memref<10240x64xf32, #tpu.memory_space<hbm>> -> memref<10240x64xf32, #tpu.memory_space<hbm>>
    tpu.enqueue_indirect_dma source(%dma_start3A_80 : memref<10240x64xf32, #tpu.memory_space<hbm>>) target(%arg14 : memref<128x64xf32, #tpu.memory_space<vmem>>) offsets(%dma_start3A_77 : memref<128xi32, #tpu.memory_space<vmem>>) semaphore(%arg23 : memref<!tpu.dma_semaphore, #tpu.memory_space<semaphore_mem>>)
    %dma_wait3A_81 = arith.constant 0 : i32
    %dma_wait3A_82 = arith.constant 0 : i32
    %dma_wait3A_83 = tpu.memref_slice %arg2[%dma_wait3A_81, %dma_wait3A_82] : memref<10240x64xf32, #tpu.memory_space<hbm>> -> memref<128x64xf32, #tpu.memory_space<hbm>>
    %dma_wait3A_84 = arith.constant 0 : i32
    %dma_wait3A_85 = arith.constant 0 : i32
    %dma_wait3A_86 = tpu.memref_slice %arg2[%dma_wait3A_84, %dma_wait3A_85] : memref<10240x64xf32, #tpu.memory_space<hbm>> -> memref<128x64xf32, #tpu.memory_space<hbm>>
    tpu.wait_dma2 semaphore(%arg19 : memref<!tpu.dma_semaphore, #tpu.memory_space<semaphore_mem>>) src(%dma_wait3A_86 : memref<128x64xf32, #tpu.memory_space<hbm>>) dst(%arg10 : memref<128x64xf32, #tpu.memory_space<vmem>>)
    %dma_start3A_87 = arith.constant 1 : i32
    %dma_start3A_88 = arith.constant 0 : i32
    %dma_start3A_89 = tpu.memref_slice %arg8[%dma_start3A_87, %dma_start3A_88] : memref<80x128xi32, #tpu.memory_space<vmem>> -> memref<1x128xi32, #tpu.memory_space<vmem>>
    %dma_start3A_90 = tpu.memref_squeeze %dma_start3A_89 : memref<1x128xi32, #tpu.memory_space<vmem>> -> memref<128xi32, #tpu.memory_space<vmem>>
    %dma_start3A_91 = arith.constant 0 : i32
    %dma_start3A_92 = arith.constant 0 : i32
    %dma_start3A_93 = tpu.memref_slice %arg17[%dma_start3A_91, %dma_start3A_92] : memref<10240x64xf32, #tpu.memory_space<vmem_shared>> -> memref<10240x64xf32, #tpu.memory_space<vmem_shared>>
    tpu.enqueue_indirect_dma source(%arg10 : memref<128x64xf32, #tpu.memory_space<vmem>>) target(%dma_start3A_93 : memref<10240x64xf32, #tpu.memory_space<vmem_shared>>) offsets(%dma_start3A_90 : memref<128xi32, #tpu.memory_space<vmem>>) semaphore(%arg27 : memref<!tpu.dma_semaphore, #tpu.memory_space<semaphore_mem>>) {add = true}
    %dma_start3A_94 = arith.constant 6 : i32
    %dma_start3A_95 = arith.constant 0 : i32
    %dma_start3A_96 = tpu.memref_slice %arg7[%dma_start3A_94, %dma_start3A_95] : memref<80x128xi32, #tpu.memory_space<vmem>> -> memref<1x128xi32, #tpu.memory_space<vmem>>
    %dma_start3A_97 = tpu.memref_squeeze %dma_start3A_96 : memref<1x128xi32, #tpu.memory_space<vmem>> -> memref<128xi32, #tpu.memory_space<vmem>>
    %dma_start3A_98 = arith.constant 0 : i32
    %dma_start3A_99 = arith.constant 0 : i32
    %dma_start3A_100 = tpu.memref_slice %arg2[%dma_start3A_98, %dma_start3A_99] : memref<10240x64xf32, #tpu.memory_space<hbm>> -> memref<10240x64xf32, #tpu.memory_space<hbm>>
    tpu.enqueue_indirect_dma source(%dma_start3A_100 : memref<10240x64xf32, #tpu.memory_space<hbm>>) target(%arg15 : memref<128x64xf32, #tpu.memory_space<vmem>>) offsets(%dma_start3A_97 : memref<128xi32, #tpu.memory_space<vmem>>) semaphore(%arg24 : memref<!tpu.dma_semaphore, #tpu.memory_space<semaphore_mem>>)
    %dma_wait3A_101 = arith.constant 0 : i32
    %dma_wait3A_102 = arith.constant 0 : i32
    %dma_wait3A_103 = tpu.memref_slice %arg2[%dma_wait3A_101, %dma_wait3A_102] : memref<10240x64xf32, #tpu.memory_space<hbm>> -> memref<128x64xf32, #tpu.memory_space<hbm>>
    %dma_wait3A_104 = arith.constant 0 : i32
    %dma_wait3A_105 = arith.constant 0 : i32
    %dma_wait3A_106 = tpu.memref_slice %arg2[%dma_wait3A_104, %dma_wait3A_105] : memref<10240x64xf32, #tpu.memory_space<hbm>> -> memref<128x64xf32, #tpu.memory_space<hbm>>
    tpu.wait_dma2 semaphore(%arg20 : memref<!tpu.dma_semaphore, #tpu.memory_space<semaphore_mem>>) src(%dma_wait3A_106 : memref<128x64xf32, #tpu.memory_space<hbm>>) dst(%arg11 : memref<128x64xf32, #tpu.memory_space<vmem>>)
    %dma_start3A_107 = arith.constant 2 : i32
    %dma_start3A_108 = arith.constant 0 : i32
    %dma_start3A_109 = tpu.memref_slice %arg8[%dma_start3A_107, %dma_start3A_108] : memref<80x128xi32, #tpu.memory_space<vmem>> -> memref<1x128xi32, #tpu.memory_space<vmem>>
    %dma_start3A_110 = tpu.memref_squeeze %dma_start3A_109 : memref<1x128xi32, #tpu.memory_space<vmem>> -> memref<128xi32, #tpu.memory_space<vmem>>
    %dma_start3A_111 = arith.constant 0 : i32
    %dma_start3A_112 = arith.constant 0 : i32
    %dma_start3A_113 = tpu.memref_slice %arg17[%dma_start3A_111, %dma_start3A_112] : memref<10240x64xf32, #tpu.memory_space<vmem_shared>> -> memref<10240x64xf32, #tpu.memory_space<vmem_shared>>
    tpu.enqueue_indirect_dma source(%arg11 : memref<128x64xf32, #tpu.memory_space<vmem>>) target(%dma_start3A_113 : memref<10240x64xf32, #tpu.memory_space<vmem_shared>>) offsets(%dma_start3A_110 : memref<128xi32, #tpu.memory_space<vmem>>) semaphore(%arg28 : memref<!tpu.dma_semaphore, #tpu.memory_space<semaphore_mem>>) {add = true}
    %dma_start3A_114 = arith.constant 7 : i32
    %dma_start3A_115 = arith.constant 0 : i32
    %dma_start3A_116 = tpu.memref_slice %arg7[%dma_start3A_114, %dma_start3A_115] : memref<80x128xi32, #tpu.memory_space<vmem>> -> memref<1x128xi32, #tpu.memory_space<vmem>>
    %dma_start3A_117 = tpu.memref_squeeze %dma_start3A_116 : memref<1x128xi32, #tpu.memory_space<vmem>> -> memref<128xi32, #tpu.memory_space<vmem>>
    %dma_start3A_118 = arith.constant 0 : i32
    %dma_start3A_119 = arith.constant 0 : i32
    %dma_start3A_120 = tpu.memref_slice %arg2[%dma_start3A_118, %dma_start3A_119] : memref<10240x64xf32, #tpu.memory_space<hbm>> -> memref<10240x64xf32, #tpu.memory_space<hbm>>
    tpu.enqueue_indirect_dma source(%dma_start3A_120 : memref<10240x64xf32, #tpu.memory_space<hbm>>) target(%arg16 : memref<128x64xf32, #tpu.memory_space<vmem>>) offsets(%dma_start3A_117 : memref<128xi32, #tpu.memory_space<vmem>>) semaphore(%arg25 : memref<!tpu.dma_semaphore, #tpu.memory_space<semaphore_mem>>)
    %dma_wait3A_121 = arith.constant 0 : i32
    %dma_wait3A_122 = arith.constant 0 : i32
    %dma_wait3A_123 = tpu.memref_slice %arg2[%dma_wait3A_121, %dma_wait3A_122] : memref<10240x64xf32, #tpu.memory_space<hbm>> -> memref<128x64xf32, #tpu.memory_space<hbm>>
    %dma_wait3A_124 = arith.constant 0 : i32
    %dma_wait3A_125 = arith.constant 0 : i32
    %dma_wait3A_126 = tpu.memref_slice %arg2[%dma_wait3A_124, %dma_wait3A_125] : memref<10240x64xf32, #tpu.memory_space<hbm>> -> memref<128x64xf32, #tpu.memory_space<hbm>>
    tpu.wait_dma2 semaphore(%arg21 : memref<!tpu.dma_semaphore, #tpu.memory_space<semaphore_mem>>) src(%dma_wait3A_126 : memref<128x64xf32, #tpu.memory_space<hbm>>) dst(%arg12 : memref<128x64xf32, #tpu.memory_space<vmem>>)
    %dma_start3A_127 = arith.constant 3 : i32
    %dma_start3A_128 = arith.constant 0 : i32
    %dma_start3A_129 = tpu.memref_slice %arg8[%dma_start3A_127, %dma_start3A_128] : memref<80x128xi32, #tpu.memory_space<vmem>> -> memref<1x128xi32, #tpu.memory_space<vmem>>
    %dma_start3A_130 = tpu.memref_squeeze %dma_start3A_129 : memref<1x128xi32, #tpu.memory_space<vmem>> -> memref<128xi32, #tpu.memory_space<vmem>>
    %dma_start3A_131 = arith.constant 0 : i32
    %dma_start3A_132 = arith.constant 0 : i32
    %dma_start3A_133 = tpu.memref_slice %arg17[%dma_start3A_131, %dma_start3A_132] : memref<10240x64xf32, #tpu.memory_space<vmem_shared>> -> memref<10240x64xf32, #tpu.memory_space<vmem_shared>>
    tpu.enqueue_indirect_dma source(%arg12 : memref<128x64xf32, #tpu.memory_space<vmem>>) target(%dma_start3A_133 : memref<10240x64xf32, #tpu.memory_space<vmem_shared>>) offsets(%dma_start3A_130 : memref<128xi32, #tpu.memory_space<vmem>>) semaphore(%arg29 : memref<!tpu.dma_semaphore, #tpu.memory_space<semaphore_mem>>) {add = true}
    %scan3A_134 = arith.constant 0 : i32
    %scan3A_135 = arith.constant 9 : i32
    %scan3A_136 = arith.addi %scan3A_134, %scan3A_135 : i32
    %scan3A_137 = arith.constant 1 : i32
    scf.for %scan3A_247 = %scan3A_134 to %scan3A_136 step %scan3A_137  : i32 {
      %mul3A_248 = arith.constant 8 : i32
      %mul3A_249 = arith.muli %scan3A_247, %mul3A_248 : i32
      %add3A_250 = arith.constant 4 : i32
      %add3A_251 = arith.addi %add3A_250, %mul3A_249 : i32
      %add3A_252 = arith.constant 0 : i32
      %add3A_253 = arith.addi %add3A_251, %add3A_252 : i32
      %dma_wait3A_254 = arith.constant 0 : i32
      %dma_wait3A_255 = arith.constant 0 : i32
      %dma_wait3A_256 = tpu.memref_slice %arg17[%dma_wait3A_254, %dma_wait3A_255] : memref<10240x64xf32, #tpu.memory_space<vmem_shared>> -> memref<128x64xf32, #tpu.memory_space<vmem_shared>>
      %dma_wait3A_257 = arith.constant 0 : i32
      %dma_wait3A_258 = arith.constant 0 : i32
      %dma_wait3A_259 = tpu.memref_slice %arg17[%dma_wait3A_257, %dma_wait3A_258] : memref<10240x64xf32, #tpu.memory_space<vmem_shared>> -> memref<128x64xf32, #tpu.memory_space<vmem_shared>>
      tpu.wait_dma2 semaphore(%arg26 : memref<!tpu.dma_semaphore, #tpu.memory_space<semaphore_mem>>) src(%arg9 : memref<128x64xf32, #tpu.memory_space<vmem>>) dst(%dma_wait3A_259 : memref<128x64xf32, #tpu.memory_space<vmem_shared>>)
      %add3A_260 = arith.constant 4 : i32
      %add3A_261 = arith.addi %add3A_253, %add3A_260 : i32
      %dma_start3A_262 = arith.constant 0 : i32
      %dma_start3A_263 = tpu.memref_slice %arg7[%add3A_261, %dma_start3A_262] : memref<80x128xi32, #tpu.memory_space<vmem>> -> memref<1x128xi32, #tpu.memory_space<vmem>>
      %dma_start3A_264 = tpu.memref_squeeze %dma_start3A_263 : memref<1x128xi32, #tpu.memory_space<vmem>> -> memref<128xi32, #tpu.memory_space<vmem>>
      %dma_start3A_265 = arith.constant 0 : i32
      %dma_start3A_266 = arith.constant 0 : i32
      %dma_start3A_267 = tpu.memref_slice %arg2[%dma_start3A_265, %dma_start3A_266] : memref<10240x64xf32, #tpu.memory_space<hbm>> -> memref<10240x64xf32, #tpu.memory_space<hbm>>
      tpu.enqueue_indirect_dma source(%dma_start3A_267 : memref<10240x64xf32, #tpu.memory_space<hbm>>) target(%arg9 : memref<128x64xf32, #tpu.memory_space<vmem>>) offsets(%dma_start3A_264 : memref<128xi32, #tpu.memory_space<vmem>>) semaphore(%arg18 : memref<!tpu.dma_semaphore, #tpu.memory_space<semaphore_mem>>)
      %dma_wait3A_268 = arith.constant 0 : i32
      %dma_wait3A_269 = arith.constant 0 : i32
      %dma_wait3A_270 = tpu.memref_slice %arg2[%dma_wait3A_268, %dma_wait3A_269] : memref<10240x64xf32, #tpu.memory_space<hbm>> -> memref<128x64xf32, #tpu.memory_space<hbm>>
      %dma_wait3A_271 = arith.constant 0 : i32
      %dma_wait3A_272 = arith.constant 0 : i32
      %dma_wait3A_273 = tpu.memref_slice %arg2[%dma_wait3A_271, %dma_wait3A_272] : memref<10240x64xf32, #tpu.memory_space<hbm>> -> memref<128x64xf32, #tpu.memory_space<hbm>>
      tpu.wait_dma2 semaphore(%arg22 : memref<!tpu.dma_semaphore, #tpu.memory_space<semaphore_mem>>) src(%dma_wait3A_273 : memref<128x64xf32, #tpu.memory_space<hbm>>) dst(%arg13 : memref<128x64xf32, #tpu.memory_space<vmem>>)
      %dma_start3A_274 = arith.constant 0 : i32
      %dma_start3A_275 = tpu.memref_slice %arg8[%add3A_253, %dma_start3A_274] : memref<80x128xi32, #tpu.memory_space<vmem>> -> memref<1x128xi32, #tpu.memory_space<vmem>>
      %dma_start3A_276 = tpu.memref_squeeze %dma_start3A_275 : memref<1x128xi32, #tpu.memory_space<vmem>> -> memref<128xi32, #tpu.memory_space<vmem>>
      %dma_start3A_277 = arith.constant 0 : i32
      %dma_start3A_278 = arith.constant 0 : i32
      %dma_start3A_279 = tpu.memref_slice %arg17[%dma_start3A_277, %dma_start3A_278] : memref<10240x64xf32, #tpu.memory_space<vmem_shared>> -> memref<10240x64xf32, #tpu.memory_space<vmem_shared>>
      tpu.enqueue_indirect_dma source(%arg13 : memref<128x64xf32, #tpu.memory_space<vmem>>) target(%dma_start3A_279 : memref<10240x64xf32, #tpu.memory_space<vmem_shared>>) offsets(%dma_start3A_276 : memref<128xi32, #tpu.memory_space<vmem>>) semaphore(%arg30 : memref<!tpu.dma_semaphore, #tpu.memory_space<semaphore_mem>>) {add = true}
      %mul3A_280 = arith.constant 8 : i32
      %mul3A_281 = arith.muli %scan3A_247, %mul3A_280 : i32
      %add3A_282 = arith.constant 4 : i32
      %add3A_283 = arith.addi %add3A_282, %mul3A_281 : i32
      %add3A_284 = arith.constant 1 : i32
      %add3A_285 = arith.addi %add3A_283, %add3A_284 : i32
      %dma_wait3A_286 = arith.constant 0 : i32
      %dma_wait3A_287 = arith.constant 0 : i32
      %dma_wait3A_288 = tpu.memref_slice %arg17[%dma_wait3A_286, %dma_wait3A_287] : memref<10240x64xf32, #tpu.memory_space<vmem_shared>> -> memref<128x64xf32, #tpu.memory_space<vmem_shared>>
      %dma_wait3A_289 = arith.constant 0 : i32
      %dma_wait3A_290 = arith.constant 0 : i32
      %dma_wait3A_291 = tpu.memref_slice %arg17[%dma_wait3A_289, %dma_wait3A_290] : memref<10240x64xf32, #tpu.memory_space<vmem_shared>> -> memref<128x64xf32, #tpu.memory_space<vmem_shared>>
      tpu.wait_dma2 semaphore(%arg27 : memref<!tpu.dma_semaphore, #tpu.memory_space<semaphore_mem>>) src(%arg10 : memref<128x64xf32, #tpu.memory_space<vmem>>) dst(%dma_wait3A_291 : memref<128x64xf32, #tpu.memory_space<vmem_shared>>)
      %add3A_292 = arith.constant 4 : i32
      %add3A_293 = arith.addi %add3A_285, %add3A_292 : i32
      %dma_start3A_294 = arith.constant 0 : i32
      %dma_start3A_295 = tpu.memref_slice %arg7[%add3A_293, %dma_start3A_294] : memref<80x128xi32, #tpu.memory_space<vmem>> -> memref<1x128xi32, #tpu.memory_space<vmem>>
      %dma_start3A_296 = tpu.memref_squeeze %dma_start3A_295 : memref<1x128xi32, #tpu.memory_space<vmem>> -> memref<128xi32, #tpu.memory_space<vmem>>
      %dma_start3A_297 = arith.constant 0 : i32
      %dma_start3A_298 = arith.constant 0 : i32
      %dma_start3A_299 = tpu.memref_slice %arg2[%dma_start3A_297, %dma_start3A_298] : memref<10240x64xf32, #tpu.memory_space<hbm>> -> memref<10240x64xf32, #tpu.memory_space<hbm>>
      tpu.enqueue_indirect_dma source(%dma_start3A_299 : memref<10240x64xf32, #tpu.memory_space<hbm>>) target(%arg10 : memref<128x64xf32, #tpu.memory_space<vmem>>) offsets(%dma_start3A_296 : memref<128xi32, #tpu.memory_space<vmem>>) semaphore(%arg19 : memref<!tpu.dma_semaphore, #tpu.memory_space<semaphore_mem>>)
      %dma_wait3A_300 = arith.constant 0 : i32
      %dma_wait3A_301 = arith.constant 0 : i32
      %dma_wait3A_302 = tpu.memref_slice %arg2[%dma_wait3A_300, %dma_wait3A_301] : memref<10240x64xf32, #tpu.memory_space<hbm>> -> memref<128x64xf32, #tpu.memory_space<hbm>>
      %dma_wait3A_303 = arith.constant 0 : i32
      %dma_wait3A_304 = arith.constant 0 : i32
      %dma_wait3A_305 = tpu.memref_slice %arg2[%dma_wait3A_303, %dma_wait3A_304] : memref<10240x64xf32, #tpu.memory_space<hbm>> -> memref<128x64xf32, #tpu.memory_space<hbm>>
      tpu.wait_dma2 semaphore(%arg23 : memref<!tpu.dma_semaphore, #tpu.memory_space<semaphore_mem>>) src(%dma_wait3A_305 : memref<128x64xf32, #tpu.memory_space<hbm>>) dst(%arg14 : memref<128x64xf32, #tpu.memory_space<vmem>>)
      %dma_start3A_306 = arith.constant 0 : i32
      %dma_start3A_307 = tpu.memref_slice %arg8[%add3A_285, %dma_start3A_306] : memref<80x128xi32, #tpu.memory_space<vmem>> -> memref<1x128xi32, #tpu.memory_space<vmem>>
      %dma_start3A_308 = tpu.memref_squeeze %dma_start3A_307 : memref<1x128xi32, #tpu.memory_space<vmem>> -> memref<128xi32, #tpu.memory_space<vmem>>
      %dma_start3A_309 = arith.constant 0 : i32
      %dma_start3A_310 = arith.constant 0 : i32
      %dma_start3A_311 = tpu.memref_slice %arg17[%dma_start3A_309, %dma_start3A_310] : memref<10240x64xf32, #tpu.memory_space<vmem_shared>> -> memref<10240x64xf32, #tpu.memory_space<vmem_shared>>
      tpu.enqueue_indirect_dma source(%arg14 : memref<128x64xf32, #tpu.memory_space<vmem>>) target(%dma_start3A_311 : memref<10240x64xf32, #tpu.memory_space<vmem_shared>>) offsets(%dma_start3A_308 : memref<128xi32, #tpu.memory_space<vmem>>) semaphore(%arg31 : memref<!tpu.dma_semaphore, #tpu.memory_space<semaphore_mem>>) {add = true}
      %mul3A_312 = arith.constant 8 : i32
      %mul3A_313 = arith.muli %scan3A_247, %mul3A_312 : i32
      %add3A_314 = arith.constant 4 : i32
      %add3A_315 = arith.addi %add3A_314, %mul3A_313 : i32
      %add3A_316 = arith.constant 2 : i32
      %add3A_317 = arith.addi %add3A_315, %add3A_316 : i32
      %dma_wait3A_318 = arith.constant 0 : i32
      %dma_wait3A_319 = arith.constant 0 : i32
      %dma_wait3A_320 = tpu.memref_slice %arg17[%dma_wait3A_318, %dma_wait3A_319] : memref<10240x64xf32, #tpu.memory_space<vmem_shared>> -> memref<128x64xf32, #tpu.memory_space<vmem_shared>>
      %dma_wait3A_321 = arith.constant 0 : i32
      %dma_wait3A_322 = arith.constant 0 : i32
      %dma_wait3A_323 = tpu.memref_slice %arg17[%dma_wait3A_321, %dma_wait3A_322] : memref<10240x64xf32, #tpu.memory_space<vmem_shared>> -> memref<128x64xf32, #tpu.memory_space<vmem_shared>>
      tpu.wait_dma2 semaphore(%arg28 : memref<!tpu.dma_semaphore, #tpu.memory_space<semaphore_mem>>) src(%arg11 : memref<128x64xf32, #tpu.memory_space<vmem>>) dst(%dma_wait3A_323 : memref<128x64xf32, #tpu.memory_space<vmem_shared>>)
      %add3A_324 = arith.constant 4 : i32
      %add3A_325 = arith.addi %add3A_317, %add3A_324 : i32
      %dma_start3A_326 = arith.constant 0 : i32
      %dma_start3A_327 = tpu.memref_slice %arg7[%add3A_325, %dma_start3A_326] : memref<80x128xi32, #tpu.memory_space<vmem>> -> memref<1x128xi32, #tpu.memory_space<vmem>>
      %dma_start3A_328 = tpu.memref_squeeze %dma_start3A_327 : memref<1x128xi32, #tpu.memory_space<vmem>> -> memref<128xi32, #tpu.memory_space<vmem>>
      %dma_start3A_329 = arith.constant 0 : i32
      %dma_start3A_330 = arith.constant 0 : i32
      %dma_start3A_331 = tpu.memref_slice %arg2[%dma_start3A_329, %dma_start3A_330] : memref<10240x64xf32, #tpu.memory_space<hbm>> -> memref<10240x64xf32, #tpu.memory_space<hbm>>
      tpu.enqueue_indirect_dma source(%dma_start3A_331 : memref<10240x64xf32, #tpu.memory_space<hbm>>) target(%arg11 : memref<128x64xf32, #tpu.memory_space<vmem>>) offsets(%dma_start3A_328 : memref<128xi32, #tpu.memory_space<vmem>>) semaphore(%arg20 : memref<!tpu.dma_semaphore, #tpu.memory_space<semaphore_mem>>)
      %dma_wait3A_332 = arith.constant 0 : i32
      %dma_wait3A_333 = arith.constant 0 : i32
      %dma_wait3A_334 = tpu.memref_slice %arg2[%dma_wait3A_332, %dma_wait3A_333] : memref<10240x64xf32, #tpu.memory_space<hbm>> -> memref<128x64xf32, #tpu.memory_space<hbm>>
      %dma_wait3A_335 = arith.constant 0 : i32
      %dma_wait3A_336 = arith.constant 0 : i32
      %dma_wait3A_337 = tpu.memref_slice %arg2[%dma_wait3A_335, %dma_wait3A_336] : memref<10240x64xf32, #tpu.memory_space<hbm>> -> memref<128x64xf32, #tpu.memory_space<hbm>>
      tpu.wait_dma2 semaphore(%arg24 : memref<!tpu.dma_semaphore, #tpu.memory_space<semaphore_mem>>) src(%dma_wait3A_337 : memref<128x64xf32, #tpu.memory_space<hbm>>) dst(%arg15 : memref<128x64xf32, #tpu.memory_space<vmem>>)
      %dma_start3A_338 = arith.constant 0 : i32
      %dma_start3A_339 = tpu.memref_slice %arg8[%add3A_317, %dma_start3A_338] : memref<80x128xi32, #tpu.memory_space<vmem>> -> memref<1x128xi32, #tpu.memory_space<vmem>>
      %dma_start3A_340 = tpu.memref_squeeze %dma_start3A_339 : memref<1x128xi32, #tpu.memory_space<vmem>> -> memref<128xi32, #tpu.memory_space<vmem>>
      %dma_start3A_341 = arith.constant 0 : i32
      %dma_start3A_342 = arith.constant 0 : i32
      %dma_start3A_343 = tpu.memref_slice %arg17[%dma_start3A_341, %dma_start3A_342] : memref<10240x64xf32, #tpu.memory_space<vmem_shared>> -> memref<10240x64xf32, #tpu.memory_space<vmem_shared>>
      tpu.enqueue_indirect_dma source(%arg15 : memref<128x64xf32, #tpu.memory_space<vmem>>) target(%dma_start3A_343 : memref<10240x64xf32, #tpu.memory_space<vmem_shared>>) offsets(%dma_start3A_340 : memref<128xi32, #tpu.memory_space<vmem>>) semaphore(%arg32 : memref<!tpu.dma_semaphore, #tpu.memory_space<semaphore_mem>>) {add = true}
      %mul3A_344 = arith.constant 8 : i32
      %mul3A_345 = arith.muli %scan3A_247, %mul3A_344 : i32
      %add3A_346 = arith.constant 4 : i32
      %add3A_347 = arith.addi %add3A_346, %mul3A_345 : i32
      %add3A_348 = arith.constant 3 : i32
      %add3A_349 = arith.addi %add3A_347, %add3A_348 : i32
      %dma_wait3A_350 = arith.constant 0 : i32
      %dma_wait3A_351 = arith.constant 0 : i32
      %dma_wait3A_352 = tpu.memref_slice %arg17[%dma_wait3A_350, %dma_wait3A_351] : memref<10240x64xf32, #tpu.memory_space<vmem_shared>> -> memref<128x64xf32, #tpu.memory_space<vmem_shared>>
      %dma_wait3A_353 = arith.constant 0 : i32
      %dma_wait3A_354 = arith.constant 0 : i32
      %dma_wait3A_355 = tpu.memref_slice %arg17[%dma_wait3A_353, %dma_wait3A_354] : memref<10240x64xf32, #tpu.memory_space<vmem_shared>> -> memref<128x64xf32, #tpu.memory_space<vmem_shared>>
      tpu.wait_dma2 semaphore(%arg29 : memref<!tpu.dma_semaphore, #tpu.memory_space<semaphore_mem>>) src(%arg12 : memref<128x64xf32, #tpu.memory_space<vmem>>) dst(%dma_wait3A_355 : memref<128x64xf32, #tpu.memory_space<vmem_shared>>)
      %add3A_356 = arith.constant 4 : i32
      %add3A_357 = arith.addi %add3A_349, %add3A_356 : i32
      %dma_start3A_358 = arith.constant 0 : i32
      %dma_start3A_359 = tpu.memref_slice %arg7[%add3A_357, %dma_start3A_358] : memref<80x128xi32, #tpu.memory_space<vmem>> -> memref<1x128xi32, #tpu.memory_space<vmem>>
      %dma_start3A_360 = tpu.memref_squeeze %dma_start3A_359 : memref<1x128xi32, #tpu.memory_space<vmem>> -> memref<128xi32, #tpu.memory_space<vmem>>
      %dma_start3A_361 = arith.constant 0 : i32
      %dma_start3A_362 = arith.constant 0 : i32
      %dma_start3A_363 = tpu.memref_slice %arg2[%dma_start3A_361, %dma_start3A_362] : memref<10240x64xf32, #tpu.memory_space<hbm>> -> memref<10240x64xf32, #tpu.memory_space<hbm>>
      tpu.enqueue_indirect_dma source(%dma_start3A_363 : memref<10240x64xf32, #tpu.memory_space<hbm>>) target(%arg12 : memref<128x64xf32, #tpu.memory_space<vmem>>) offsets(%dma_start3A_360 : memref<128xi32, #tpu.memory_space<vmem>>) semaphore(%arg21 : memref<!tpu.dma_semaphore, #tpu.memory_space<semaphore_mem>>)
      %dma_wait3A_364 = arith.constant 0 : i32
      %dma_wait3A_365 = arith.constant 0 : i32
      %dma_wait3A_366 = tpu.memref_slice %arg2[%dma_wait3A_364, %dma_wait3A_365] : memref<10240x64xf32, #tpu.memory_space<hbm>> -> memref<128x64xf32, #tpu.memory_space<hbm>>
      %dma_wait3A_367 = arith.constant 0 : i32
      %dma_wait3A_368 = arith.constant 0 : i32
      %dma_wait3A_369 = tpu.memref_slice %arg2[%dma_wait3A_367, %dma_wait3A_368] : memref<10240x64xf32, #tpu.memory_space<hbm>> -> memref<128x64xf32, #tpu.memory_space<hbm>>
      tpu.wait_dma2 semaphore(%arg25 : memref<!tpu.dma_semaphore, #tpu.memory_space<semaphore_mem>>) src(%dma_wait3A_369 : memref<128x64xf32, #tpu.memory_space<hbm>>) dst(%arg16 : memref<128x64xf32, #tpu.memory_space<vmem>>)
      %dma_start3A_370 = arith.constant 0 : i32
      %dma_start3A_371 = tpu.memref_slice %arg8[%add3A_349, %dma_start3A_370] : memref<80x128xi32, #tpu.memory_space<vmem>> -> memref<1x128xi32, #tpu.memory_space<vmem>>
      %dma_start3A_372 = tpu.memref_squeeze %dma_start3A_371 : memref<1x128xi32, #tpu.memory_space<vmem>> -> memref<128xi32, #tpu.memory_space<vmem>>
      %dma_start3A_373 = arith.constant 0 : i32
      %dma_start3A_374 = arith.constant 0 : i32
      %dma_start3A_375 = tpu.memref_slice %arg17[%dma_start3A_373, %dma_start3A_374] : memref<10240x64xf32, #tpu.memory_space<vmem_shared>> -> memref<10240x64xf32, #tpu.memory_space<vmem_shared>>
      tpu.enqueue_indirect_dma source(%arg16 : memref<128x64xf32, #tpu.memory_space<vmem>>) target(%dma_start3A_375 : memref<10240x64xf32, #tpu.memory_space<vmem_shared>>) offsets(%dma_start3A_372 : memref<128xi32, #tpu.memory_space<vmem>>) semaphore(%arg33 : memref<!tpu.dma_semaphore, #tpu.memory_space<semaphore_mem>>) {add = true}
      %mul3A_376 = arith.constant 8 : i32
      %mul3A_377 = arith.muli %scan3A_247, %mul3A_376 : i32
      %add3A_378 = arith.constant 4 : i32
      %add3A_379 = arith.addi %add3A_378, %mul3A_377 : i32
      %add3A_380 = arith.constant 4 : i32
      %add3A_381 = arith.addi %add3A_379, %add3A_380 : i32
      %dma_wait3A_382 = arith.constant 0 : i32
      %dma_wait3A_383 = arith.constant 0 : i32
      %dma_wait3A_384 = tpu.memref_slice %arg17[%dma_wait3A_382, %dma_wait3A_383] : memref<10240x64xf32, #tpu.memory_space<vmem_shared>> -> memref<128x64xf32, #tpu.memory_space<vmem_shared>>
      %dma_wait3A_385 = arith.constant 0 : i32
      %dma_wait3A_386 = arith.constant 0 : i32
      %dma_wait3A_387 = tpu.memref_slice %arg17[%dma_wait3A_385, %dma_wait3A_386] : memref<10240x64xf32, #tpu.memory_space<vmem_shared>> -> memref<128x64xf32, #tpu.memory_space<vmem_shared>>
      tpu.wait_dma2 semaphore(%arg30 : memref<!tpu.dma_semaphore, #tpu.memory_space<semaphore_mem>>) src(%arg13 : memref<128x64xf32, #tpu.memory_space<vmem>>) dst(%dma_wait3A_387 : memref<128x64xf32, #tpu.memory_space<vmem_shared>>)
      %add3A_388 = arith.constant 4 : i32
      %add3A_389 = arith.addi %add3A_381, %add3A_388 : i32
      %dma_start3A_390 = arith.constant 0 : i32
      %dma_start3A_391 = tpu.memref_slice %arg7[%add3A_389, %dma_start3A_390] : memref<80x128xi32, #tpu.memory_space<vmem>> -> memref<1x128xi32, #tpu.memory_space<vmem>>
      %dma_start3A_392 = tpu.memref_squeeze %dma_start3A_391 : memref<1x128xi32, #tpu.memory_space<vmem>> -> memref<128xi32, #tpu.memory_space<vmem>>
      %dma_start3A_393 = arith.constant 0 : i32
      %dma_start3A_394 = arith.constant 0 : i32
      %dma_start3A_395 = tpu.memref_slice %arg2[%dma_start3A_393, %dma_start3A_394] : memref<10240x64xf32, #tpu.memory_space<hbm>> -> memref<10240x64xf32, #tpu.memory_space<hbm>>
      tpu.enqueue_indirect_dma source(%dma_start3A_395 : memref<10240x64xf32, #tpu.memory_space<hbm>>) target(%arg13 : memref<128x64xf32, #tpu.memory_space<vmem>>) offsets(%dma_start3A_392 : memref<128xi32, #tpu.memory_space<vmem>>) semaphore(%arg22 : memref<!tpu.dma_semaphore, #tpu.memory_space<semaphore_mem>>)
      %dma_wait3A_396 = arith.constant 0 : i32
      %dma_wait3A_397 = arith.constant 0 : i32
      %dma_wait3A_398 = tpu.memref_slice %arg2[%dma_wait3A_396, %dma_wait3A_397] : memref<10240x64xf32, #tpu.memory_space<hbm>> -> memref<128x64xf32, #tpu.memory_space<hbm>>
      %dma_wait3A_399 = arith.constant 0 : i32
      %dma_wait3A_400 = arith.constant 0 : i32
      %dma_wait3A_401 = tpu.memref_slice %arg2[%dma_wait3A_399, %dma_wait3A_400] : memref<10240x64xf32, #tpu.memory_space<hbm>> -> memref<128x64xf32, #tpu.memory_space<hbm>>
      tpu.wait_dma2 semaphore(%arg18 : memref<!tpu.dma_semaphore, #tpu.memory_space<semaphore_mem>>) src(%dma_wait3A_401 : memref<128x64xf32, #tpu.memory_space<hbm>>) dst(%arg9 : memref<128x64xf32, #tpu.memory_space<vmem>>)
      %dma_start3A_402 = arith.constant 0 : i32
      %dma_start3A_403 = tpu.memref_slice %arg8[%add3A_381, %dma_start3A_402] : memref<80x128xi32, #tpu.memory_space<vmem>> -> memref<1x128xi32, #tpu.memory_space<vmem>>
      %dma_start3A_404 = tpu.memref_squeeze %dma_start3A_403 : memref<1x128xi32, #tpu.memory_space<vmem>> -> memref<128xi32, #tpu.memory_space<vmem>>
      %dma_start3A_405 = arith.constant 0 : i32
      %dma_start3A_406 = arith.constant 0 : i32
      %dma_start3A_407 = tpu.memref_slice %arg17[%dma_start3A_405, %dma_start3A_406] : memref<10240x64xf32, #tpu.memory_space<vmem_shared>> -> memref<10240x64xf32, #tpu.memory_space<vmem_shared>>
      tpu.enqueue_indirect_dma source(%arg9 : memref<128x64xf32, #tpu.memory_space<vmem>>) target(%dma_start3A_407 : memref<10240x64xf32, #tpu.memory_space<vmem_shared>>) offsets(%dma_start3A_404 : memref<128xi32, #tpu.memory_space<vmem>>) semaphore(%arg26 : memref<!tpu.dma_semaphore, #tpu.memory_space<semaphore_mem>>) {add = true}
      %mul3A_408 = arith.constant 8 : i32
      %mul3A_409 = arith.muli %scan3A_247, %mul3A_408 : i32
      %add3A_410 = arith.constant 4 : i32
      %add3A_411 = arith.addi %add3A_410, %mul3A_409 : i32
      %add3A_412 = arith.constant 5 : i32
      %add3A_413 = arith.addi %add3A_411, %add3A_412 : i32
      %dma_wait3A_414 = arith.constant 0 : i32
      %dma_wait3A_415 = arith.constant 0 : i32
      %dma_wait3A_416 = tpu.memref_slice %arg17[%dma_wait3A_414, %dma_wait3A_415] : memref<10240x64xf32, #tpu.memory_space<vmem_shared>> -> memref<128x64xf32, #tpu.memory_space<vmem_shared>>
      %dma_wait3A_417 = arith.constant 0 : i32
      %dma_wait3A_418 = arith.constant 0 : i32
      %dma_wait3A_419 = tpu.memref_slice %arg17[%dma_wait3A_417, %dma_wait3A_418] : memref<10240x64xf32, #tpu.memory_space<vmem_shared>> -> memref<128x64xf32, #tpu.memory_space<vmem_shared>>
      tpu.wait_dma2 semaphore(%arg31 : memref<!tpu.dma_semaphore, #tpu.memory_space<semaphore_mem>>) src(%arg14 : memref<128x64xf32, #tpu.memory_space<vmem>>) dst(%dma_wait3A_419 : memref<128x64xf32, #tpu.memory_space<vmem_shared>>)
      %add3A_420 = arith.constant 4 : i32
      %add3A_421 = arith.addi %add3A_413, %add3A_420 : i32
      %dma_start3A_422 = arith.constant 0 : i32
      %dma_start3A_423 = tpu.memref_slice %arg7[%add3A_421, %dma_start3A_422] : memref<80x128xi32, #tpu.memory_space<vmem>> -> memref<1x128xi32, #tpu.memory_space<vmem>>
      %dma_start3A_424 = tpu.memref_squeeze %dma_start3A_423 : memref<1x128xi32, #tpu.memory_space<vmem>> -> memref<128xi32, #tpu.memory_space<vmem>>
      %dma_start3A_425 = arith.constant 0 : i32
      %dma_start3A_426 = arith.constant 0 : i32
      %dma_start3A_427 = tpu.memref_slice %arg2[%dma_start3A_425, %dma_start3A_426] : memref<10240x64xf32, #tpu.memory_space<hbm>> -> memref<10240x64xf32, #tpu.memory_space<hbm>>
      tpu.enqueue_indirect_dma source(%dma_start3A_427 : memref<10240x64xf32, #tpu.memory_space<hbm>>) target(%arg14 : memref<128x64xf32, #tpu.memory_space<vmem>>) offsets(%dma_start3A_424 : memref<128xi32, #tpu.memory_space<vmem>>) semaphore(%arg23 : memref<!tpu.dma_semaphore, #tpu.memory_space<semaphore_mem>>)
      %dma_wait3A_428 = arith.constant 0 : i32
      %dma_wait3A_429 = arith.constant 0 : i32
      %dma_wait3A_430 = tpu.memref_slice %arg2[%dma_wait3A_428, %dma_wait3A_429] : memref<10240x64xf32, #tpu.memory_space<hbm>> -> memref<128x64xf32, #tpu.memory_space<hbm>>
      %dma_wait3A_431 = arith.constant 0 : i32
      %dma_wait3A_432 = arith.constant 0 : i32
      %dma_wait3A_433 = tpu.memref_slice %arg2[%dma_wait3A_431, %dma_wait3A_432] : memref<10240x64xf32, #tpu.memory_space<hbm>> -> memref<128x64xf32, #tpu.memory_space<hbm>>
      tpu.wait_dma2 semaphore(%arg19 : memref<!tpu.dma_semaphore, #tpu.memory_space<semaphore_mem>>) src(%dma_wait3A_433 : memref<128x64xf32, #tpu.memory_space<hbm>>) dst(%arg10 : memref<128x64xf32, #tpu.memory_space<vmem>>)
      %dma_start3A_434 = arith.constant 0 : i32
      %dma_start3A_435 = tpu.memref_slice %arg8[%add3A_413, %dma_start3A_434] : memref<80x128xi32, #tpu.memory_space<vmem>> -> memref<1x128xi32, #tpu.memory_space<vmem>>
      %dma_start3A_436 = tpu.memref_squeeze %dma_start3A_435 : memref<1x128xi32, #tpu.memory_space<vmem>> -> memref<128xi32, #tpu.memory_space<vmem>>
      %dma_start3A_437 = arith.constant 0 : i32
      %dma_start3A_438 = arith.constant 0 : i32
      %dma_start3A_439 = tpu.memref_slice %arg17[%dma_start3A_437, %dma_start3A_438] : memref<10240x64xf32, #tpu.memory_space<vmem_shared>> -> memref<10240x64xf32, #tpu.memory_space<vmem_shared>>
      tpu.enqueue_indirect_dma source(%arg10 : memref<128x64xf32, #tpu.memory_space<vmem>>) target(%dma_start3A_439 : memref<10240x64xf32, #tpu.memory_space<vmem_shared>>) offsets(%dma_start3A_436 : memref<128xi32, #tpu.memory_space<vmem>>) semaphore(%arg27 : memref<!tpu.dma_semaphore, #tpu.memory_space<semaphore_mem>>) {add = true}
      %mul3A_440 = arith.constant 8 : i32
      %mul3A_441 = arith.muli %scan3A_247, %mul3A_440 : i32
      %add3A_442 = arith.constant 4 : i32
      %add3A_443 = arith.addi %add3A_442, %mul3A_441 : i32
      %add3A_444 = arith.constant 6 : i32
      %add3A_445 = arith.addi %add3A_443, %add3A_444 : i32
      %dma_wait3A_446 = arith.constant 0 : i32
      %dma_wait3A_447 = arith.constant 0 : i32
      %dma_wait3A_448 = tpu.memref_slice %arg17[%dma_wait3A_446, %dma_wait3A_447] : memref<10240x64xf32, #tpu.memory_space<vmem_shared>> -> memref<128x64xf32, #tpu.memory_space<vmem_shared>>
      %dma_wait3A_449 = arith.constant 0 : i32
      %dma_wait3A_450 = arith.constant 0 : i32
      %dma_wait3A_451 = tpu.memref_slice %arg17[%dma_wait3A_449, %dma_wait3A_450] : memref<10240x64xf32, #tpu.memory_space<vmem_shared>> -> memref<128x64xf32, #tpu.memory_space<vmem_shared>>
      tpu.wait_dma2 semaphore(%arg32 : memref<!tpu.dma_semaphore, #tpu.memory_space<semaphore_mem>>) src(%arg15 : memref<128x64xf32, #tpu.memory_space<vmem>>) dst(%dma_wait3A_451 : memref<128x64xf32, #tpu.memory_space<vmem_shared>>)
      %add3A_452 = arith.constant 4 : i32
      %add3A_453 = arith.addi %add3A_445, %add3A_452 : i32
      %dma_start3A_454 = arith.constant 0 : i32
      %dma_start3A_455 = tpu.memref_slice %arg7[%add3A_453, %dma_start3A_454] : memref<80x128xi32, #tpu.memory_space<vmem>> -> memref<1x128xi32, #tpu.memory_space<vmem>>
      %dma_start3A_456 = tpu.memref_squeeze %dma_start3A_455 : memref<1x128xi32, #tpu.memory_space<vmem>> -> memref<128xi32, #tpu.memory_space<vmem>>
      %dma_start3A_457 = arith.constant 0 : i32
      %dma_start3A_458 = arith.constant 0 : i32
      %dma_start3A_459 = tpu.memref_slice %arg2[%dma_start3A_457, %dma_start3A_458] : memref<10240x64xf32, #tpu.memory_space<hbm>> -> memref<10240x64xf32, #tpu.memory_space<hbm>>
      tpu.enqueue_indirect_dma source(%dma_start3A_459 : memref<10240x64xf32, #tpu.memory_space<hbm>>) target(%arg15 : memref<128x64xf32, #tpu.memory_space<vmem>>) offsets(%dma_start3A_456 : memref<128xi32, #tpu.memory_space<vmem>>) semaphore(%arg24 : memref<!tpu.dma_semaphore, #tpu.memory_space<semaphore_mem>>)
      %dma_wait3A_460 = arith.constant 0 : i32
      %dma_wait3A_461 = arith.constant 0 : i32
      %dma_wait3A_462 = tpu.memref_slice %arg2[%dma_wait3A_460, %dma_wait3A_461] : memref<10240x64xf32, #tpu.memory_space<hbm>> -> memref<128x64xf32, #tpu.memory_space<hbm>>
      %dma_wait3A_463 = arith.constant 0 : i32
      %dma_wait3A_464 = arith.constant 0 : i32
      %dma_wait3A_465 = tpu.memref_slice %arg2[%dma_wait3A_463, %dma_wait3A_464] : memref<10240x64xf32, #tpu.memory_space<hbm>> -> memref<128x64xf32, #tpu.memory_space<hbm>>
      tpu.wait_dma2 semaphore(%arg20 : memref<!tpu.dma_semaphore, #tpu.memory_space<semaphore_mem>>) src(%dma_wait3A_465 : memref<128x64xf32, #tpu.memory_space<hbm>>) dst(%arg11 : memref<128x64xf32, #tpu.memory_space<vmem>>)
      %dma_start3A_466 = arith.constant 0 : i32
      %dma_start3A_467 = tpu.memref_slice %arg8[%add3A_445, %dma_start3A_466] : memref<80x128xi32, #tpu.memory_space<vmem>> -> memref<1x128xi32, #tpu.memory_space<vmem>>
      %dma_start3A_468 = tpu.memref_squeeze %dma_start3A_467 : memref<1x128xi32, #tpu.memory_space<vmem>> -> memref<128xi32, #tpu.memory_space<vmem>>
      %dma_start3A_469 = arith.constant 0 : i32
      %dma_start3A_470 = arith.constant 0 : i32
      %dma_start3A_471 = tpu.memref_slice %arg17[%dma_start3A_469, %dma_start3A_470] : memref<10240x64xf32, #tpu.memory_space<vmem_shared>> -> memref<10240x64xf32, #tpu.memory_space<vmem_shared>>
      tpu.enqueue_indirect_dma source(%arg11 : memref<128x64xf32, #tpu.memory_space<vmem>>) target(%dma_start3A_471 : memref<10240x64xf32, #tpu.memory_space<vmem_shared>>) offsets(%dma_start3A_468 : memref<128xi32, #tpu.memory_space<vmem>>) semaphore(%arg28 : memref<!tpu.dma_semaphore, #tpu.memory_space<semaphore_mem>>) {add = true}
      %mul3A_472 = arith.constant 8 : i32
      %mul3A_473 = arith.muli %scan3A_247, %mul3A_472 : i32
      %add3A_474 = arith.constant 4 : i32
      %add3A_475 = arith.addi %add3A_474, %mul3A_473 : i32
      %add3A_476 = arith.constant 7 : i32
      %add3A_477 = arith.addi %add3A_475, %add3A_476 : i32
      %dma_wait3A_478 = arith.constant 0 : i32
      %dma_wait3A_479 = arith.constant 0 : i32
      %dma_wait3A_480 = tpu.memref_slice %arg17[%dma_wait3A_478, %dma_wait3A_479] : memref<10240x64xf32, #tpu.memory_space<vmem_shared>> -> memref<128x64xf32, #tpu.memory_space<vmem_shared>>
      %dma_wait3A_481 = arith.constant 0 : i32
      %dma_wait3A_482 = arith.constant 0 : i32
      %dma_wait3A_483 = tpu.memref_slice %arg17[%dma_wait3A_481, %dma_wait3A_482] : memref<10240x64xf32, #tpu.memory_space<vmem_shared>> -> memref<128x64xf32, #tpu.memory_space<vmem_shared>>
      tpu.wait_dma2 semaphore(%arg33 : memref<!tpu.dma_semaphore, #tpu.memory_space<semaphore_mem>>) src(%arg16 : memref<128x64xf32, #tpu.memory_space<vmem>>) dst(%dma_wait3A_483 : memref<128x64xf32, #tpu.memory_space<vmem_shared>>)
      %add3A_484 = arith.constant 4 : i32
      %add3A_485 = arith.addi %add3A_477, %add3A_484 : i32
      %dma_start3A_486 = arith.constant 0 : i32
      %dma_start3A_487 = tpu.memref_slice %arg7[%add3A_485, %dma_start3A_486] : memref<80x128xi32, #tpu.memory_space<vmem>> -> memref<1x128xi32, #tpu.memory_space<vmem>>
      %dma_start3A_488 = tpu.memref_squeeze %dma_start3A_487 : memref<1x128xi32, #tpu.memory_space<vmem>> -> memref<128xi32, #tpu.memory_space<vmem>>
      %dma_start3A_489 = arith.constant 0 : i32
      %dma_start3A_490 = arith.constant 0 : i32
      %dma_start3A_491 = tpu.memref_slice %arg2[%dma_start3A_489, %dma_start3A_490] : memref<10240x64xf32, #tpu.memory_space<hbm>> -> memref<10240x64xf32, #tpu.memory_space<hbm>>
      tpu.enqueue_indirect_dma source(%dma_start3A_491 : memref<10240x64xf32, #tpu.memory_space<hbm>>) target(%arg16 : memref<128x64xf32, #tpu.memory_space<vmem>>) offsets(%dma_start3A_488 : memref<128xi32, #tpu.memory_space<vmem>>) semaphore(%arg25 : memref<!tpu.dma_semaphore, #tpu.memory_space<semaphore_mem>>)
      %dma_wait3A_492 = arith.constant 0 : i32
      %dma_wait3A_493 = arith.constant 0 : i32
      %dma_wait3A_494 = tpu.memref_slice %arg2[%dma_wait3A_492, %dma_wait3A_493] : memref<10240x64xf32, #tpu.memory_space<hbm>> -> memref<128x64xf32, #tpu.memory_space<hbm>>
      %dma_wait3A_495 = arith.constant 0 : i32
      %dma_wait3A_496 = arith.constant 0 : i32
      %dma_wait3A_497 = tpu.memref_slice %arg2[%dma_wait3A_495, %dma_wait3A_496] : memref<10240x64xf32, #tpu.memory_space<hbm>> -> memref<128x64xf32, #tpu.memory_space<hbm>>
      tpu.wait_dma2 semaphore(%arg21 : memref<!tpu.dma_semaphore, #tpu.memory_space<semaphore_mem>>) src(%dma_wait3A_497 : memref<128x64xf32, #tpu.memory_space<hbm>>) dst(%arg12 : memref<128x64xf32, #tpu.memory_space<vmem>>)
      %dma_start3A_498 = arith.constant 0 : i32
      %dma_start3A_499 = tpu.memref_slice %arg8[%add3A_477, %dma_start3A_498] : memref<80x128xi32, #tpu.memory_space<vmem>> -> memref<1x128xi32, #tpu.memory_space<vmem>>
      %dma_start3A_500 = tpu.memref_squeeze %dma_start3A_499 : memref<1x128xi32, #tpu.memory_space<vmem>> -> memref<128xi32, #tpu.memory_space<vmem>>
      %dma_start3A_501 = arith.constant 0 : i32
      %dma_start3A_502 = arith.constant 0 : i32
      %dma_start3A_503 = tpu.memref_slice %arg17[%dma_start3A_501, %dma_start3A_502] : memref<10240x64xf32, #tpu.memory_space<vmem_shared>> -> memref<10240x64xf32, #tpu.memory_space<vmem_shared>>
      tpu.enqueue_indirect_dma source(%arg12 : memref<128x64xf32, #tpu.memory_space<vmem>>) target(%dma_start3A_503 : memref<10240x64xf32, #tpu.memory_space<vmem_shared>>) offsets(%dma_start3A_500 : memref<128xi32, #tpu.memory_space<vmem>>) semaphore(%arg29 : memref<!tpu.dma_semaphore, #tpu.memory_space<semaphore_mem>>) {add = true}
    }
    %scan3A_138 = arith.constant 9 : i32
    %dma_wait3A_139 = arith.constant 0 : i32
    %dma_wait3A_140 = arith.constant 0 : i32
    %dma_wait3A_141 = tpu.memref_slice %arg2[%dma_wait3A_139, %dma_wait3A_140] : memref<10240x64xf32, #tpu.memory_space<hbm>> -> memref<128x64xf32, #tpu.memory_space<hbm>>
    %dma_wait3A_142 = arith.constant 0 : i32
    %dma_wait3A_143 = arith.constant 0 : i32
    %dma_wait3A_144 = tpu.memref_slice %arg2[%dma_wait3A_142, %dma_wait3A_143] : memref<10240x64xf32, #tpu.memory_space<hbm>> -> memref<128x64xf32, #tpu.memory_space<hbm>>
    tpu.wait_dma2 semaphore(%arg22 : memref<!tpu.dma_semaphore, #tpu.memory_space<semaphore_mem>>) src(%dma_wait3A_144 : memref<128x64xf32, #tpu.memory_space<hbm>>) dst(%arg13 : memref<128x64xf32, #tpu.memory_space<vmem>>)
    %dma_start3A_145 = arith.constant 76 : i32
    %dma_start3A_146 = arith.constant 0 : i32
    %dma_start3A_147 = tpu.memref_slice %arg8[%dma_start3A_145, %dma_start3A_146] : memref<80x128xi32, #tpu.memory_space<vmem>> -> memref<1x128xi32, #tpu.memory_space<vmem>>
    %dma_start3A_148 = tpu.memref_squeeze %dma_start3A_147 : memref<1x128xi32, #tpu.memory_space<vmem>> -> memref<128xi32, #tpu.memory_space<vmem>>
    %dma_start3A_149 = arith.constant 0 : i32
    %dma_start3A_150 = arith.constant 0 : i32
    %dma_start3A_151 = tpu.memref_slice %arg17[%dma_start3A_149, %dma_start3A_150] : memref<10240x64xf32, #tpu.memory_space<vmem_shared>> -> memref<10240x64xf32, #tpu.memory_space<vmem_shared>>
    tpu.enqueue_indirect_dma source(%arg13 : memref<128x64xf32, #tpu.memory_space<vmem>>) target(%dma_start3A_151 : memref<10240x64xf32, #tpu.memory_space<vmem_shared>>) offsets(%dma_start3A_148 : memref<128xi32, #tpu.memory_space<vmem>>) semaphore(%arg30 : memref<!tpu.dma_semaphore, #tpu.memory_space<semaphore_mem>>) {add = true}
    %dma_wait3A_152 = arith.constant 0 : i32
    %dma_wait3A_153 = arith.constant 0 : i32
    %dma_wait3A_154 = tpu.memref_slice %arg2[%dma_wait3A_152, %dma_wait3A_153] : memref<10240x64xf32, #tpu.memory_space<hbm>> -> memref<128x64xf32, #tpu.memory_space<hbm>>
    %dma_wait3A_155 = arith.constant 0 : i32
    %dma_wait3A_156 = arith.constant 0 : i32
    %dma_wait3A_157 = tpu.memref_slice %arg2[%dma_wait3A_155, %dma_wait3A_156] : memref<10240x64xf32, #tpu.memory_space<hbm>> -> memref<128x64xf32, #tpu.memory_space<hbm>>
    tpu.wait_dma2 semaphore(%arg23 : memref<!tpu.dma_semaphore, #tpu.memory_space<semaphore_mem>>) src(%dma_wait3A_157 : memref<128x64xf32, #tpu.memory_space<hbm>>) dst(%arg14 : memref<128x64xf32, #tpu.memory_space<vmem>>)
    %dma_start3A_158 = arith.constant 77 : i32
    %dma_start3A_159 = arith.constant 0 : i32
    %dma_start3A_160 = tpu.memref_slice %arg8[%dma_start3A_158, %dma_start3A_159] : memref<80x128xi32, #tpu.memory_space<vmem>> -> memref<1x128xi32, #tpu.memory_space<vmem>>
    %dma_start3A_161 = tpu.memref_squeeze %dma_start3A_160 : memref<1x128xi32, #tpu.memory_space<vmem>> -> memref<128xi32, #tpu.memory_space<vmem>>
    %dma_start3A_162 = arith.constant 0 : i32
    %dma_start3A_163 = arith.constant 0 : i32
    %dma_start3A_164 = tpu.memref_slice %arg17[%dma_start3A_162, %dma_start3A_163] : memref<10240x64xf32, #tpu.memory_space<vmem_shared>> -> memref<10240x64xf32, #tpu.memory_space<vmem_shared>>
    tpu.enqueue_indirect_dma source(%arg14 : memref<128x64xf32, #tpu.memory_space<vmem>>) target(%dma_start3A_164 : memref<10240x64xf32, #tpu.memory_space<vmem_shared>>) offsets(%dma_start3A_161 : memref<128xi32, #tpu.memory_space<vmem>>) semaphore(%arg31 : memref<!tpu.dma_semaphore, #tpu.memory_space<semaphore_mem>>) {add = true}
    %dma_wait3A_165 = arith.constant 0 : i32
    %dma_wait3A_166 = arith.constant 0 : i32
    %dma_wait3A_167 = tpu.memref_slice %arg2[%dma_wait3A_165, %dma_wait3A_166] : memref<10240x64xf32, #tpu.memory_space<hbm>> -> memref<128x64xf32, #tpu.memory_space<hbm>>
    %dma_wait3A_168 = arith.constant 0 : i32
    %dma_wait3A_169 = arith.constant 0 : i32
    %dma_wait3A_170 = tpu.memref_slice %arg2[%dma_wait3A_168, %dma_wait3A_169] : memref<10240x64xf32, #tpu.memory_space<hbm>> -> memref<128x64xf32, #tpu.memory_space<hbm>>
    tpu.wait_dma2 semaphore(%arg24 : memref<!tpu.dma_semaphore, #tpu.memory_space<semaphore_mem>>) src(%dma_wait3A_170 : memref<128x64xf32, #tpu.memory_space<hbm>>) dst(%arg15 : memref<128x64xf32, #tpu.memory_space<vmem>>)
    %dma_start3A_171 = arith.constant 78 : i32
    %dma_start3A_172 = arith.constant 0 : i32
    %dma_start3A_173 = tpu.memref_slice %arg8[%dma_start3A_171, %dma_start3A_172] : memref<80x128xi32, #tpu.memory_space<vmem>> -> memref<1x128xi32, #tpu.memory_space<vmem>>
    %dma_start3A_174 = tpu.memref_squeeze %dma_start3A_173 : memref<1x128xi32, #tpu.memory_space<vmem>> -> memref<128xi32, #tpu.memory_space<vmem>>
    %dma_start3A_175 = arith.constant 0 : i32
    %dma_start3A_176 = arith.constant 0 : i32
    %dma_start3A_177 = tpu.memref_slice %arg17[%dma_start3A_175, %dma_start3A_176] : memref<10240x64xf32, #tpu.memory_space<vmem_shared>> -> memref<10240x64xf32, #tpu.memory_space<vmem_shared>>
    tpu.enqueue_indirect_dma source(%arg15 : memref<128x64xf32, #tpu.memory_space<vmem>>) target(%dma_start3A_177 : memref<10240x64xf32, #tpu.memory_space<vmem_shared>>) offsets(%dma_start3A_174 : memref<128xi32, #tpu.memory_space<vmem>>) semaphore(%arg32 : memref<!tpu.dma_semaphore, #tpu.memory_space<semaphore_mem>>) {add = true}
    %dma_wait3A_178 = arith.constant 0 : i32
    %dma_wait3A_179 = arith.constant 0 : i32
    %dma_wait3A_180 = tpu.memref_slice %arg2[%dma_wait3A_178, %dma_wait3A_179] : memref<10240x64xf32, #tpu.memory_space<hbm>> -> memref<128x64xf32, #tpu.memory_space<hbm>>
    %dma_wait3A_181 = arith.constant 0 : i32
    %dma_wait3A_182 = arith.constant 0 : i32
    %dma_wait3A_183 = tpu.memref_slice %arg2[%dma_wait3A_181, %dma_wait3A_182] : memref<10240x64xf32, #tpu.memory_space<hbm>> -> memref<128x64xf32, #tpu.memory_space<hbm>>
    tpu.wait_dma2 semaphore(%arg25 : memref<!tpu.dma_semaphore, #tpu.memory_space<semaphore_mem>>) src(%dma_wait3A_183 : memref<128x64xf32, #tpu.memory_space<hbm>>) dst(%arg16 : memref<128x64xf32, #tpu.memory_space<vmem>>)
    %dma_start3A_184 = arith.constant 79 : i32
    %dma_start3A_185 = arith.constant 0 : i32
    %dma_start3A_186 = tpu.memref_slice %arg8[%dma_start3A_184, %dma_start3A_185] : memref<80x128xi32, #tpu.memory_space<vmem>> -> memref<1x128xi32, #tpu.memory_space<vmem>>
    %dma_start3A_187 = tpu.memref_squeeze %dma_start3A_186 : memref<1x128xi32, #tpu.memory_space<vmem>> -> memref<128xi32, #tpu.memory_space<vmem>>
    %dma_start3A_188 = arith.constant 0 : i32
    %dma_start3A_189 = arith.constant 0 : i32
    %dma_start3A_190 = tpu.memref_slice %arg17[%dma_start3A_188, %dma_start3A_189] : memref<10240x64xf32, #tpu.memory_space<vmem_shared>> -> memref<10240x64xf32, #tpu.memory_space<vmem_shared>>
    tpu.enqueue_indirect_dma source(%arg16 : memref<128x64xf32, #tpu.memory_space<vmem>>) target(%dma_start3A_190 : memref<10240x64xf32, #tpu.memory_space<vmem_shared>>) offsets(%dma_start3A_187 : memref<128xi32, #tpu.memory_space<vmem>>) semaphore(%arg33 : memref<!tpu.dma_semaphore, #tpu.memory_space<semaphore_mem>>) {add = true}
    %dma_wait3A_191 = arith.constant 0 : i32
    %dma_wait3A_192 = arith.constant 0 : i32
    %dma_wait3A_193 = tpu.memref_slice %arg17[%dma_wait3A_191, %dma_wait3A_192] : memref<10240x64xf32, #tpu.memory_space<vmem_shared>> -> memref<128x64xf32, #tpu.memory_space<vmem_shared>>
    %dma_wait3A_194 = arith.constant 0 : i32
    %dma_wait3A_195 = arith.constant 0 : i32
    %dma_wait3A_196 = tpu.memref_slice %arg17[%dma_wait3A_194, %dma_wait3A_195] : memref<10240x64xf32, #tpu.memory_space<vmem_shared>> -> memref<128x64xf32, #tpu.memory_space<vmem_shared>>
    tpu.wait_dma2 semaphore(%arg26 : memref<!tpu.dma_semaphore, #tpu.memory_space<semaphore_mem>>) src(%arg9 : memref<128x64xf32, #tpu.memory_space<vmem>>) dst(%dma_wait3A_196 : memref<128x64xf32, #tpu.memory_space<vmem_shared>>)
    %dma_wait3A_197 = arith.constant 0 : i32
    %dma_wait3A_198 = arith.constant 0 : i32
    %dma_wait3A_199 = tpu.memref_slice %arg17[%dma_wait3A_197, %dma_wait3A_198] : memref<10240x64xf32, #tpu.memory_space<vmem_shared>> -> memref<128x64xf32, #tpu.memory_space<vmem_shared>>
    %dma_wait3A_200 = arith.constant 0 : i32
    %dma_wait3A_201 = arith.constant 0 : i32
    %dma_wait3A_202 = tpu.memref_slice %arg17[%dma_wait3A_200, %dma_wait3A_201] : memref<10240x64xf32, #tpu.memory_space<vmem_shared>> -> memref<128x64xf32, #tpu.memory_space<vmem_shared>>
    tpu.wait_dma2 semaphore(%arg27 : memref<!tpu.dma_semaphore, #tpu.memory_space<semaphore_mem>>) src(%arg10 : memref<128x64xf32, #tpu.memory_space<vmem>>) dst(%dma_wait3A_202 : memref<128x64xf32, #tpu.memory_space<vmem_shared>>)
    %dma_wait3A_203 = arith.constant 0 : i32
    %dma_wait3A_204 = arith.constant 0 : i32
    %dma_wait3A_205 = tpu.memref_slice %arg17[%dma_wait3A_203, %dma_wait3A_204] : memref<10240x64xf32, #tpu.memory_space<vmem_shared>> -> memref<128x64xf32, #tpu.memory_space<vmem_shared>>
    %dma_wait3A_206 = arith.constant 0 : i32
    %dma_wait3A_207 = arith.constant 0 : i32
    %dma_wait3A_208 = tpu.memref_slice %arg17[%dma_wait3A_206, %dma_wait3A_207] : memref<10240x64xf32, #tpu.memory_space<vmem_shared>> -> memref<128x64xf32, #tpu.memory_space<vmem_shared>>
    tpu.wait_dma2 semaphore(%arg28 : memref<!tpu.dma_semaphore, #tpu.memory_space<semaphore_mem>>) src(%arg11 : memref<128x64xf32, #tpu.memory_space<vmem>>) dst(%dma_wait3A_208 : memref<128x64xf32, #tpu.memory_space<vmem_shared>>)
    %dma_wait3A_209 = arith.constant 0 : i32
    %dma_wait3A_210 = arith.constant 0 : i32
    %dma_wait3A_211 = tpu.memref_slice %arg17[%dma_wait3A_209, %dma_wait3A_210] : memref<10240x64xf32, #tpu.memory_space<vmem_shared>> -> memref<128x64xf32, #tpu.memory_space<vmem_shared>>
    %dma_wait3A_212 = arith.constant 0 : i32
    %dma_wait3A_213 = arith.constant 0 : i32
    %dma_wait3A_214 = tpu.memref_slice %arg17[%dma_wait3A_212, %dma_wait3A_213] : memref<10240x64xf32, #tpu.memory_space<vmem_shared>> -> memref<128x64xf32, #tpu.memory_space<vmem_shared>>
    tpu.wait_dma2 semaphore(%arg29 : memref<!tpu.dma_semaphore, #tpu.memory_space<semaphore_mem>>) src(%arg12 : memref<128x64xf32, #tpu.memory_space<vmem>>) dst(%dma_wait3A_214 : memref<128x64xf32, #tpu.memory_space<vmem_shared>>)
    %dma_wait3A_215 = arith.constant 0 : i32
    %dma_wait3A_216 = arith.constant 0 : i32
    %dma_wait3A_217 = tpu.memref_slice %arg17[%dma_wait3A_215, %dma_wait3A_216] : memref<10240x64xf32, #tpu.memory_space<vmem_shared>> -> memref<128x64xf32, #tpu.memory_space<vmem_shared>>
    %dma_wait3A_218 = arith.constant 0 : i32
    %dma_wait3A_219 = arith.constant 0 : i32
    %dma_wait3A_220 = tpu.memref_slice %arg17[%dma_wait3A_218, %dma_wait3A_219] : memref<10240x64xf32, #tpu.memory_space<vmem_shared>> -> memref<128x64xf32, #tpu.memory_space<vmem_shared>>
    tpu.wait_dma2 semaphore(%arg30 : memref<!tpu.dma_semaphore, #tpu.memory_space<semaphore_mem>>) src(%arg13 : memref<128x64xf32, #tpu.memory_space<vmem>>) dst(%dma_wait3A_220 : memref<128x64xf32, #tpu.memory_space<vmem_shared>>)
    %dma_wait3A_221 = arith.constant 0 : i32
    %dma_wait3A_222 = arith.constant 0 : i32
    %dma_wait3A_223 = tpu.memref_slice %arg17[%dma_wait3A_221, %dma_wait3A_222] : memref<10240x64xf32, #tpu.memory_space<vmem_shared>> -> memref<128x64xf32, #tpu.memory_space<vmem_shared>>
    %dma_wait3A_224 = arith.constant 0 : i32
    %dma_wait3A_225 = arith.constant 0 : i32
    %dma_wait3A_226 = tpu.memref_slice %arg17[%dma_wait3A_224, %dma_wait3A_225] : memref<10240x64xf32, #tpu.memory_space<vmem_shared>> -> memref<128x64xf32, #tpu.memory_space<vmem_shared>>
    tpu.wait_dma2 semaphore(%arg31 : memref<!tpu.dma_semaphore, #tpu.memory_space<semaphore_mem>>) src(%arg14 : memref<128x64xf32, #tpu.memory_space<vmem>>) dst(%dma_wait3A_226 : memref<128x64xf32, #tpu.memory_space<vmem_shared>>)
    %dma_wait3A_227 = arith.constant 0 : i32
    %dma_wait3A_228 = arith.constant 0 : i32
    %dma_wait3A_229 = tpu.memref_slice %arg17[%dma_wait3A_227, %dma_wait3A_228] : memref<10240x64xf32, #tpu.memory_space<vmem_shared>> -> memref<128x64xf32, #tpu.memory_space<vmem_shared>>
    %dma_wait3A_230 = arith.constant 0 : i32
    %dma_wait3A_231 = arith.constant 0 : i32
    %dma_wait3A_232 = tpu.memref_slice %arg17[%dma_wait3A_230, %dma_wait3A_231] : memref<10240x64xf32, #tpu.memory_space<vmem_shared>> -> memref<128x64xf32, #tpu.memory_space<vmem_shared>>
    tpu.wait_dma2 semaphore(%arg32 : memref<!tpu.dma_semaphore, #tpu.memory_space<semaphore_mem>>) src(%arg15 : memref<128x64xf32, #tpu.memory_space<vmem>>) dst(%dma_wait3A_232 : memref<128x64xf32, #tpu.memory_space<vmem_shared>>)
    %dma_wait3A_233 = arith.constant 0 : i32
    %dma_wait3A_234 = arith.constant 0 : i32
    %dma_wait3A_235 = tpu.memref_slice %arg17[%dma_wait3A_233, %dma_wait3A_234] : memref<10240x64xf32, #tpu.memory_space<vmem_shared>> -> memref<128x64xf32, #tpu.memory_space<vmem_shared>>
    %dma_wait3A_236 = arith.constant 0 : i32
    %dma_wait3A_237 = arith.constant 0 : i32
    %dma_wait3A_238 = tpu.memref_slice %arg17[%dma_wait3A_236, %dma_wait3A_237] : memref<10240x64xf32, #tpu.memory_space<vmem_shared>> -> memref<128x64xf32, #tpu.memory_space<vmem_shared>>
    tpu.wait_dma2 semaphore(%arg33 : memref<!tpu.dma_semaphore, #tpu.memory_space<semaphore_mem>>) src(%arg16 : memref<128x64xf32, #tpu.memory_space<vmem>>) dst(%dma_wait3A_238 : memref<128x64xf32, #tpu.memory_space<vmem_shared>>)
    %barrier3A_239 = arith.constant 0 : index
    tpu.barrier barrier_id(%barrier3A_239)
    %eq3A = arith.constant 0 : i32
    %eq3A_240 = arith.cmpi eq, %arg0, %eq3A : i32
    %convert_element_type3A = arith.extui %eq3A_240 : i1 to i32
    %cond3A = arith.constant 0 : i32
    %cond3A_241 = arith.cmpi ne, %convert_element_type3A, %cond3A : i32
    scf.if %cond3A_241 {
      %mul3A_247 = arith.constant 640 : i32
      %mul3A_248 = arith.muli %arg1, %mul3A_247 : i32
      %mul3A_249 = arith.constant 640 : i32
      %mul3A_250 = arith.muli %arg1, %mul3A_249 : i32
      "tpu.region"() ({
        %run_scoped3A = tpu.sem_alloc : memref<!tpu.dma_semaphore, #tpu.memory_space<semaphore_mem>>
        %dma_start3A_251 = arith.constant 0 : i32
        %dma_start3A_252 = tpu.memref_slice %arg5[%mul3A_250, %dma_start3A_251] : memref<10240x64xf32, #tpu.memory_space<hbm>> -> memref<640x64xf32, #tpu.memory_space<hbm>>
        %dma_start3A_253 = arith.constant 0 : i32
        %dma_start3A_254 = tpu.memref_slice %arg17[%mul3A_248, %dma_start3A_253] : memref<10240x64xf32, #tpu.memory_space<vmem_shared>> -> memref<640x64xf32, #tpu.memory_space<vmem_shared>>
        tpu.enqueue_dma source(%dma_start3A_254 : memref<640x64xf32, #tpu.memory_space<vmem_shared>>) target(%dma_start3A_252 : memref<640x64xf32, #tpu.memory_space<hbm>>) target_semaphore(%run_scoped3A : memref<!tpu.dma_semaphore, #tpu.memory_space<semaphore_mem>>)
        %dma_wait3A_255 = arith.constant 0 : i32
        %dma_wait3A_256 = tpu.memref_slice %arg5[%mul3A_250, %dma_wait3A_255] : memref<10240x64xf32, #tpu.memory_space<hbm>> -> memref<640x64xf32, #tpu.memory_space<hbm>>
        %dma_wait3A_257 = arith.constant 0 : i32
        %dma_wait3A_258 = tpu.memref_slice %arg17[%mul3A_248, %dma_wait3A_257] : memref<10240x64xf32, #tpu.memory_space<vmem_shared>> -> memref<640x64xf32, #tpu.memory_space<vmem_shared>>
        tpu.wait_dma2 semaphore(%run_scoped3A : memref<!tpu.dma_semaphore, #tpu.memory_space<semaphore_mem>>) src(%dma_wait3A_258 : memref<640x64xf32, #tpu.memory_space<vmem_shared>>) dst(%dma_wait3A_256 : memref<640x64xf32, #tpu.memory_space<hbm>>)
        tpu.yield
      }) : () -> ()
    } else {
    }
    %eq3A_242 = arith.constant 1 : i32
    %eq3A_243 = arith.cmpi eq, %arg0, %eq3A_242 : i32
    %convert_element_type3A_244 = arith.extui %eq3A_243 : i1 to i32
    %cond3A_245 = arith.constant 0 : i32
    %cond3A_246 = arith.cmpi ne, %convert_element_type3A_244, %cond3A_245 : i32
    scf.if %cond3A_246 {
      %mul3A_247 = arith.constant 640 : i32
      %mul3A_248 = arith.muli %arg1, %mul3A_247 : i32
      %mul3A_249 = arith.constant 640 : i32
      %mul3A_250 = arith.muli %arg1, %mul3A_249 : i32
      "tpu.region"() ({
        %run_scoped3A = tpu.sem_alloc : memref<!tpu.dma_semaphore, #tpu.memory_space<semaphore_mem>>
        %dma_start3A_251 = arith.constant 0 : i32
        %dma_start3A_252 = tpu.memref_slice %arg6[%mul3A_250, %dma_start3A_251] : memref<10240x64xf32, #tpu.memory_space<hbm>> -> memref<640x64xf32, #tpu.memory_space<hbm>>
        %dma_start3A_253 = arith.constant 0 : i32
        %dma_start3A_254 = tpu.memref_slice %arg17[%mul3A_248, %dma_start3A_253] : memref<10240x64xf32, #tpu.memory_space<vmem_shared>> -> memref<640x64xf32, #tpu.memory_space<vmem_shared>>
        tpu.enqueue_dma source(%dma_start3A_254 : memref<640x64xf32, #tpu.memory_space<vmem_shared>>) target(%dma_start3A_252 : memref<640x64xf32, #tpu.memory_space<hbm>>) target_semaphore(%run_scoped3A : memref<!tpu.dma_semaphore, #tpu.memory_space<semaphore_mem>>)
        %dma_wait3A_255 = arith.constant 0 : i32
        %dma_wait3A_256 = tpu.memref_slice %arg6[%mul3A_250, %dma_wait3A_255] : memref<10240x64xf32, #tpu.memory_space<hbm>> -> memref<640x64xf32, #tpu.memory_space<hbm>>
        %dma_wait3A_257 = arith.constant 0 : i32
        %dma_wait3A_258 = tpu.memref_slice %arg17[%mul3A_248, %dma_wait3A_257] : memref<10240x64xf32, #tpu.memory_space<vmem_shared>> -> memref<640x64xf32, #tpu.memory_space<vmem_shared>>
        tpu.wait_dma2 semaphore(%run_scoped3A : memref<!tpu.dma_semaphore, #tpu.memory_space<semaphore_mem>>) src(%dma_wait3A_258 : memref<640x64xf32, #tpu.memory_space<vmem_shared>>) dst(%dma_wait3A_256 : memref<640x64xf32, #tpu.memory_space<hbm>>)
        tpu.yield
      }) : () -> ()
    } else {
    }
    return
  }
}

#map = affine_map<(d0, d1) -> (0, 0)>
module attributes {stable_mosaic.version = 14 : i64} {
  func.func @agg(%arg0: i32, %arg1: i32, %arg2: memref<10240x64xf32, #tpu.memory_space<hbm>>, %arg3: memref<2560x128xi32, #tpu.memory_space<hbm>>, %arg4: memref<2560x128xi32, #tpu.memory_space<hbm>>, %arg5: memref<10240x64xf32, #tpu.memory_space<hbm>>, %arg6: memref<10240x64xf32, #tpu.memory_space<hbm>>, %arg7: memref<80x128xi32, #tpu.memory_space<vmem>>, %arg8: memref<80x128xi32, #tpu.memory_space<vmem>>, %arg9: memref<128x64xf32, #tpu.memory_space<vmem>>, %arg10: memref<128x64xf32, #tpu.memory_space<vmem>>, %arg11: memref<128x64xf32, #tpu.memory_space<vmem>>, %arg12: memref<128x64xf32, #tpu.memory_space<vmem>>, %arg13: memref<128x64xf32, #tpu.memory_space<vmem>>, %arg14: memref<128x64xf32, #tpu.memory_space<vmem>>, %arg15: memref<128x64xf32, #tpu.memory_space<vmem>>, %arg16: memref<128x64xf32, #tpu.memory_space<vmem>>, %arg17: memref<10240x64xf32, #tpu.memory_space<vmem_shared>>, %arg18: memref<!tpu.dma_semaphore, #tpu.memory_space<semaphore_mem>>, %arg19: memref<!tpu.dma_semaphore, #tpu.memory_space<semaphore_mem>>, %arg20: memref<!tpu.dma_semaphore, #tpu.memory_space<semaphore_mem>>, %arg21: memref<!tpu.dma_semaphore, #tpu.memory_space<semaphore_mem>>, %arg22: memref<!tpu.dma_semaphore, #tpu.memory_space<semaphore_mem>>, %arg23: memref<!tpu.dma_semaphore, #tpu.memory_space<semaphore_mem>>, %arg24: memref<!tpu.dma_semaphore, #tpu.memory_space<semaphore_mem>>, %arg25: memref<!tpu.dma_semaphore, #tpu.memory_space<semaphore_mem>>, %arg26: memref<!tpu.dma_semaphore, #tpu.memory_space<semaphore_mem>>, %arg27: memref<!tpu.dma_semaphore, #tpu.memory_space<semaphore_mem>>, %arg28: memref<!tpu.dma_semaphore, #tpu.memory_space<semaphore_mem>>, %arg29: memref<!tpu.dma_semaphore, #tpu.memory_space<semaphore_mem>>, %arg30: memref<!tpu.dma_semaphore, #tpu.memory_space<semaphore_mem>>, %arg31: memref<!tpu.dma_semaphore, #tpu.memory_space<semaphore_mem>>, %arg32: memref<!tpu.dma_semaphore, #tpu.memory_space<semaphore_mem>>, %arg33: memref<!tpu.dma_semaphore, #tpu.memory_space<semaphore_mem>>) attributes {dimension_semantics = [#tpu.dimension_semantics<core_parallel>, #tpu.dimension_semantics<subcore_parallel>], iteration_bounds = array<i64: 2, 16>, scalar_prefetch = 0 : i64, scratch_operands = 27 : i64, tpu.core_type = #tpu.core_type<sc_vector_subcore>, window_params = [{transform_indices = #map}, {transform_indices = #map}, {transform_indices = #map}, {transform_indices = #map}, {transform_indices = #map}]} {
    %mul3A = arith.constant 16 : i32
    %mul3A_0 = arith.muli %arg0, %mul3A : i32
    %add3A = arith.addi %mul3A_0, %arg1 : i32
    %broadcast_in_dim3A = arith.constant 0.000000e+00 : f32
    %broadcast_in_dim3A_1 = vector.broadcast %broadcast_in_dim3A : f32 to vector<16xf32>
    %scan3A = arith.constant 0 : i32
    %scan3A_2 = arith.constant 128 : i32
    %scan3A_3 = arith.addi %scan3A, %scan3A_2 : i32
    %scan3A_4 = arith.constant 1 : i32
    scf.for %scan3A_247 = %scan3A to %scan3A_3 step %scan3A_4  : i32 {
      %swap3A = arith.index_cast %scan3A_247 : i32 to index
      %swap3A_248 = arith.constant 0 : index
      %swap3A_249 = tpu.vector_load %arg9[%swap3A, %swap3A_248] {strides = array<i32>} : memref<128x64xf32, #tpu.memory_space<vmem>>, vector<1x16xf32>,
      %swap3A_250 = vector.shape_cast %swap3A_249 : vector<1x16xf32> to vector<16xf32>
      %swap3A_251 = vector.shape_cast %broadcast_in_dim3A_1 : vector<16xf32> to vector<1x16xf32>
      tpu.vector_store %arg9[%swap3A, %swap3A_248], %swap3A_251 {strides = array<i32>} : memref<128x64xf32, #tpu.memory_space<vmem>>, vector<1x16xf32>,
      %swap3A_252 = arith.index_cast %scan3A_247 : i32 to index
      %swap3A_253 = arith.constant 16 : index
      %swap3A_254 = tpu.vector_load %arg9[%swap3A_252, %swap3A_253] {strides = array<i32>} : memref<128x64xf32, #tpu.memory_space<vmem>>, vector<1x16xf32>,
      %swap3A_255 = vector.shape_cast %swap3A_254 : vector<1x16xf32> to vector<16xf32>
      %swap3A_256 = vector.shape_cast %broadcast_in_dim3A_1 : vector<16xf32> to vector<1x16xf32>
      tpu.vector_store %arg9[%swap3A_252, %swap3A_253], %swap3A_256 {strides = array<i32>} : memref<128x64xf32, #tpu.memory_space<vmem>>, vector<1x16xf32>,
      %swap3A_257 = arith.index_cast %scan3A_247 : i32 to index
      %swap3A_258 = arith.constant 32 : index
      %swap3A_259 = tpu.vector_load %arg9[%swap3A_257, %swap3A_258] {strides = array<i32>} : memref<128x64xf32, #tpu.memory_space<vmem>>, vector<1x16xf32>,
      %swap3A_260 = vector.shape_cast %swap3A_259 : vector<1x16xf32> to vector<16xf32>
      %swap3A_261 = vector.shape_cast %broadcast_in_dim3A_1 : vector<16xf32> to vector<1x16xf32>
      tpu.vector_store %arg9[%swap3A_257, %swap3A_258], %swap3A_261 {strides = array<i32>} : memref<128x64xf32, #tpu.memory_space<vmem>>, vector<1x16xf32>,
      %swap3A_262 = arith.index_cast %scan3A_247 : i32 to index
      %swap3A_263 = arith.constant 48 : index
      %swap3A_264 = tpu.vector_load %arg9[%swap3A_262, %swap3A_263] {strides = array<i32>} : memref<128x64xf32, #tpu.memory_space<vmem>>, vector<1x16xf32>,
      %swap3A_265 = vector.shape_cast %swap3A_264 : vector<1x16xf32> to vector<16xf32>
      %swap3A_266 = vector.shape_cast %broadcast_in_dim3A_1 : vector<16xf32> to vector<1x16xf32>
      tpu.vector_store %arg9[%swap3A_262, %swap3A_263], %swap3A_266 {strides = array<i32>} : memref<128x64xf32, #tpu.memory_space<vmem>>, vector<1x16xf32>,
    }
    %scan3A_5 = arith.constant 128 : i32
    %mul3A_6 = arith.constant 640 : i32
    %mul3A_7 = arith.muli %arg1, %mul3A_6 : i32
    %add3A_8 = arith.constant 0 : i32
    %add3A_9 = arith.addi %mul3A_7, %add3A_8 : i32
    "tpu.region"() ({
      %run_scoped3A = tpu.sem_alloc : memref<!tpu.dma_semaphore, #tpu.memory_space<semaphore_mem>>
      %dma_start3A_247 = arith.constant 0 : i32
      %dma_start3A_248 = tpu.memref_slice %arg17[%add3A_9, %dma_start3A_247] : memref<10240x64xf32, #tpu.memory_space<vmem_shared>> -> memref<128x64xf32, #tpu.memory_space<vmem_shared>>
      %dma_start3A_249 = arith.constant 0 : i32
      %dma_start3A_250 = tpu.memref_slice %arg17[%add3A_9, %dma_start3A_249] : memref<10240x64xf32, #tpu.memory_space<vmem_shared>> -> memref<128x64xf32, #tpu.memory_space<vmem_shared>>
      tpu.enqueue_dma source(%arg9 : memref<128x64xf32, #tpu.memory_space<vmem>>) target(%dma_start3A_250 : memref<128x64xf32, #tpu.memory_space<vmem_shared>>) target_semaphore(%run_scoped3A : memref<!tpu.dma_semaphore, #tpu.memory_space<semaphore_mem>>)
      %dma_wait3A_251 = arith.constant 0 : i32
      %dma_wait3A_252 = tpu.memref_slice %arg17[%add3A_9, %dma_wait3A_251] : memref<10240x64xf32, #tpu.memory_space<vmem_shared>> -> memref<128x64xf32, #tpu.memory_space<vmem_shared>>
      %dma_wait3A_253 = arith.constant 0 : i32
      %dma_wait3A_254 = tpu.memref_slice %arg17[%add3A_9, %dma_wait3A_253] : memref<10240x64xf32, #tpu.memory_space<vmem_shared>> -> memref<128x64xf32, #tpu.memory_space<vmem_shared>>
      tpu.wait_dma2 semaphore(%run_scoped3A : memref<!tpu.dma_semaphore, #tpu.memory_space<semaphore_mem>>) src(%arg9 : memref<128x64xf32, #tpu.memory_space<vmem>>) dst(%dma_wait3A_254 : memref<128x64xf32, #tpu.memory_space<vmem_shared>>)
      tpu.yield
    }) : () -> ()
    %mul3A_10 = arith.constant 640 : i32
    %mul3A_11 = arith.muli %arg1, %mul3A_10 : i32
    %add3A_12 = arith.constant 128 : i32
    %add3A_13 = arith.addi %mul3A_11, %add3A_12 : i32
    "tpu.region"() ({
      %run_scoped3A = tpu.sem_alloc : memref<!tpu.dma_semaphore, #tpu.memory_space<semaphore_mem>>
      %dma_start3A_247 = arith.constant 0 : i32
      %dma_start3A_248 = tpu.memref_slice %arg17[%add3A_13, %dma_start3A_247] : memref<10240x64xf32, #tpu.memory_space<vmem_shared>> -> memref<128x64xf32, #tpu.memory_space<vmem_shared>>
      %dma_start3A_249 = arith.constant 0 : i32
      %dma_start3A_250 = tpu.memref_slice %arg17[%add3A_13, %dma_start3A_249] : memref<10240x64xf32, #tpu.memory_space<vmem_shared>> -> memref<128x64xf32, #tpu.memory_space<vmem_shared>>
      tpu.enqueue_dma source(%arg9 : memref<128x64xf32, #tpu.memory_space<vmem>>) target(%dma_start3A_250 : memref<128x64xf32, #tpu.memory_space<vmem_shared>>) target_semaphore(%run_scoped3A : memref<!tpu.dma_semaphore, #tpu.memory_space<semaphore_mem>>)
      %dma_wait3A_251 = arith.constant 0 : i32
      %dma_wait3A_252 = tpu.memref_slice %arg17[%add3A_13, %dma_wait3A_251] : memref<10240x64xf32, #tpu.memory_space<vmem_shared>> -> memref<128x64xf32, #tpu.memory_space<vmem_shared>>
      %dma_wait3A_253 = arith.constant 0 : i32
      %dma_wait3A_254 = tpu.memref_slice %arg17[%add3A_13, %dma_wait3A_253] : memref<10240x64xf32, #tpu.memory_space<vmem_shared>> -> memref<128x64xf32, #tpu.memory_space<vmem_shared>>
      tpu.wait_dma2 semaphore(%run_scoped3A : memref<!tpu.dma_semaphore, #tpu.memory_space<semaphore_mem>>) src(%arg9 : memref<128x64xf32, #tpu.memory_space<vmem>>) dst(%dma_wait3A_254 : memref<128x64xf32, #tpu.memory_space<vmem_shared>>)
      tpu.yield
    }) : () -> ()
    %mul3A_14 = arith.constant 640 : i32
    %mul3A_15 = arith.muli %arg1, %mul3A_14 : i32
    %add3A_16 = arith.constant 256 : i32
    %add3A_17 = arith.addi %mul3A_15, %add3A_16 : i32
    "tpu.region"() ({
      %run_scoped3A = tpu.sem_alloc : memref<!tpu.dma_semaphore, #tpu.memory_space<semaphore_mem>>
      %dma_start3A_247 = arith.constant 0 : i32
      %dma_start3A_248 = tpu.memref_slice %arg17[%add3A_17, %dma_start3A_247] : memref<10240x64xf32, #tpu.memory_space<vmem_shared>> -> memref<128x64xf32, #tpu.memory_space<vmem_shared>>
      %dma_start3A_249 = arith.constant 0 : i32
      %dma_start3A_250 = tpu.memref_slice %arg17[%add3A_17, %dma_start3A_249] : memref<10240x64xf32, #tpu.memory_space<vmem_shared>> -> memref<128x64xf32, #tpu.memory_space<vmem_shared>>
      tpu.enqueue_dma source(%arg9 : memref<128x64xf32, #tpu.memory_space<vmem>>) target(%dma_start3A_250 : memref<128x64xf32, #tpu.memory_space<vmem_shared>>) target_semaphore(%run_scoped3A : memref<!tpu.dma_semaphore, #tpu.memory_space<semaphore_mem>>)
      %dma_wait3A_251 = arith.constant 0 : i32
      %dma_wait3A_252 = tpu.memref_slice %arg17[%add3A_17, %dma_wait3A_251] : memref<10240x64xf32, #tpu.memory_space<vmem_shared>> -> memref<128x64xf32, #tpu.memory_space<vmem_shared>>
      %dma_wait3A_253 = arith.constant 0 : i32
      %dma_wait3A_254 = tpu.memref_slice %arg17[%add3A_17, %dma_wait3A_253] : memref<10240x64xf32, #tpu.memory_space<vmem_shared>> -> memref<128x64xf32, #tpu.memory_space<vmem_shared>>
      tpu.wait_dma2 semaphore(%run_scoped3A : memref<!tpu.dma_semaphore, #tpu.memory_space<semaphore_mem>>) src(%arg9 : memref<128x64xf32, #tpu.memory_space<vmem>>) dst(%dma_wait3A_254 : memref<128x64xf32, #tpu.memory_space<vmem_shared>>)
      tpu.yield
    }) : () -> ()
    %mul3A_18 = arith.constant 640 : i32
    %mul3A_19 = arith.muli %arg1, %mul3A_18 : i32
    %add3A_20 = arith.constant 384 : i32
    %add3A_21 = arith.addi %mul3A_19, %add3A_20 : i32
    "tpu.region"() ({
      %run_scoped3A = tpu.sem_alloc : memref<!tpu.dma_semaphore, #tpu.memory_space<semaphore_mem>>
      %dma_start3A_247 = arith.constant 0 : i32
      %dma_start3A_248 = tpu.memref_slice %arg17[%add3A_21, %dma_start3A_247] : memref<10240x64xf32, #tpu.memory_space<vmem_shared>> -> memref<128x64xf32, #tpu.memory_space<vmem_shared>>
      %dma_start3A_249 = arith.constant 0 : i32
      %dma_start3A_250 = tpu.memref_slice %arg17[%add3A_21, %dma_start3A_249] : memref<10240x64xf32, #tpu.memory_space<vmem_shared>> -> memref<128x64xf32, #tpu.memory_space<vmem_shared>>
      tpu.enqueue_dma source(%arg9 : memref<128x64xf32, #tpu.memory_space<vmem>>) target(%dma_start3A_250 : memref<128x64xf32, #tpu.memory_space<vmem_shared>>) target_semaphore(%run_scoped3A : memref<!tpu.dma_semaphore, #tpu.memory_space<semaphore_mem>>)
      %dma_wait3A_251 = arith.constant 0 : i32
      %dma_wait3A_252 = tpu.memref_slice %arg17[%add3A_21, %dma_wait3A_251] : memref<10240x64xf32, #tpu.memory_space<vmem_shared>> -> memref<128x64xf32, #tpu.memory_space<vmem_shared>>
      %dma_wait3A_253 = arith.constant 0 : i32
      %dma_wait3A_254 = tpu.memref_slice %arg17[%add3A_21, %dma_wait3A_253] : memref<10240x64xf32, #tpu.memory_space<vmem_shared>> -> memref<128x64xf32, #tpu.memory_space<vmem_shared>>
      tpu.wait_dma2 semaphore(%run_scoped3A : memref<!tpu.dma_semaphore, #tpu.memory_space<semaphore_mem>>) src(%arg9 : memref<128x64xf32, #tpu.memory_space<vmem>>) dst(%dma_wait3A_254 : memref<128x64xf32, #tpu.memory_space<vmem_shared>>)
      tpu.yield
    }) : () -> ()
    %mul3A_22 = arith.constant 640 : i32
    %mul3A_23 = arith.muli %arg1, %mul3A_22 : i32
    %add3A_24 = arith.constant 512 : i32
    %add3A_25 = arith.addi %mul3A_23, %add3A_24 : i32
    "tpu.region"() ({
      %run_scoped3A = tpu.sem_alloc : memref<!tpu.dma_semaphore, #tpu.memory_space<semaphore_mem>>
      %dma_start3A_247 = arith.constant 0 : i32
      %dma_start3A_248 = tpu.memref_slice %arg17[%add3A_25, %dma_start3A_247] : memref<10240x64xf32, #tpu.memory_space<vmem_shared>> -> memref<128x64xf32, #tpu.memory_space<vmem_shared>>
      %dma_start3A_249 = arith.constant 0 : i32
      %dma_start3A_250 = tpu.memref_slice %arg17[%add3A_25, %dma_start3A_249] : memref<10240x64xf32, #tpu.memory_space<vmem_shared>> -> memref<128x64xf32, #tpu.memory_space<vmem_shared>>
      tpu.enqueue_dma source(%arg9 : memref<128x64xf32, #tpu.memory_space<vmem>>) target(%dma_start3A_250 : memref<128x64xf32, #tpu.memory_space<vmem_shared>>) target_semaphore(%run_scoped3A : memref<!tpu.dma_semaphore, #tpu.memory_space<semaphore_mem>>)
      %dma_wait3A_251 = arith.constant 0 : i32
      %dma_wait3A_252 = tpu.memref_slice %arg17[%add3A_25, %dma_wait3A_251] : memref<10240x64xf32, #tpu.memory_space<vmem_shared>> -> memref<128x64xf32, #tpu.memory_space<vmem_shared>>
      %dma_wait3A_253 = arith.constant 0 : i32
      %dma_wait3A_254 = tpu.memref_slice %arg17[%add3A_25, %dma_wait3A_253] : memref<10240x64xf32, #tpu.memory_space<vmem_shared>> -> memref<128x64xf32, #tpu.memory_space<vmem_shared>>
      tpu.wait_dma2 semaphore(%run_scoped3A : memref<!tpu.dma_semaphore, #tpu.memory_space<semaphore_mem>>) src(%arg9 : memref<128x64xf32, #tpu.memory_space<vmem>>) dst(%dma_wait3A_254 : memref<128x64xf32, #tpu.memory_space<vmem_shared>>)
      tpu.yield
    }) : () -> ()
    %mul3A_26 = arith.constant 80 : i32
    %mul3A_27 = arith.muli %add3A, %mul3A_26 : i32
    "tpu.region"() ({
      %run_scoped3A = tpu.sem_alloc : memref<!tpu.dma_semaphore, #tpu.memory_space<semaphore_mem>>
      %dma_start3A_247 = arith.constant 0 : i32
      %dma_start3A_248 = tpu.memref_slice %arg3[%mul3A_27, %dma_start3A_247] : memref<2560x128xi32, #tpu.memory_space<hbm>> -> memref<80x128xi32, #tpu.memory_space<hbm>>
      %dma_start3A_249 = arith.constant 0 : i32
      %dma_start3A_250 = tpu.memref_slice %arg3[%mul3A_27, %dma_start3A_249] : memref<2560x128xi32, #tpu.memory_space<hbm>> -> memref<80x128xi32, #tpu.memory_space<hbm>>
      tpu.enqueue_dma source(%dma_start3A_250 : memref<80x128xi32, #tpu.memory_space<hbm>>) target(%arg7 : memref<80x128xi32, #tpu.memory_space<vmem>>) target_semaphore(%run_scoped3A : memref<!tpu.dma_semaphore, #tpu.memory_space<semaphore_mem>>)
      %dma_wait3A_251 = arith.constant 0 : i32
      %dma_wait3A_252 = tpu.memref_slice %arg3[%mul3A_27, %dma_wait3A_251] : memref<2560x128xi32, #tpu.memory_space<hbm>> -> memref<80x128xi32, #tpu.memory_space<hbm>>
      %dma_wait3A_253 = arith.constant 0 : i32
      %dma_wait3A_254 = tpu.memref_slice %arg3[%mul3A_27, %dma_wait3A_253] : memref<2560x128xi32, #tpu.memory_space<hbm>> -> memref<80x128xi32, #tpu.memory_space<hbm>>
      tpu.wait_dma2 semaphore(%run_scoped3A : memref<!tpu.dma_semaphore, #tpu.memory_space<semaphore_mem>>) src(%dma_wait3A_254 : memref<80x128xi32, #tpu.memory_space<hbm>>) dst(%arg7 : memref<80x128xi32, #tpu.memory_space<vmem>>)
      tpu.yield
    }) : () -> ()
    "tpu.region"() ({
      %run_scoped3A = tpu.sem_alloc : memref<!tpu.dma_semaphore, #tpu.memory_space<semaphore_mem>>
      %dma_start3A_247 = arith.constant 0 : i32
      %dma_start3A_248 = tpu.memref_slice %arg4[%mul3A_27, %dma_start3A_247] : memref<2560x128xi32, #tpu.memory_space<hbm>> -> memref<80x128xi32, #tpu.memory_space<hbm>>
      %dma_start3A_249 = arith.constant 0 : i32
      %dma_start3A_250 = tpu.memref_slice %arg4[%mul3A_27, %dma_start3A_249] : memref<2560x128xi32, #tpu.memory_space<hbm>> -> memref<80x128xi32, #tpu.memory_space<hbm>>
      tpu.enqueue_dma source(%dma_start3A_250 : memref<80x128xi32, #tpu.memory_space<hbm>>) target(%arg8 : memref<80x128xi32, #tpu.memory_space<vmem>>) target_semaphore(%run_scoped3A : memref<!tpu.dma_semaphore, #tpu.memory_space<semaphore_mem>>)
      %dma_wait3A_251 = arith.constant 0 : i32
      %dma_wait3A_252 = tpu.memref_slice %arg4[%mul3A_27, %dma_wait3A_251] : memref<2560x128xi32, #tpu.memory_space<hbm>> -> memref<80x128xi32, #tpu.memory_space<hbm>>
      %dma_wait3A_253 = arith.constant 0 : i32
      %dma_wait3A_254 = tpu.memref_slice %arg4[%mul3A_27, %dma_wait3A_253] : memref<2560x128xi32, #tpu.memory_space<hbm>> -> memref<80x128xi32, #tpu.memory_space<hbm>>
      tpu.wait_dma2 semaphore(%run_scoped3A : memref<!tpu.dma_semaphore, #tpu.memory_space<semaphore_mem>>) src(%dma_wait3A_254 : memref<80x128xi32, #tpu.memory_space<hbm>>) dst(%arg8 : memref<80x128xi32, #tpu.memory_space<vmem>>)
      tpu.yield
    }) : () -> ()
    %barrier3A = arith.constant 0 : index
    tpu.barrier barrier_id(%barrier3A)
    %dma_start3A = arith.constant 0 : i32
    %dma_start3A_28 = arith.constant 0 : i32
    %dma_start3A_29 = tpu.memref_slice %arg7[%dma_start3A, %dma_start3A_28] : memref<80x128xi32, #tpu.memory_space<vmem>> -> memref<1x128xi32, #tpu.memory_space<vmem>>
    %dma_start3A_30 = tpu.memref_squeeze %dma_start3A_29 : memref<1x128xi32, #tpu.memory_space<vmem>> -> memref<128xi32, #tpu.memory_space<vmem>>
    %dma_start3A_31 = arith.constant 0 : i32
    %dma_start3A_32 = arith.constant 0 : i32
    %dma_start3A_33 = tpu.memref_slice %arg2[%dma_start3A_31, %dma_start3A_32] : memref<10240x64xf32, #tpu.memory_space<hbm>> -> memref<10240x64xf32, #tpu.memory_space<hbm>>
    tpu.enqueue_indirect_dma source(%dma_start3A_33 : memref<10240x64xf32, #tpu.memory_space<hbm>>) target(%arg9 : memref<128x64xf32, #tpu.memory_space<vmem>>) offsets(%dma_start3A_30 : memref<128xi32, #tpu.memory_space<vmem>>) semaphore(%arg18 : memref<!tpu.dma_semaphore, #tpu.memory_space<semaphore_mem>>)
    %dma_start3A_34 = arith.constant 1 : i32
    %dma_start3A_35 = arith.constant 0 : i32
    %dma_start3A_36 = tpu.memref_slice %arg7[%dma_start3A_34, %dma_start3A_35] : memref<80x128xi32, #tpu.memory_space<vmem>> -> memref<1x128xi32, #tpu.memory_space<vmem>>
    %dma_start3A_37 = tpu.memref_squeeze %dma_start3A_36 : memref<1x128xi32, #tpu.memory_space<vmem>> -> memref<128xi32, #tpu.memory_space<vmem>>
    %dma_start3A_38 = arith.constant 0 : i32
    %dma_start3A_39 = arith.constant 0 : i32
    %dma_start3A_40 = tpu.memref_slice %arg2[%dma_start3A_38, %dma_start3A_39] : memref<10240x64xf32, #tpu.memory_space<hbm>> -> memref<10240x64xf32, #tpu.memory_space<hbm>>
    tpu.enqueue_indirect_dma source(%dma_start3A_40 : memref<10240x64xf32, #tpu.memory_space<hbm>>) target(%arg10 : memref<128x64xf32, #tpu.memory_space<vmem>>) offsets(%dma_start3A_37 : memref<128xi32, #tpu.memory_space<vmem>>) semaphore(%arg19 : memref<!tpu.dma_semaphore, #tpu.memory_space<semaphore_mem>>)
    %dma_start3A_41 = arith.constant 2 : i32
    %dma_start3A_42 = arith.constant 0 : i32
    %dma_start3A_43 = tpu.memref_slice %arg7[%dma_start3A_41, %dma_start3A_42] : memref<80x128xi32, #tpu.memory_space<vmem>> -> memref<1x128xi32, #tpu.memory_space<vmem>>
    %dma_start3A_44 = tpu.memref_squeeze %dma_start3A_43 : memref<1x128xi32, #tpu.memory_space<vmem>> -> memref<128xi32, #tpu.memory_space<vmem>>
    %dma_start3A_45 = arith.constant 0 : i32
    %dma_start3A_46 = arith.constant 0 : i32
    %dma_start3A_47 = tpu.memref_slice %arg2[%dma_start3A_45, %dma_start3A_46] : memref<10240x64xf32, #tpu.memory_space<hbm>> -> memref<10240x64xf32, #tpu.memory_space<hbm>>
    tpu.enqueue_indirect_dma source(%dma_start3A_47 : memref<10240x64xf32, #tpu.memory_space<hbm>>) target(%arg11 : memref<128x64xf32, #tpu.memory_space<vmem>>) offsets(%dma_start3A_44 : memref<128xi32, #tpu.memory_space<vmem>>) semaphore(%arg20 : memref<!tpu.dma_semaphore, #tpu.memory_space<semaphore_mem>>)
    %dma_start3A_48 = arith.constant 3 : i32
    %dma_start3A_49 = arith.constant 0 : i32
    %dma_start3A_50 = tpu.memref_slice %arg7[%dma_start3A_48, %dma_start3A_49] : memref<80x128xi32, #tpu.memory_space<vmem>> -> memref<1x128xi32, #tpu.memory_space<vmem>>
    %dma_start3A_51 = tpu.memref_squeeze %dma_start3A_50 : memref<1x128xi32, #tpu.memory_space<vmem>> -> memref<128xi32, #tpu.memory_space<vmem>>
    %dma_start3A_52 = arith.constant 0 : i32
    %dma_start3A_53 = arith.constant 0 : i32
    %dma_start3A_54 = tpu.memref_slice %arg2[%dma_start3A_52, %dma_start3A_53] : memref<10240x64xf32, #tpu.memory_space<hbm>> -> memref<10240x64xf32, #tpu.memory_space<hbm>>
    tpu.enqueue_indirect_dma source(%dma_start3A_54 : memref<10240x64xf32, #tpu.memory_space<hbm>>) target(%arg12 : memref<128x64xf32, #tpu.memory_space<vmem>>) offsets(%dma_start3A_51 : memref<128xi32, #tpu.memory_space<vmem>>) semaphore(%arg21 : memref<!tpu.dma_semaphore, #tpu.memory_space<semaphore_mem>>)
    %dma_start3A_55 = arith.constant 4 : i32
    %dma_start3A_56 = arith.constant 0 : i32
    %dma_start3A_57 = tpu.memref_slice %arg7[%dma_start3A_55, %dma_start3A_56] : memref<80x128xi32, #tpu.memory_space<vmem>> -> memref<1x128xi32, #tpu.memory_space<vmem>>
    %dma_start3A_58 = tpu.memref_squeeze %dma_start3A_57 : memref<1x128xi32, #tpu.memory_space<vmem>> -> memref<128xi32, #tpu.memory_space<vmem>>
    %dma_start3A_59 = arith.constant 0 : i32
    %dma_start3A_60 = arith.constant 0 : i32
    %dma_start3A_61 = tpu.memref_slice %arg2[%dma_start3A_59, %dma_start3A_60] : memref<10240x64xf32, #tpu.memory_space<hbm>> -> memref<10240x64xf32, #tpu.memory_space<hbm>>
    tpu.enqueue_indirect_dma source(%dma_start3A_61 : memref<10240x64xf32, #tpu.memory_space<hbm>>) target(%arg13 : memref<128x64xf32, #tpu.memory_space<vmem>>) offsets(%dma_start3A_58 : memref<128xi32, #tpu.memory_space<vmem>>) semaphore(%arg22 : memref<!tpu.dma_semaphore, #tpu.memory_space<semaphore_mem>>)
    %dma_wait3A = arith.constant 0 : i32
    %dma_wait3A_62 = arith.constant 0 : i32
    %dma_wait3A_63 = tpu.memref_slice %arg2[%dma_wait3A, %dma_wait3A_62] : memref<10240x64xf32, #tpu.memory_space<hbm>> -> memref<128x64xf32, #tpu.memory_space<hbm>>
    %dma_wait3A_64 = arith.constant 0 : i32
    %dma_wait3A_65 = arith.constant 0 : i32
    %dma_wait3A_66 = tpu.memref_slice %arg2[%dma_wait3A_64, %dma_wait3A_65] : memref<10240x64xf32, #tpu.memory_space<hbm>> -> memref<128x64xf32, #tpu.memory_space<hbm>>
    tpu.wait_dma2 semaphore(%arg18 : memref<!tpu.dma_semaphore, #tpu.memory_space<semaphore_mem>>) src(%dma_wait3A_66 : memref<128x64xf32, #tpu.memory_space<hbm>>) dst(%arg9 : memref<128x64xf32, #tpu.memory_space<vmem>>)
    %dma_start3A_67 = arith.constant 0 : i32
    %dma_start3A_68 = arith.constant 0 : i32
    %dma_start3A_69 = tpu.memref_slice %arg8[%dma_start3A_67, %dma_start3A_68] : memref<80x128xi32, #tpu.memory_space<vmem>> -> memref<1x128xi32, #tpu.memory_space<vmem>>
    %dma_start3A_70 = tpu.memref_squeeze %dma_start3A_69 : memref<1x128xi32, #tpu.memory_space<vmem>> -> memref<128xi32, #tpu.memory_space<vmem>>
    %dma_start3A_71 = arith.constant 0 : i32
    %dma_start3A_72 = arith.constant 0 : i32
    %dma_start3A_73 = tpu.memref_slice %arg17[%dma_start3A_71, %dma_start3A_72] : memref<10240x64xf32, #tpu.memory_space<vmem_shared>> -> memref<10240x64xf32, #tpu.memory_space<vmem_shared>>
    tpu.enqueue_indirect_dma source(%arg9 : memref<128x64xf32, #tpu.memory_space<vmem>>) target(%dma_start3A_73 : memref<10240x64xf32, #tpu.memory_space<vmem_shared>>) offsets(%dma_start3A_70 : memref<128xi32, #tpu.memory_space<vmem>>) semaphore(%arg26 : memref<!tpu.dma_semaphore, #tpu.memory_space<semaphore_mem>>) {add = true}
    %dma_start3A_74 = arith.constant 5 : i32
    %dma_start3A_75 = arith.constant 0 : i32
    %dma_start3A_76 = tpu.memref_slice %arg7[%dma_start3A_74, %dma_start3A_75] : memref<80x128xi32, #tpu.memory_space<vmem>> -> memref<1x128xi32, #tpu.memory_space<vmem>>
    %dma_start3A_77 = tpu.memref_squeeze %dma_start3A_76 : memref<1x128xi32, #tpu.memory_space<vmem>> -> memref<128xi32, #tpu.memory_space<vmem>>
    %dma_start3A_78 = arith.constant 0 : i32
    %dma_start3A_79 = arith.constant 0 : i32
    %dma_start3A_80 = tpu.memref_slice %arg2[%dma_start3A_78, %dma_start3A_79] : memref<10240x64xf32, #tpu.memory_space<hbm>> -> memref<10240x64xf32, #tpu.memory_space<hbm>>
    tpu.enqueue_indirect_dma source(%dma_start3A_80 : memref<10240x64xf32, #tpu.memory_space<hbm>>) target(%arg14 : memref<128x64xf32, #tpu.memory_space<vmem>>) offsets(%dma_start3A_77 : memref<128xi32, #tpu.memory_space<vmem>>) semaphore(%arg23 : memref<!tpu.dma_semaphore, #tpu.memory_space<semaphore_mem>>)
    %dma_wait3A_81 = arith.constant 0 : i32
    %dma_wait3A_82 = arith.constant 0 : i32
    %dma_wait3A_83 = tpu.memref_slice %arg2[%dma_wait3A_81, %dma_wait3A_82] : memref<10240x64xf32, #tpu.memory_space<hbm>> -> memref<128x64xf32, #tpu.memory_space<hbm>>
    %dma_wait3A_84 = arith.constant 0 : i32
    %dma_wait3A_85 = arith.constant 0 : i32
    %dma_wait3A_86 = tpu.memref_slice %arg2[%dma_wait3A_84, %dma_wait3A_85] : memref<10240x64xf32, #tpu.memory_space<hbm>> -> memref<128x64xf32, #tpu.memory_space<hbm>>
    tpu.wait_dma2 semaphore(%arg19 : memref<!tpu.dma_semaphore, #tpu.memory_space<semaphore_mem>>) src(%dma_wait3A_86 : memref<128x64xf32, #tpu.memory_space<hbm>>) dst(%arg10 : memref<128x64xf32, #tpu.memory_space<vmem>>)
    %dma_start3A_87 = arith.constant 1 : i32
    %dma_start3A_88 = arith.constant 0 : i32
    %dma_start3A_89 = tpu.memref_slice %arg8[%dma_start3A_87, %dma_start3A_88] : memref<80x128xi32, #tpu.memory_space<vmem>> -> memref<1x128xi32, #tpu.memory_space<vmem>>
    %dma_start3A_90 = tpu.memref_squeeze %dma_start3A_89 : memref<1x128xi32, #tpu.memory_space<vmem>> -> memref<128xi32, #tpu.memory_space<vmem>>
    %dma_start3A_91 = arith.constant 0 : i32
    %dma_start3A_92 = arith.constant 0 : i32
    %dma_start3A_93 = tpu.memref_slice %arg17[%dma_start3A_91, %dma_start3A_92] : memref<10240x64xf32, #tpu.memory_space<vmem_shared>> -> memref<10240x64xf32, #tpu.memory_space<vmem_shared>>
    tpu.enqueue_indirect_dma source(%arg10 : memref<128x64xf32, #tpu.memory_space<vmem>>) target(%dma_start3A_93 : memref<10240x64xf32, #tpu.memory_space<vmem_shared>>) offsets(%dma_start3A_90 : memref<128xi32, #tpu.memory_space<vmem>>) semaphore(%arg27 : memref<!tpu.dma_semaphore, #tpu.memory_space<semaphore_mem>>) {add = true}
    %dma_start3A_94 = arith.constant 6 : i32
    %dma_start3A_95 = arith.constant 0 : i32
    %dma_start3A_96 = tpu.memref_slice %arg7[%dma_start3A_94, %dma_start3A_95] : memref<80x128xi32, #tpu.memory_space<vmem>> -> memref<1x128xi32, #tpu.memory_space<vmem>>
    %dma_start3A_97 = tpu.memref_squeeze %dma_start3A_96 : memref<1x128xi32, #tpu.memory_space<vmem>> -> memref<128xi32, #tpu.memory_space<vmem>>
    %dma_start3A_98 = arith.constant 0 : i32
    %dma_start3A_99 = arith.constant 0 : i32
    %dma_start3A_100 = tpu.memref_slice %arg2[%dma_start3A_98, %dma_start3A_99] : memref<10240x64xf32, #tpu.memory_space<hbm>> -> memref<10240x64xf32, #tpu.memory_space<hbm>>
    tpu.enqueue_indirect_dma source(%dma_start3A_100 : memref<10240x64xf32, #tpu.memory_space<hbm>>) target(%arg15 : memref<128x64xf32, #tpu.memory_space<vmem>>) offsets(%dma_start3A_97 : memref<128xi32, #tpu.memory_space<vmem>>) semaphore(%arg24 : memref<!tpu.dma_semaphore, #tpu.memory_space<semaphore_mem>>)
    %dma_wait3A_101 = arith.constant 0 : i32
    %dma_wait3A_102 = arith.constant 0 : i32
    %dma_wait3A_103 = tpu.memref_slice %arg2[%dma_wait3A_101, %dma_wait3A_102] : memref<10240x64xf32, #tpu.memory_space<hbm>> -> memref<128x64xf32, #tpu.memory_space<hbm>>
    %dma_wait3A_104 = arith.constant 0 : i32
    %dma_wait3A_105 = arith.constant 0 : i32
    %dma_wait3A_106 = tpu.memref_slice %arg2[%dma_wait3A_104, %dma_wait3A_105] : memref<10240x64xf32, #tpu.memory_space<hbm>> -> memref<128x64xf32, #tpu.memory_space<hbm>>
    tpu.wait_dma2 semaphore(%arg20 : memref<!tpu.dma_semaphore, #tpu.memory_space<semaphore_mem>>) src(%dma_wait3A_106 : memref<128x64xf32, #tpu.memory_space<hbm>>) dst(%arg11 : memref<128x64xf32, #tpu.memory_space<vmem>>)
    %dma_start3A_107 = arith.constant 2 : i32
    %dma_start3A_108 = arith.constant 0 : i32
    %dma_start3A_109 = tpu.memref_slice %arg8[%dma_start3A_107, %dma_start3A_108] : memref<80x128xi32, #tpu.memory_space<vmem>> -> memref<1x128xi32, #tpu.memory_space<vmem>>
    %dma_start3A_110 = tpu.memref_squeeze %dma_start3A_109 : memref<1x128xi32, #tpu.memory_space<vmem>> -> memref<128xi32, #tpu.memory_space<vmem>>
    %dma_start3A_111 = arith.constant 0 : i32
    %dma_start3A_112 = arith.constant 0 : i32
    %dma_start3A_113 = tpu.memref_slice %arg17[%dma_start3A_111, %dma_start3A_112] : memref<10240x64xf32, #tpu.memory_space<vmem_shared>> -> memref<10240x64xf32, #tpu.memory_space<vmem_shared>>
    tpu.enqueue_indirect_dma source(%arg11 : memref<128x64xf32, #tpu.memory_space<vmem>>) target(%dma_start3A_113 : memref<10240x64xf32, #tpu.memory_space<vmem_shared>>) offsets(%dma_start3A_110 : memref<128xi32, #tpu.memory_space<vmem>>) semaphore(%arg28 : memref<!tpu.dma_semaphore, #tpu.memory_space<semaphore_mem>>) {add = true}
    %dma_start3A_114 = arith.constant 7 : i32
    %dma_start3A_115 = arith.constant 0 : i32
    %dma_start3A_116 = tpu.memref_slice %arg7[%dma_start3A_114, %dma_start3A_115] : memref<80x128xi32, #tpu.memory_space<vmem>> -> memref<1x128xi32, #tpu.memory_space<vmem>>
    %dma_start3A_117 = tpu.memref_squeeze %dma_start3A_116 : memref<1x128xi32, #tpu.memory_space<vmem>> -> memref<128xi32, #tpu.memory_space<vmem>>
    %dma_start3A_118 = arith.constant 0 : i32
    %dma_start3A_119 = arith.constant 0 : i32
    %dma_start3A_120 = tpu.memref_slice %arg2[%dma_start3A_118, %dma_start3A_119] : memref<10240x64xf32, #tpu.memory_space<hbm>> -> memref<10240x64xf32, #tpu.memory_space<hbm>>
    tpu.enqueue_indirect_dma source(%dma_start3A_120 : memref<10240x64xf32, #tpu.memory_space<hbm>>) target(%arg16 : memref<128x64xf32, #tpu.memory_space<vmem>>) offsets(%dma_start3A_117 : memref<128xi32, #tpu.memory_space<vmem>>) semaphore(%arg25 : memref<!tpu.dma_semaphore, #tpu.memory_space<semaphore_mem>>)
    %dma_wait3A_121 = arith.constant 0 : i32
    %dma_wait3A_122 = arith.constant 0 : i32
    %dma_wait3A_123 = tpu.memref_slice %arg2[%dma_wait3A_121, %dma_wait3A_122] : memref<10240x64xf32, #tpu.memory_space<hbm>> -> memref<128x64xf32, #tpu.memory_space<hbm>>
    %dma_wait3A_124 = arith.constant 0 : i32
    %dma_wait3A_125 = arith.constant 0 : i32
    %dma_wait3A_126 = tpu.memref_slice %arg2[%dma_wait3A_124, %dma_wait3A_125] : memref<10240x64xf32, #tpu.memory_space<hbm>> -> memref<128x64xf32, #tpu.memory_space<hbm>>
    tpu.wait_dma2 semaphore(%arg21 : memref<!tpu.dma_semaphore, #tpu.memory_space<semaphore_mem>>) src(%dma_wait3A_126 : memref<128x64xf32, #tpu.memory_space<hbm>>) dst(%arg12 : memref<128x64xf32, #tpu.memory_space<vmem>>)
    %dma_start3A_127 = arith.constant 3 : i32
    %dma_start3A_128 = arith.constant 0 : i32
    %dma_start3A_129 = tpu.memref_slice %arg8[%dma_start3A_127, %dma_start3A_128] : memref<80x128xi32, #tpu.memory_space<vmem>> -> memref<1x128xi32, #tpu.memory_space<vmem>>
    %dma_start3A_130 = tpu.memref_squeeze %dma_start3A_129 : memref<1x128xi32, #tpu.memory_space<vmem>> -> memref<128xi32, #tpu.memory_space<vmem>>
    %dma_start3A_131 = arith.constant 0 : i32
    %dma_start3A_132 = arith.constant 0 : i32
    %dma_start3A_133 = tpu.memref_slice %arg17[%dma_start3A_131, %dma_start3A_132] : memref<10240x64xf32, #tpu.memory_space<vmem_shared>> -> memref<10240x64xf32, #tpu.memory_space<vmem_shared>>
    tpu.enqueue_indirect_dma source(%arg12 : memref<128x64xf32, #tpu.memory_space<vmem>>) target(%dma_start3A_133 : memref<10240x64xf32, #tpu.memory_space<vmem_shared>>) offsets(%dma_start3A_130 : memref<128xi32, #tpu.memory_space<vmem>>) semaphore(%arg29 : memref<!tpu.dma_semaphore, #tpu.memory_space<semaphore_mem>>) {add = true}
    %scan3A_134 = arith.constant 0 : i32
    %scan3A_135 = arith.constant 9 : i32
    %scan3A_136 = arith.addi %scan3A_134, %scan3A_135 : i32
    %scan3A_137 = arith.constant 1 : i32
    scf.for %scan3A_247 = %scan3A_134 to %scan3A_136 step %scan3A_137  : i32 {
      %mul3A_248 = arith.constant 8 : i32
      %mul3A_249 = arith.muli %scan3A_247, %mul3A_248 : i32
      %add3A_250 = arith.constant 4 : i32
      %add3A_251 = arith.addi %add3A_250, %mul3A_249 : i32
      %add3A_252 = arith.constant 0 : i32
      %add3A_253 = arith.addi %add3A_251, %add3A_252 : i32
      %dma_wait3A_254 = arith.constant 0 : i32
      %dma_wait3A_255 = arith.constant 0 : i32
      %dma_wait3A_256 = tpu.memref_slice %arg17[%dma_wait3A_254, %dma_wait3A_255] : memref<10240x64xf32, #tpu.memory_space<vmem_shared>> -> memref<128x64xf32, #tpu.memory_space<vmem_shared>>
      %dma_wait3A_257 = arith.constant 0 : i32
      %dma_wait3A_258 = arith.constant 0 : i32
      %dma_wait3A_259 = tpu.memref_slice %arg17[%dma_wait3A_257, %dma_wait3A_258] : memref<10240x64xf32, #tpu.memory_space<vmem_shared>> -> memref<128x64xf32, #tpu.memory_space<vmem_shared>>
      tpu.wait_dma2 semaphore(%arg26 : memref<!tpu.dma_semaphore, #tpu.memory_space<semaphore_mem>>) src(%arg9 : memref<128x64xf32, #tpu.memory_space<vmem>>) dst(%dma_wait3A_259 : memref<128x64xf32, #tpu.memory_space<vmem_shared>>)
      %add3A_260 = arith.constant 4 : i32
      %add3A_261 = arith.addi %add3A_253, %add3A_260 : i32
      %dma_start3A_262 = arith.constant 0 : i32
      %dma_start3A_263 = tpu.memref_slice %arg7[%add3A_261, %dma_start3A_262] : memref<80x128xi32, #tpu.memory_space<vmem>> -> memref<1x128xi32, #tpu.memory_space<vmem>>
      %dma_start3A_264 = tpu.memref_squeeze %dma_start3A_263 : memref<1x128xi32, #tpu.memory_space<vmem>> -> memref<128xi32, #tpu.memory_space<vmem>>
      %dma_start3A_265 = arith.constant 0 : i32
      %dma_start3A_266 = arith.constant 0 : i32
      %dma_start3A_267 = tpu.memref_slice %arg2[%dma_start3A_265, %dma_start3A_266] : memref<10240x64xf32, #tpu.memory_space<hbm>> -> memref<10240x64xf32, #tpu.memory_space<hbm>>
      tpu.enqueue_indirect_dma source(%dma_start3A_267 : memref<10240x64xf32, #tpu.memory_space<hbm>>) target(%arg9 : memref<128x64xf32, #tpu.memory_space<vmem>>) offsets(%dma_start3A_264 : memref<128xi32, #tpu.memory_space<vmem>>) semaphore(%arg18 : memref<!tpu.dma_semaphore, #tpu.memory_space<semaphore_mem>>)
      %dma_wait3A_268 = arith.constant 0 : i32
      %dma_wait3A_269 = arith.constant 0 : i32
      %dma_wait3A_270 = tpu.memref_slice %arg2[%dma_wait3A_268, %dma_wait3A_269] : memref<10240x64xf32, #tpu.memory_space<hbm>> -> memref<128x64xf32, #tpu.memory_space<hbm>>
      %dma_wait3A_271 = arith.constant 0 : i32
      %dma_wait3A_272 = arith.constant 0 : i32
      %dma_wait3A_273 = tpu.memref_slice %arg2[%dma_wait3A_271, %dma_wait3A_272] : memref<10240x64xf32, #tpu.memory_space<hbm>> -> memref<128x64xf32, #tpu.memory_space<hbm>>
      tpu.wait_dma2 semaphore(%arg22 : memref<!tpu.dma_semaphore, #tpu.memory_space<semaphore_mem>>) src(%dma_wait3A_273 : memref<128x64xf32, #tpu.memory_space<hbm>>) dst(%arg13 : memref<128x64xf32, #tpu.memory_space<vmem>>)
      %dma_start3A_274 = arith.constant 0 : i32
      %dma_start3A_275 = tpu.memref_slice %arg8[%add3A_253, %dma_start3A_274] : memref<80x128xi32, #tpu.memory_space<vmem>> -> memref<1x128xi32, #tpu.memory_space<vmem>>
      %dma_start3A_276 = tpu.memref_squeeze %dma_start3A_275 : memref<1x128xi32, #tpu.memory_space<vmem>> -> memref<128xi32, #tpu.memory_space<vmem>>
      %dma_start3A_277 = arith.constant 0 : i32
      %dma_start3A_278 = arith.constant 0 : i32
      %dma_start3A_279 = tpu.memref_slice %arg17[%dma_start3A_277, %dma_start3A_278] : memref<10240x64xf32, #tpu.memory_space<vmem_shared>> -> memref<10240x64xf32, #tpu.memory_space<vmem_shared>>
      tpu.enqueue_indirect_dma source(%arg13 : memref<128x64xf32, #tpu.memory_space<vmem>>) target(%dma_start3A_279 : memref<10240x64xf32, #tpu.memory_space<vmem_shared>>) offsets(%dma_start3A_276 : memref<128xi32, #tpu.memory_space<vmem>>) semaphore(%arg30 : memref<!tpu.dma_semaphore, #tpu.memory_space<semaphore_mem>>) {add = true}
      %mul3A_280 = arith.constant 8 : i32
      %mul3A_281 = arith.muli %scan3A_247, %mul3A_280 : i32
      %add3A_282 = arith.constant 4 : i32
      %add3A_283 = arith.addi %add3A_282, %mul3A_281 : i32
      %add3A_284 = arith.constant 1 : i32
      %add3A_285 = arith.addi %add3A_283, %add3A_284 : i32
      %dma_wait3A_286 = arith.constant 0 : i32
      %dma_wait3A_287 = arith.constant 0 : i32
      %dma_wait3A_288 = tpu.memref_slice %arg17[%dma_wait3A_286, %dma_wait3A_287] : memref<10240x64xf32, #tpu.memory_space<vmem_shared>> -> memref<128x64xf32, #tpu.memory_space<vmem_shared>>
      %dma_wait3A_289 = arith.constant 0 : i32
      %dma_wait3A_290 = arith.constant 0 : i32
      %dma_wait3A_291 = tpu.memref_slice %arg17[%dma_wait3A_289, %dma_wait3A_290] : memref<10240x64xf32, #tpu.memory_space<vmem_shared>> -> memref<128x64xf32, #tpu.memory_space<vmem_shared>>
      tpu.wait_dma2 semaphore(%arg27 : memref<!tpu.dma_semaphore, #tpu.memory_space<semaphore_mem>>) src(%arg10 : memref<128x64xf32, #tpu.memory_space<vmem>>) dst(%dma_wait3A_291 : memref<128x64xf32, #tpu.memory_space<vmem_shared>>)
      %add3A_292 = arith.constant 4 : i32
      %add3A_293 = arith.addi %add3A_285, %add3A_292 : i32
      %dma_start3A_294 = arith.constant 0 : i32
      %dma_start3A_295 = tpu.memref_slice %arg7[%add3A_293, %dma_start3A_294] : memref<80x128xi32, #tpu.memory_space<vmem>> -> memref<1x128xi32, #tpu.memory_space<vmem>>
      %dma_start3A_296 = tpu.memref_squeeze %dma_start3A_295 : memref<1x128xi32, #tpu.memory_space<vmem>> -> memref<128xi32, #tpu.memory_space<vmem>>
      %dma_start3A_297 = arith.constant 0 : i32
      %dma_start3A_298 = arith.constant 0 : i32
      %dma_start3A_299 = tpu.memref_slice %arg2[%dma_start3A_297, %dma_start3A_298] : memref<10240x64xf32, #tpu.memory_space<hbm>> -> memref<10240x64xf32, #tpu.memory_space<hbm>>
      tpu.enqueue_indirect_dma source(%dma_start3A_299 : memref<10240x64xf32, #tpu.memory_space<hbm>>) target(%arg10 : memref<128x64xf32, #tpu.memory_space<vmem>>) offsets(%dma_start3A_296 : memref<128xi32, #tpu.memory_space<vmem>>) semaphore(%arg19 : memref<!tpu.dma_semaphore, #tpu.memory_space<semaphore_mem>>)
      %dma_wait3A_300 = arith.constant 0 : i32
      %dma_wait3A_301 = arith.constant 0 : i32
      %dma_wait3A_302 = tpu.memref_slice %arg2[%dma_wait3A_300, %dma_wait3A_301] : memref<10240x64xf32, #tpu.memory_space<hbm>> -> memref<128x64xf32, #tpu.memory_space<hbm>>
      %dma_wait3A_303 = arith.constant 0 : i32
      %dma_wait3A_304 = arith.constant 0 : i32
      %dma_wait3A_305 = tpu.memref_slice %arg2[%dma_wait3A_303, %dma_wait3A_304] : memref<10240x64xf32, #tpu.memory_space<hbm>> -> memref<128x64xf32, #tpu.memory_space<hbm>>
      tpu.wait_dma2 semaphore(%arg23 : memref<!tpu.dma_semaphore, #tpu.memory_space<semaphore_mem>>) src(%dma_wait3A_305 : memref<128x64xf32, #tpu.memory_space<hbm>>) dst(%arg14 : memref<128x64xf32, #tpu.memory_space<vmem>>)
      %dma_start3A_306 = arith.constant 0 : i32
      %dma_start3A_307 = tpu.memref_slice %arg8[%add3A_285, %dma_start3A_306] : memref<80x128xi32, #tpu.memory_space<vmem>> -> memref<1x128xi32, #tpu.memory_space<vmem>>
      %dma_start3A_308 = tpu.memref_squeeze %dma_start3A_307 : memref<1x128xi32, #tpu.memory_space<vmem>> -> memref<128xi32, #tpu.memory_space<vmem>>
      %dma_start3A_309 = arith.constant 0 : i32
      %dma_start3A_310 = arith.constant 0 : i32
      %dma_start3A_311 = tpu.memref_slice %arg17[%dma_start3A_309, %dma_start3A_310] : memref<10240x64xf32, #tpu.memory_space<vmem_shared>> -> memref<10240x64xf32, #tpu.memory_space<vmem_shared>>
      tpu.enqueue_indirect_dma source(%arg14 : memref<128x64xf32, #tpu.memory_space<vmem>>) target(%dma_start3A_311 : memref<10240x64xf32, #tpu.memory_space<vmem_shared>>) offsets(%dma_start3A_308 : memref<128xi32, #tpu.memory_space<vmem>>) semaphore(%arg31 : memref<!tpu.dma_semaphore, #tpu.memory_space<semaphore_mem>>) {add = true}
      %mul3A_312 = arith.constant 8 : i32
      %mul3A_313 = arith.muli %scan3A_247, %mul3A_312 : i32
      %add3A_314 = arith.constant 4 : i32
      %add3A_315 = arith.addi %add3A_314, %mul3A_313 : i32
      %add3A_316 = arith.constant 2 : i32
      %add3A_317 = arith.addi %add3A_315, %add3A_316 : i32
      %dma_wait3A_318 = arith.constant 0 : i32
      %dma_wait3A_319 = arith.constant 0 : i32
      %dma_wait3A_320 = tpu.memref_slice %arg17[%dma_wait3A_318, %dma_wait3A_319] : memref<10240x64xf32, #tpu.memory_space<vmem_shared>> -> memref<128x64xf32, #tpu.memory_space<vmem_shared>>
      %dma_wait3A_321 = arith.constant 0 : i32
      %dma_wait3A_322 = arith.constant 0 : i32
      %dma_wait3A_323 = tpu.memref_slice %arg17[%dma_wait3A_321, %dma_wait3A_322] : memref<10240x64xf32, #tpu.memory_space<vmem_shared>> -> memref<128x64xf32, #tpu.memory_space<vmem_shared>>
      tpu.wait_dma2 semaphore(%arg28 : memref<!tpu.dma_semaphore, #tpu.memory_space<semaphore_mem>>) src(%arg11 : memref<128x64xf32, #tpu.memory_space<vmem>>) dst(%dma_wait3A_323 : memref<128x64xf32, #tpu.memory_space<vmem_shared>>)
      %add3A_324 = arith.constant 4 : i32
      %add3A_325 = arith.addi %add3A_317, %add3A_324 : i32
      %dma_start3A_326 = arith.constant 0 : i32
      %dma_start3A_327 = tpu.memref_slice %arg7[%add3A_325, %dma_start3A_326] : memref<80x128xi32, #tpu.memory_space<vmem>> -> memref<1x128xi32, #tpu.memory_space<vmem>>
      %dma_start3A_328 = tpu.memref_squeeze %dma_start3A_327 : memref<1x128xi32, #tpu.memory_space<vmem>> -> memref<128xi32, #tpu.memory_space<vmem>>
      %dma_start3A_329 = arith.constant 0 : i32
      %dma_start3A_330 = arith.constant 0 : i32
      %dma_start3A_331 = tpu.memref_slice %arg2[%dma_start3A_329, %dma_start3A_330] : memref<10240x64xf32, #tpu.memory_space<hbm>> -> memref<10240x64xf32, #tpu.memory_space<hbm>>
      tpu.enqueue_indirect_dma source(%dma_start3A_331 : memref<10240x64xf32, #tpu.memory_space<hbm>>) target(%arg11 : memref<128x64xf32, #tpu.memory_space<vmem>>) offsets(%dma_start3A_328 : memref<128xi32, #tpu.memory_space<vmem>>) semaphore(%arg20 : memref<!tpu.dma_semaphore, #tpu.memory_space<semaphore_mem>>)
      %dma_wait3A_332 = arith.constant 0 : i32
      %dma_wait3A_333 = arith.constant 0 : i32
      %dma_wait3A_334 = tpu.memref_slice %arg2[%dma_wait3A_332, %dma_wait3A_333] : memref<10240x64xf32, #tpu.memory_space<hbm>> -> memref<128x64xf32, #tpu.memory_space<hbm>>
      %dma_wait3A_335 = arith.constant 0 : i32
      %dma_wait3A_336 = arith.constant 0 : i32
      %dma_wait3A_337 = tpu.memref_slice %arg2[%dma_wait3A_335, %dma_wait3A_336] : memref<10240x64xf32, #tpu.memory_space<hbm>> -> memref<128x64xf32, #tpu.memory_space<hbm>>
      tpu.wait_dma2 semaphore(%arg24 : memref<!tpu.dma_semaphore, #tpu.memory_space<semaphore_mem>>) src(%dma_wait3A_337 : memref<128x64xf32, #tpu.memory_space<hbm>>) dst(%arg15 : memref<128x64xf32, #tpu.memory_space<vmem>>)
      %dma_start3A_338 = arith.constant 0 : i32
      %dma_start3A_339 = tpu.memref_slice %arg8[%add3A_317, %dma_start3A_338] : memref<80x128xi32, #tpu.memory_space<vmem>> -> memref<1x128xi32, #tpu.memory_space<vmem>>
      %dma_start3A_340 = tpu.memref_squeeze %dma_start3A_339 : memref<1x128xi32, #tpu.memory_space<vmem>> -> memref<128xi32, #tpu.memory_space<vmem>>
      %dma_start3A_341 = arith.constant 0 : i32
      %dma_start3A_342 = arith.constant 0 : i32
      %dma_start3A_343 = tpu.memref_slice %arg17[%dma_start3A_341, %dma_start3A_342] : memref<10240x64xf32, #tpu.memory_space<vmem_shared>> -> memref<10240x64xf32, #tpu.memory_space<vmem_shared>>
      tpu.enqueue_indirect_dma source(%arg15 : memref<128x64xf32, #tpu.memory_space<vmem>>) target(%dma_start3A_343 : memref<10240x64xf32, #tpu.memory_space<vmem_shared>>) offsets(%dma_start3A_340 : memref<128xi32, #tpu.memory_space<vmem>>) semaphore(%arg32 : memref<!tpu.dma_semaphore, #tpu.memory_space<semaphore_mem>>) {add = true}
      %mul3A_344 = arith.constant 8 : i32
      %mul3A_345 = arith.muli %scan3A_247, %mul3A_344 : i32
      %add3A_346 = arith.constant 4 : i32
      %add3A_347 = arith.addi %add3A_346, %mul3A_345 : i32
      %add3A_348 = arith.constant 3 : i32
      %add3A_349 = arith.addi %add3A_347, %add3A_348 : i32
      %dma_wait3A_350 = arith.constant 0 : i32
      %dma_wait3A_351 = arith.constant 0 : i32
      %dma_wait3A_352 = tpu.memref_slice %arg17[%dma_wait3A_350, %dma_wait3A_351] : memref<10240x64xf32, #tpu.memory_space<vmem_shared>> -> memref<128x64xf32, #tpu.memory_space<vmem_shared>>
      %dma_wait3A_353 = arith.constant 0 : i32
      %dma_wait3A_354 = arith.constant 0 : i32
      %dma_wait3A_355 = tpu.memref_slice %arg17[%dma_wait3A_353, %dma_wait3A_354] : memref<10240x64xf32, #tpu.memory_space<vmem_shared>> -> memref<128x64xf32, #tpu.memory_space<vmem_shared>>
      tpu.wait_dma2 semaphore(%arg29 : memref<!tpu.dma_semaphore, #tpu.memory_space<semaphore_mem>>) src(%arg12 : memref<128x64xf32, #tpu.memory_space<vmem>>) dst(%dma_wait3A_355 : memref<128x64xf32, #tpu.memory_space<vmem_shared>>)
      %add3A_356 = arith.constant 4 : i32
      %add3A_357 = arith.addi %add3A_349, %add3A_356 : i32
      %dma_start3A_358 = arith.constant 0 : i32
      %dma_start3A_359 = tpu.memref_slice %arg7[%add3A_357, %dma_start3A_358] : memref<80x128xi32, #tpu.memory_space<vmem>> -> memref<1x128xi32, #tpu.memory_space<vmem>>
      %dma_start3A_360 = tpu.memref_squeeze %dma_start3A_359 : memref<1x128xi32, #tpu.memory_space<vmem>> -> memref<128xi32, #tpu.memory_space<vmem>>
      %dma_start3A_361 = arith.constant 0 : i32
      %dma_start3A_362 = arith.constant 0 : i32
      %dma_start3A_363 = tpu.memref_slice %arg2[%dma_start3A_361, %dma_start3A_362] : memref<10240x64xf32, #tpu.memory_space<hbm>> -> memref<10240x64xf32, #tpu.memory_space<hbm>>
      tpu.enqueue_indirect_dma source(%dma_start3A_363 : memref<10240x64xf32, #tpu.memory_space<hbm>>) target(%arg12 : memref<128x64xf32, #tpu.memory_space<vmem>>) offsets(%dma_start3A_360 : memref<128xi32, #tpu.memory_space<vmem>>) semaphore(%arg21 : memref<!tpu.dma_semaphore, #tpu.memory_space<semaphore_mem>>)
      %dma_wait3A_364 = arith.constant 0 : i32
      %dma_wait3A_365 = arith.constant 0 : i32
      %dma_wait3A_366 = tpu.memref_slice %arg2[%dma_wait3A_364, %dma_wait3A_365] : memref<10240x64xf32, #tpu.memory_space<hbm>> -> memref<128x64xf32, #tpu.memory_space<hbm>>
      %dma_wait3A_367 = arith.constant 0 : i32
      %dma_wait3A_368 = arith.constant 0 : i32
      %dma_wait3A_369 = tpu.memref_slice %arg2[%dma_wait3A_367, %dma_wait3A_368] : memref<10240x64xf32, #tpu.memory_space<hbm>> -> memref<128x64xf32, #tpu.memory_space<hbm>>
      tpu.wait_dma2 semaphore(%arg25 : memref<!tpu.dma_semaphore, #tpu.memory_space<semaphore_mem>>) src(%dma_wait3A_369 : memref<128x64xf32, #tpu.memory_space<hbm>>) dst(%arg16 : memref<128x64xf32, #tpu.memory_space<vmem>>)
      %dma_start3A_370 = arith.constant 0 : i32
      %dma_start3A_371 = tpu.memref_slice %arg8[%add3A_349, %dma_start3A_370] : memref<80x128xi32, #tpu.memory_space<vmem>> -> memref<1x128xi32, #tpu.memory_space<vmem>>
      %dma_start3A_372 = tpu.memref_squeeze %dma_start3A_371 : memref<1x128xi32, #tpu.memory_space<vmem>> -> memref<128xi32, #tpu.memory_space<vmem>>
      %dma_start3A_373 = arith.constant 0 : i32
      %dma_start3A_374 = arith.constant 0 : i32
      %dma_start3A_375 = tpu.memref_slice %arg17[%dma_start3A_373, %dma_start3A_374] : memref<10240x64xf32, #tpu.memory_space<vmem_shared>> -> memref<10240x64xf32, #tpu.memory_space<vmem_shared>>
      tpu.enqueue_indirect_dma source(%arg16 : memref<128x64xf32, #tpu.memory_space<vmem>>) target(%dma_start3A_375 : memref<10240x64xf32, #tpu.memory_space<vmem_shared>>) offsets(%dma_start3A_372 : memref<128xi32, #tpu.memory_space<vmem>>) semaphore(%arg33 : memref<!tpu.dma_semaphore, #tpu.memory_space<semaphore_mem>>) {add = true}
      %mul3A_376 = arith.constant 8 : i32
      %mul3A_377 = arith.muli %scan3A_247, %mul3A_376 : i32
      %add3A_378 = arith.constant 4 : i32
      %add3A_379 = arith.addi %add3A_378, %mul3A_377 : i32
      %add3A_380 = arith.constant 4 : i32
      %add3A_381 = arith.addi %add3A_379, %add3A_380 : i32
      %dma_wait3A_382 = arith.constant 0 : i32
      %dma_wait3A_383 = arith.constant 0 : i32
      %dma_wait3A_384 = tpu.memref_slice %arg17[%dma_wait3A_382, %dma_wait3A_383] : memref<10240x64xf32, #tpu.memory_space<vmem_shared>> -> memref<128x64xf32, #tpu.memory_space<vmem_shared>>
      %dma_wait3A_385 = arith.constant 0 : i32
      %dma_wait3A_386 = arith.constant 0 : i32
      %dma_wait3A_387 = tpu.memref_slice %arg17[%dma_wait3A_385, %dma_wait3A_386] : memref<10240x64xf32, #tpu.memory_space<vmem_shared>> -> memref<128x64xf32, #tpu.memory_space<vmem_shared>>
      tpu.wait_dma2 semaphore(%arg30 : memref<!tpu.dma_semaphore, #tpu.memory_space<semaphore_mem>>) src(%arg13 : memref<128x64xf32, #tpu.memory_space<vmem>>) dst(%dma_wait3A_387 : memref<128x64xf32, #tpu.memory_space<vmem_shared>>)
      %add3A_388 = arith.constant 4 : i32
      %add3A_389 = arith.addi %add3A_381, %add3A_388 : i32
      %dma_start3A_390 = arith.constant 0 : i32
      %dma_start3A_391 = tpu.memref_slice %arg7[%add3A_389, %dma_start3A_390] : memref<80x128xi32, #tpu.memory_space<vmem>> -> memref<1x128xi32, #tpu.memory_space<vmem>>
      %dma_start3A_392 = tpu.memref_squeeze %dma_start3A_391 : memref<1x128xi32, #tpu.memory_space<vmem>> -> memref<128xi32, #tpu.memory_space<vmem>>
      %dma_start3A_393 = arith.constant 0 : i32
      %dma_start3A_394 = arith.constant 0 : i32
      %dma_start3A_395 = tpu.memref_slice %arg2[%dma_start3A_393, %dma_start3A_394] : memref<10240x64xf32, #tpu.memory_space<hbm>> -> memref<10240x64xf32, #tpu.memory_space<hbm>>
      tpu.enqueue_indirect_dma source(%dma_start3A_395 : memref<10240x64xf32, #tpu.memory_space<hbm>>) target(%arg13 : memref<128x64xf32, #tpu.memory_space<vmem>>) offsets(%dma_start3A_392 : memref<128xi32, #tpu.memory_space<vmem>>) semaphore(%arg22 : memref<!tpu.dma_semaphore, #tpu.memory_space<semaphore_mem>>)
      %dma_wait3A_396 = arith.constant 0 : i32
      %dma_wait3A_397 = arith.constant 0 : i32
      %dma_wait3A_398 = tpu.memref_slice %arg2[%dma_wait3A_396, %dma_wait3A_397] : memref<10240x64xf32, #tpu.memory_space<hbm>> -> memref<128x64xf32, #tpu.memory_space<hbm>>
      %dma_wait3A_399 = arith.constant 0 : i32
      %dma_wait3A_400 = arith.constant 0 : i32
      %dma_wait3A_401 = tpu.memref_slice %arg2[%dma_wait3A_399, %dma_wait3A_400] : memref<10240x64xf32, #tpu.memory_space<hbm>> -> memref<128x64xf32, #tpu.memory_space<hbm>>
      tpu.wait_dma2 semaphore(%arg18 : memref<!tpu.dma_semaphore, #tpu.memory_space<semaphore_mem>>) src(%dma_wait3A_401 : memref<128x64xf32, #tpu.memory_space<hbm>>) dst(%arg9 : memref<128x64xf32, #tpu.memory_space<vmem>>)
      %dma_start3A_402 = arith.constant 0 : i32
      %dma_start3A_403 = tpu.memref_slice %arg8[%add3A_381, %dma_start3A_402] : memref<80x128xi32, #tpu.memory_space<vmem>> -> memref<1x128xi32, #tpu.memory_space<vmem>>
      %dma_start3A_404 = tpu.memref_squeeze %dma_start3A_403 : memref<1x128xi32, #tpu.memory_space<vmem>> -> memref<128xi32, #tpu.memory_space<vmem>>
      %dma_start3A_405 = arith.constant 0 : i32
      %dma_start3A_406 = arith.constant 0 : i32
      %dma_start3A_407 = tpu.memref_slice %arg17[%dma_start3A_405, %dma_start3A_406] : memref<10240x64xf32, #tpu.memory_space<vmem_shared>> -> memref<10240x64xf32, #tpu.memory_space<vmem_shared>>
      tpu.enqueue_indirect_dma source(%arg9 : memref<128x64xf32, #tpu.memory_space<vmem>>) target(%dma_start3A_407 : memref<10240x64xf32, #tpu.memory_space<vmem_shared>>) offsets(%dma_start3A_404 : memref<128xi32, #tpu.memory_space<vmem>>) semaphore(%arg26 : memref<!tpu.dma_semaphore, #tpu.memory_space<semaphore_mem>>) {add = true}
      %mul3A_408 = arith.constant 8 : i32
      %mul3A_409 = arith.muli %scan3A_247, %mul3A_408 : i32
      %add3A_410 = arith.constant 4 : i32
      %add3A_411 = arith.addi %add3A_410, %mul3A_409 : i32
      %add3A_412 = arith.constant 5 : i32
      %add3A_413 = arith.addi %add3A_411, %add3A_412 : i32
      %dma_wait3A_414 = arith.constant 0 : i32
      %dma_wait3A_415 = arith.constant 0 : i32
      %dma_wait3A_416 = tpu.memref_slice %arg17[%dma_wait3A_414, %dma_wait3A_415] : memref<10240x64xf32, #tpu.memory_space<vmem_shared>> -> memref<128x64xf32, #tpu.memory_space<vmem_shared>>
      %dma_wait3A_417 = arith.constant 0 : i32
      %dma_wait3A_418 = arith.constant 0 : i32
      %dma_wait3A_419 = tpu.memref_slice %arg17[%dma_wait3A_417, %dma_wait3A_418] : memref<10240x64xf32, #tpu.memory_space<vmem_shared>> -> memref<128x64xf32, #tpu.memory_space<vmem_shared>>
      tpu.wait_dma2 semaphore(%arg31 : memref<!tpu.dma_semaphore, #tpu.memory_space<semaphore_mem>>) src(%arg14 : memref<128x64xf32, #tpu.memory_space<vmem>>) dst(%dma_wait3A_419 : memref<128x64xf32, #tpu.memory_space<vmem_shared>>)
      %add3A_420 = arith.constant 4 : i32
      %add3A_421 = arith.addi %add3A_413, %add3A_420 : i32
      %dma_start3A_422 = arith.constant 0 : i32
      %dma_start3A_423 = tpu.memref_slice %arg7[%add3A_421, %dma_start3A_422] : memref<80x128xi32, #tpu.memory_space<vmem>> -> memref<1x128xi32, #tpu.memory_space<vmem>>
      %dma_start3A_424 = tpu.memref_squeeze %dma_start3A_423 : memref<1x128xi32, #tpu.memory_space<vmem>> -> memref<128xi32, #tpu.memory_space<vmem>>
      %dma_start3A_425 = arith.constant 0 : i32
      %dma_start3A_426 = arith.constant 0 : i32
      %dma_start3A_427 = tpu.memref_slice %arg2[%dma_start3A_425, %dma_start3A_426] : memref<10240x64xf32, #tpu.memory_space<hbm>> -> memref<10240x64xf32, #tpu.memory_space<hbm>>
      tpu.enqueue_indirect_dma source(%dma_start3A_427 : memref<10240x64xf32, #tpu.memory_space<hbm>>) target(%arg14 : memref<128x64xf32, #tpu.memory_space<vmem>>) offsets(%dma_start3A_424 : memref<128xi32, #tpu.memory_space<vmem>>) semaphore(%arg23 : memref<!tpu.dma_semaphore, #tpu.memory_space<semaphore_mem>>)
      %dma_wait3A_428 = arith.constant 0 : i32
      %dma_wait3A_429 = arith.constant 0 : i32
      %dma_wait3A_430 = tpu.memref_slice %arg2[%dma_wait3A_428, %dma_wait3A_429] : memref<10240x64xf32, #tpu.memory_space<hbm>> -> memref<128x64xf32, #tpu.memory_space<hbm>>
      %dma_wait3A_431 = arith.constant 0 : i32
      %dma_wait3A_432 = arith.constant 0 : i32
      %dma_wait3A_433 = tpu.memref_slice %arg2[%dma_wait3A_431, %dma_wait3A_432] : memref<10240x64xf32, #tpu.memory_space<hbm>> -> memref<128x64xf32, #tpu.memory_space<hbm>>
      tpu.wait_dma2 semaphore(%arg19 : memref<!tpu.dma_semaphore, #tpu.memory_space<semaphore_mem>>) src(%dma_wait3A_433 : memref<128x64xf32, #tpu.memory_space<hbm>>) dst(%arg10 : memref<128x64xf32, #tpu.memory_space<vmem>>)
      %dma_start3A_434 = arith.constant 0 : i32
      %dma_start3A_435 = tpu.memref_slice %arg8[%add3A_413, %dma_start3A_434] : memref<80x128xi32, #tpu.memory_space<vmem>> -> memref<1x128xi32, #tpu.memory_space<vmem>>
      %dma_start3A_436 = tpu.memref_squeeze %dma_start3A_435 : memref<1x128xi32, #tpu.memory_space<vmem>> -> memref<128xi32, #tpu.memory_space<vmem>>
      %dma_start3A_437 = arith.constant 0 : i32
      %dma_start3A_438 = arith.constant 0 : i32
      %dma_start3A_439 = tpu.memref_slice %arg17[%dma_start3A_437, %dma_start3A_438] : memref<10240x64xf32, #tpu.memory_space<vmem_shared>> -> memref<10240x64xf32, #tpu.memory_space<vmem_shared>>
      tpu.enqueue_indirect_dma source(%arg10 : memref<128x64xf32, #tpu.memory_space<vmem>>) target(%dma_start3A_439 : memref<10240x64xf32, #tpu.memory_space<vmem_shared>>) offsets(%dma_start3A_436 : memref<128xi32, #tpu.memory_space<vmem>>) semaphore(%arg27 : memref<!tpu.dma_semaphore, #tpu.memory_space<semaphore_mem>>) {add = true}
      %mul3A_440 = arith.constant 8 : i32
      %mul3A_441 = arith.muli %scan3A_247, %mul3A_440 : i32
      %add3A_442 = arith.constant 4 : i32
      %add3A_443 = arith.addi %add3A_442, %mul3A_441 : i32
      %add3A_444 = arith.constant 6 : i32
      %add3A_445 = arith.addi %add3A_443, %add3A_444 : i32
      %dma_wait3A_446 = arith.constant 0 : i32
      %dma_wait3A_447 = arith.constant 0 : i32
      %dma_wait3A_448 = tpu.memref_slice %arg17[%dma_wait3A_446, %dma_wait3A_447] : memref<10240x64xf32, #tpu.memory_space<vmem_shared>> -> memref<128x64xf32, #tpu.memory_space<vmem_shared>>
      %dma_wait3A_449 = arith.constant 0 : i32
      %dma_wait3A_450 = arith.constant 0 : i32
      %dma_wait3A_451 = tpu.memref_slice %arg17[%dma_wait3A_449, %dma_wait3A_450] : memref<10240x64xf32, #tpu.memory_space<vmem_shared>> -> memref<128x64xf32, #tpu.memory_space<vmem_shared>>
      tpu.wait_dma2 semaphore(%arg32 : memref<!tpu.dma_semaphore, #tpu.memory_space<semaphore_mem>>) src(%arg15 : memref<128x64xf32, #tpu.memory_space<vmem>>) dst(%dma_wait3A_451 : memref<128x64xf32, #tpu.memory_space<vmem_shared>>)
      %add3A_452 = arith.constant 4 : i32
      %add3A_453 = arith.addi %add3A_445, %add3A_452 : i32
      %dma_start3A_454 = arith.constant 0 : i32
      %dma_start3A_455 = tpu.memref_slice %arg7[%add3A_453, %dma_start3A_454] : memref<80x128xi32, #tpu.memory_space<vmem>> -> memref<1x128xi32, #tpu.memory_space<vmem>>
      %dma_start3A_456 = tpu.memref_squeeze %dma_start3A_455 : memref<1x128xi32, #tpu.memory_space<vmem>> -> memref<128xi32, #tpu.memory_space<vmem>>
      %dma_start3A_457 = arith.constant 0 : i32
      %dma_start3A_458 = arith.constant 0 : i32
      %dma_start3A_459 = tpu.memref_slice %arg2[%dma_start3A_457, %dma_start3A_458] : memref<10240x64xf32, #tpu.memory_space<hbm>> -> memref<10240x64xf32, #tpu.memory_space<hbm>>
      tpu.enqueue_indirect_dma source(%dma_start3A_459 : memref<10240x64xf32, #tpu.memory_space<hbm>>) target(%arg15 : memref<128x64xf32, #tpu.memory_space<vmem>>) offsets(%dma_start3A_456 : memref<128xi32, #tpu.memory_space<vmem>>) semaphore(%arg24 : memref<!tpu.dma_semaphore, #tpu.memory_space<semaphore_mem>>)
      %dma_wait3A_460 = arith.constant 0 : i32
      %dma_wait3A_461 = arith.constant 0 : i32
      %dma_wait3A_462 = tpu.memref_slice %arg2[%dma_wait3A_460, %dma_wait3A_461] : memref<10240x64xf32, #tpu.memory_space<hbm>> -> memref<128x64xf32, #tpu.memory_space<hbm>>
      %dma_wait3A_463 = arith.constant 0 : i32
      %dma_wait3A_464 = arith.constant 0 : i32
      %dma_wait3A_465 = tpu.memref_slice %arg2[%dma_wait3A_463, %dma_wait3A_464] : memref<10240x64xf32, #tpu.memory_space<hbm>> -> memref<128x64xf32, #tpu.memory_space<hbm>>
      tpu.wait_dma2 semaphore(%arg20 : memref<!tpu.dma_semaphore, #tpu.memory_space<semaphore_mem>>) src(%dma_wait3A_465 : memref<128x64xf32, #tpu.memory_space<hbm>>) dst(%arg11 : memref<128x64xf32, #tpu.memory_space<vmem>>)
      %dma_start3A_466 = arith.constant 0 : i32
      %dma_start3A_467 = tpu.memref_slice %arg8[%add3A_445, %dma_start3A_466] : memref<80x128xi32, #tpu.memory_space<vmem>> -> memref<1x128xi32, #tpu.memory_space<vmem>>
      %dma_start3A_468 = tpu.memref_squeeze %dma_start3A_467 : memref<1x128xi32, #tpu.memory_space<vmem>> -> memref<128xi32, #tpu.memory_space<vmem>>
      %dma_start3A_469 = arith.constant 0 : i32
      %dma_start3A_470 = arith.constant 0 : i32
      %dma_start3A_471 = tpu.memref_slice %arg17[%dma_start3A_469, %dma_start3A_470] : memref<10240x64xf32, #tpu.memory_space<vmem_shared>> -> memref<10240x64xf32, #tpu.memory_space<vmem_shared>>
      tpu.enqueue_indirect_dma source(%arg11 : memref<128x64xf32, #tpu.memory_space<vmem>>) target(%dma_start3A_471 : memref<10240x64xf32, #tpu.memory_space<vmem_shared>>) offsets(%dma_start3A_468 : memref<128xi32, #tpu.memory_space<vmem>>) semaphore(%arg28 : memref<!tpu.dma_semaphore, #tpu.memory_space<semaphore_mem>>) {add = true}
      %mul3A_472 = arith.constant 8 : i32
      %mul3A_473 = arith.muli %scan3A_247, %mul3A_472 : i32
      %add3A_474 = arith.constant 4 : i32
      %add3A_475 = arith.addi %add3A_474, %mul3A_473 : i32
      %add3A_476 = arith.constant 7 : i32
      %add3A_477 = arith.addi %add3A_475, %add3A_476 : i32
      %dma_wait3A_478 = arith.constant 0 : i32
      %dma_wait3A_479 = arith.constant 0 : i32
      %dma_wait3A_480 = tpu.memref_slice %arg17[%dma_wait3A_478, %dma_wait3A_479] : memref<10240x64xf32, #tpu.memory_space<vmem_shared>> -> memref<128x64xf32, #tpu.memory_space<vmem_shared>>
      %dma_wait3A_481 = arith.constant 0 : i32
      %dma_wait3A_482 = arith.constant 0 : i32
      %dma_wait3A_483 = tpu.memref_slice %arg17[%dma_wait3A_481, %dma_wait3A_482] : memref<10240x64xf32, #tpu.memory_space<vmem_shared>> -> memref<128x64xf32, #tpu.memory_space<vmem_shared>>
      tpu.wait_dma2 semaphore(%arg33 : memref<!tpu.dma_semaphore, #tpu.memory_space<semaphore_mem>>) src(%arg16 : memref<128x64xf32, #tpu.memory_space<vmem>>) dst(%dma_wait3A_483 : memref<128x64xf32, #tpu.memory_space<vmem_shared>>)
      %add3A_484 = arith.constant 4 : i32
      %add3A_485 = arith.addi %add3A_477, %add3A_484 : i32
      %dma_start3A_486 = arith.constant 0 : i32
      %dma_start3A_487 = tpu.memref_slice %arg7[%add3A_485, %dma_start3A_486] : memref<80x128xi32, #tpu.memory_space<vmem>> -> memref<1x128xi32, #tpu.memory_space<vmem>>
      %dma_start3A_488 = tpu.memref_squeeze %dma_start3A_487 : memref<1x128xi32, #tpu.memory_space<vmem>> -> memref<128xi32, #tpu.memory_space<vmem>>
      %dma_start3A_489 = arith.constant 0 : i32
      %dma_start3A_490 = arith.constant 0 : i32
      %dma_start3A_491 = tpu.memref_slice %arg2[%dma_start3A_489, %dma_start3A_490] : memref<10240x64xf32, #tpu.memory_space<hbm>> -> memref<10240x64xf32, #tpu.memory_space<hbm>>
      tpu.enqueue_indirect_dma source(%dma_start3A_491 : memref<10240x64xf32, #tpu.memory_space<hbm>>) target(%arg16 : memref<128x64xf32, #tpu.memory_space<vmem>>) offsets(%dma_start3A_488 : memref<128xi32, #tpu.memory_space<vmem>>) semaphore(%arg25 : memref<!tpu.dma_semaphore, #tpu.memory_space<semaphore_mem>>)
      %dma_wait3A_492 = arith.constant 0 : i32
      %dma_wait3A_493 = arith.constant 0 : i32
      %dma_wait3A_494 = tpu.memref_slice %arg2[%dma_wait3A_492, %dma_wait3A_493] : memref<10240x64xf32, #tpu.memory_space<hbm>> -> memref<128x64xf32, #tpu.memory_space<hbm>>
      %dma_wait3A_495 = arith.constant 0 : i32
      %dma_wait3A_496 = arith.constant 0 : i32
      %dma_wait3A_497 = tpu.memref_slice %arg2[%dma_wait3A_495, %dma_wait3A_496] : memref<10240x64xf32, #tpu.memory_space<hbm>> -> memref<128x64xf32, #tpu.memory_space<hbm>>
      tpu.wait_dma2 semaphore(%arg21 : memref<!tpu.dma_semaphore, #tpu.memory_space<semaphore_mem>>) src(%dma_wait3A_497 : memref<128x64xf32, #tpu.memory_space<hbm>>) dst(%arg12 : memref<128x64xf32, #tpu.memory_space<vmem>>)
      %dma_start3A_498 = arith.constant 0 : i32
      %dma_start3A_499 = tpu.memref_slice %arg8[%add3A_477, %dma_start3A_498] : memref<80x128xi32, #tpu.memory_space<vmem>> -> memref<1x128xi32, #tpu.memory_space<vmem>>
      %dma_start3A_500 = tpu.memref_squeeze %dma_start3A_499 : memref<1x128xi32, #tpu.memory_space<vmem>> -> memref<128xi32, #tpu.memory_space<vmem>>
      %dma_start3A_501 = arith.constant 0 : i32
      %dma_start3A_502 = arith.constant 0 : i32
      %dma_start3A_503 = tpu.memref_slice %arg17[%dma_start3A_501, %dma_start3A_502] : memref<10240x64xf32, #tpu.memory_space<vmem_shared>> -> memref<10240x64xf32, #tpu.memory_space<vmem_shared>>
      tpu.enqueue_indirect_dma source(%arg12 : memref<128x64xf32, #tpu.memory_space<vmem>>) target(%dma_start3A_503 : memref<10240x64xf32, #tpu.memory_space<vmem_shared>>) offsets(%dma_start3A_500 : memref<128xi32, #tpu.memory_space<vmem>>) semaphore(%arg29 : memref<!tpu.dma_semaphore, #tpu.memory_space<semaphore_mem>>) {add = true}
    }
    %scan3A_138 = arith.constant 9 : i32
    %dma_wait3A_139 = arith.constant 0 : i32
    %dma_wait3A_140 = arith.constant 0 : i32
    %dma_wait3A_141 = tpu.memref_slice %arg2[%dma_wait3A_139, %dma_wait3A_140] : memref<10240x64xf32, #tpu.memory_space<hbm>> -> memref<128x64xf32, #tpu.memory_space<hbm>>
    %dma_wait3A_142 = arith.constant 0 : i32
    %dma_wait3A_143 = arith.constant 0 : i32
    %dma_wait3A_144 = tpu.memref_slice %arg2[%dma_wait3A_142, %dma_wait3A_143] : memref<10240x64xf32, #tpu.memory_space<hbm>> -> memref<128x64xf32, #tpu.memory_space<hbm>>
    tpu.wait_dma2 semaphore(%arg22 : memref<!tpu.dma_semaphore, #tpu.memory_space<semaphore_mem>>) src(%dma_wait3A_144 : memref<128x64xf32, #tpu.memory_space<hbm>>) dst(%arg13 : memref<128x64xf32, #tpu.memory_space<vmem>>)
    %dma_start3A_145 = arith.constant 76 : i32
    %dma_start3A_146 = arith.constant 0 : i32
    %dma_start3A_147 = tpu.memref_slice %arg8[%dma_start3A_145, %dma_start3A_146] : memref<80x128xi32, #tpu.memory_space<vmem>> -> memref<1x128xi32, #tpu.memory_space<vmem>>
    %dma_start3A_148 = tpu.memref_squeeze %dma_start3A_147 : memref<1x128xi32, #tpu.memory_space<vmem>> -> memref<128xi32, #tpu.memory_space<vmem>>
    %dma_start3A_149 = arith.constant 0 : i32
    %dma_start3A_150 = arith.constant 0 : i32
    %dma_start3A_151 = tpu.memref_slice %arg17[%dma_start3A_149, %dma_start3A_150] : memref<10240x64xf32, #tpu.memory_space<vmem_shared>> -> memref<10240x64xf32, #tpu.memory_space<vmem_shared>>
    tpu.enqueue_indirect_dma source(%arg13 : memref<128x64xf32, #tpu.memory_space<vmem>>) target(%dma_start3A_151 : memref<10240x64xf32, #tpu.memory_space<vmem_shared>>) offsets(%dma_start3A_148 : memref<128xi32, #tpu.memory_space<vmem>>) semaphore(%arg30 : memref<!tpu.dma_semaphore, #tpu.memory_space<semaphore_mem>>) {add = true}
    %dma_wait3A_152 = arith.constant 0 : i32
    %dma_wait3A_153 = arith.constant 0 : i32
    %dma_wait3A_154 = tpu.memref_slice %arg2[%dma_wait3A_152, %dma_wait3A_153] : memref<10240x64xf32, #tpu.memory_space<hbm>> -> memref<128x64xf32, #tpu.memory_space<hbm>>
    %dma_wait3A_155 = arith.constant 0 : i32
    %dma_wait3A_156 = arith.constant 0 : i32
    %dma_wait3A_157 = tpu.memref_slice %arg2[%dma_wait3A_155, %dma_wait3A_156] : memref<10240x64xf32, #tpu.memory_space<hbm>> -> memref<128x64xf32, #tpu.memory_space<hbm>>
    tpu.wait_dma2 semaphore(%arg23 : memref<!tpu.dma_semaphore, #tpu.memory_space<semaphore_mem>>) src(%dma_wait3A_157 : memref<128x64xf32, #tpu.memory_space<hbm>>) dst(%arg14 : memref<128x64xf32, #tpu.memory_space<vmem>>)
    %dma_start3A_158 = arith.constant 77 : i32
    %dma_start3A_159 = arith.constant 0 : i32
    %dma_start3A_160 = tpu.memref_slice %arg8[%dma_start3A_158, %dma_start3A_159] : memref<80x128xi32, #tpu.memory_space<vmem>> -> memref<1x128xi32, #tpu.memory_space<vmem>>
    %dma_start3A_161 = tpu.memref_squeeze %dma_start3A_160 : memref<1x128xi32, #tpu.memory_space<vmem>> -> memref<128xi32, #tpu.memory_space<vmem>>
    %dma_start3A_162 = arith.constant 0 : i32
    %dma_start3A_163 = arith.constant 0 : i32
    %dma_start3A_164 = tpu.memref_slice %arg17[%dma_start3A_162, %dma_start3A_163] : memref<10240x64xf32, #tpu.memory_space<vmem_shared>> -> memref<10240x64xf32, #tpu.memory_space<vmem_shared>>
    tpu.enqueue_indirect_dma source(%arg14 : memref<128x64xf32, #tpu.memory_space<vmem>>) target(%dma_start3A_164 : memref<10240x64xf32, #tpu.memory_space<vmem_shared>>) offsets(%dma_start3A_161 : memref<128xi32, #tpu.memory_space<vmem>>) semaphore(%arg31 : memref<!tpu.dma_semaphore, #tpu.memory_space<semaphore_mem>>) {add = true}
    %dma_wait3A_165 = arith.constant 0 : i32
    %dma_wait3A_166 = arith.constant 0 : i32
    %dma_wait3A_167 = tpu.memref_slice %arg2[%dma_wait3A_165, %dma_wait3A_166] : memref<10240x64xf32, #tpu.memory_space<hbm>> -> memref<128x64xf32, #tpu.memory_space<hbm>>
    %dma_wait3A_168 = arith.constant 0 : i32
    %dma_wait3A_169 = arith.constant 0 : i32
    %dma_wait3A_170 = tpu.memref_slice %arg2[%dma_wait3A_168, %dma_wait3A_169] : memref<10240x64xf32, #tpu.memory_space<hbm>> -> memref<128x64xf32, #tpu.memory_space<hbm>>
    tpu.wait_dma2 semaphore(%arg24 : memref<!tpu.dma_semaphore, #tpu.memory_space<semaphore_mem>>) src(%dma_wait3A_170 : memref<128x64xf32, #tpu.memory_space<hbm>>) dst(%arg15 : memref<128x64xf32, #tpu.memory_space<vmem>>)
    %dma_start3A_171 = arith.constant 78 : i32
    %dma_start3A_172 = arith.constant 0 : i32
    %dma_start3A_173 = tpu.memref_slice %arg8[%dma_start3A_171, %dma_start3A_172] : memref<80x128xi32, #tpu.memory_space<vmem>> -> memref<1x128xi32, #tpu.memory_space<vmem>>
    %dma_start3A_174 = tpu.memref_squeeze %dma_start3A_173 : memref<1x128xi32, #tpu.memory_space<vmem>> -> memref<128xi32, #tpu.memory_space<vmem>>
    %dma_start3A_175 = arith.constant 0 : i32
    %dma_start3A_176 = arith.constant 0 : i32
    %dma_start3A_177 = tpu.memref_slice %arg17[%dma_start3A_175, %dma_start3A_176] : memref<10240x64xf32, #tpu.memory_space<vmem_shared>> -> memref<10240x64xf32, #tpu.memory_space<vmem_shared>>
    tpu.enqueue_indirect_dma source(%arg15 : memref<128x64xf32, #tpu.memory_space<vmem>>) target(%dma_start3A_177 : memref<10240x64xf32, #tpu.memory_space<vmem_shared>>) offsets(%dma_start3A_174 : memref<128xi32, #tpu.memory_space<vmem>>) semaphore(%arg32 : memref<!tpu.dma_semaphore, #tpu.memory_space<semaphore_mem>>) {add = true}
    %dma_wait3A_178 = arith.constant 0 : i32
    %dma_wait3A_179 = arith.constant 0 : i32
    %dma_wait3A_180 = tpu.memref_slice %arg2[%dma_wait3A_178, %dma_wait3A_179] : memref<10240x64xf32, #tpu.memory_space<hbm>> -> memref<128x64xf32, #tpu.memory_space<hbm>>
    %dma_wait3A_181 = arith.constant 0 : i32
    %dma_wait3A_182 = arith.constant 0 : i32
    %dma_wait3A_183 = tpu.memref_slice %arg2[%dma_wait3A_181, %dma_wait3A_182] : memref<10240x64xf32, #tpu.memory_space<hbm>> -> memref<128x64xf32, #tpu.memory_space<hbm>>
    tpu.wait_dma2 semaphore(%arg25 : memref<!tpu.dma_semaphore, #tpu.memory_space<semaphore_mem>>) src(%dma_wait3A_183 : memref<128x64xf32, #tpu.memory_space<hbm>>) dst(%arg16 : memref<128x64xf32, #tpu.memory_space<vmem>>)
    %dma_start3A_184 = arith.constant 79 : i32
    %dma_start3A_185 = arith.constant 0 : i32
    %dma_start3A_186 = tpu.memref_slice %arg8[%dma_start3A_184, %dma_start3A_185] : memref<80x128xi32, #tpu.memory_space<vmem>> -> memref<1x128xi32, #tpu.memory_space<vmem>>
    %dma_start3A_187 = tpu.memref_squeeze %dma_start3A_186 : memref<1x128xi32, #tpu.memory_space<vmem>> -> memref<128xi32, #tpu.memory_space<vmem>>
    %dma_start3A_188 = arith.constant 0 : i32
    %dma_start3A_189 = arith.constant 0 : i32
    %dma_start3A_190 = tpu.memref_slice %arg17[%dma_start3A_188, %dma_start3A_189] : memref<10240x64xf32, #tpu.memory_space<vmem_shared>> -> memref<10240x64xf32, #tpu.memory_space<vmem_shared>>
    tpu.enqueue_indirect_dma source(%arg16 : memref<128x64xf32, #tpu.memory_space<vmem>>) target(%dma_start3A_190 : memref<10240x64xf32, #tpu.memory_space<vmem_shared>>) offsets(%dma_start3A_187 : memref<128xi32, #tpu.memory_space<vmem>>) semaphore(%arg33 : memref<!tpu.dma_semaphore, #tpu.memory_space<semaphore_mem>>) {add = true}
    %dma_wait3A_191 = arith.constant 0 : i32
    %dma_wait3A_192 = arith.constant 0 : i32
    %dma_wait3A_193 = tpu.memref_slice %arg17[%dma_wait3A_191, %dma_wait3A_192] : memref<10240x64xf32, #tpu.memory_space<vmem_shared>> -> memref<128x64xf32, #tpu.memory_space<vmem_shared>>
    %dma_wait3A_194 = arith.constant 0 : i32
    %dma_wait3A_195 = arith.constant 0 : i32
    %dma_wait3A_196 = tpu.memref_slice %arg17[%dma_wait3A_194, %dma_wait3A_195] : memref<10240x64xf32, #tpu.memory_space<vmem_shared>> -> memref<128x64xf32, #tpu.memory_space<vmem_shared>>
    tpu.wait_dma2 semaphore(%arg26 : memref<!tpu.dma_semaphore, #tpu.memory_space<semaphore_mem>>) src(%arg9 : memref<128x64xf32, #tpu.memory_space<vmem>>) dst(%dma_wait3A_196 : memref<128x64xf32, #tpu.memory_space<vmem_shared>>)
    %dma_wait3A_197 = arith.constant 0 : i32
    %dma_wait3A_198 = arith.constant 0 : i32
    %dma_wait3A_199 = tpu.memref_slice %arg17[%dma_wait3A_197, %dma_wait3A_198] : memref<10240x64xf32, #tpu.memory_space<vmem_shared>> -> memref<128x64xf32, #tpu.memory_space<vmem_shared>>
    %dma_wait3A_200 = arith.constant 0 : i32
    %dma_wait3A_201 = arith.constant 0 : i32
    %dma_wait3A_202 = tpu.memref_slice %arg17[%dma_wait3A_200, %dma_wait3A_201] : memref<10240x64xf32, #tpu.memory_space<vmem_shared>> -> memref<128x64xf32, #tpu.memory_space<vmem_shared>>
    tpu.wait_dma2 semaphore(%arg27 : memref<!tpu.dma_semaphore, #tpu.memory_space<semaphore_mem>>) src(%arg10 : memref<128x64xf32, #tpu.memory_space<vmem>>) dst(%dma_wait3A_202 : memref<128x64xf32, #tpu.memory_space<vmem_shared>>)
    %dma_wait3A_203 = arith.constant 0 : i32
    %dma_wait3A_204 = arith.constant 0 : i32
    %dma_wait3A_205 = tpu.memref_slice %arg17[%dma_wait3A_203, %dma_wait3A_204] : memref<10240x64xf32, #tpu.memory_space<vmem_shared>> -> memref<128x64xf32, #tpu.memory_space<vmem_shared>>
    %dma_wait3A_206 = arith.constant 0 : i32
    %dma_wait3A_207 = arith.constant 0 : i32
    %dma_wait3A_208 = tpu.memref_slice %arg17[%dma_wait3A_206, %dma_wait3A_207] : memref<10240x64xf32, #tpu.memory_space<vmem_shared>> -> memref<128x64xf32, #tpu.memory_space<vmem_shared>>
    tpu.wait_dma2 semaphore(%arg28 : memref<!tpu.dma_semaphore, #tpu.memory_space<semaphore_mem>>) src(%arg11 : memref<128x64xf32, #tpu.memory_space<vmem>>) dst(%dma_wait3A_208 : memref<128x64xf32, #tpu.memory_space<vmem_shared>>)
    %dma_wait3A_209 = arith.constant 0 : i32
    %dma_wait3A_210 = arith.constant 0 : i32
    %dma_wait3A_211 = tpu.memref_slice %arg17[%dma_wait3A_209, %dma_wait3A_210] : memref<10240x64xf32, #tpu.memory_space<vmem_shared>> -> memref<128x64xf32, #tpu.memory_space<vmem_shared>>
    %dma_wait3A_212 = arith.constant 0 : i32
    %dma_wait3A_213 = arith.constant 0 : i32
    %dma_wait3A_214 = tpu.memref_slice %arg17[%dma_wait3A_212, %dma_wait3A_213] : memref<10240x64xf32, #tpu.memory_space<vmem_shared>> -> memref<128x64xf32, #tpu.memory_space<vmem_shared>>
    tpu.wait_dma2 semaphore(%arg29 : memref<!tpu.dma_semaphore, #tpu.memory_space<semaphore_mem>>) src(%arg12 : memref<128x64xf32, #tpu.memory_space<vmem>>) dst(%dma_wait3A_214 : memref<128x64xf32, #tpu.memory_space<vmem_shared>>)
    %dma_wait3A_215 = arith.constant 0 : i32
    %dma_wait3A_216 = arith.constant 0 : i32
    %dma_wait3A_217 = tpu.memref_slice %arg17[%dma_wait3A_215, %dma_wait3A_216] : memref<10240x64xf32, #tpu.memory_space<vmem_shared>> -> memref<128x64xf32, #tpu.memory_space<vmem_shared>>
    %dma_wait3A_218 = arith.constant 0 : i32
    %dma_wait3A_219 = arith.constant 0 : i32
    %dma_wait3A_220 = tpu.memref_slice %arg17[%dma_wait3A_218, %dma_wait3A_219] : memref<10240x64xf32, #tpu.memory_space<vmem_shared>> -> memref<128x64xf32, #tpu.memory_space<vmem_shared>>
    tpu.wait_dma2 semaphore(%arg30 : memref<!tpu.dma_semaphore, #tpu.memory_space<semaphore_mem>>) src(%arg13 : memref<128x64xf32, #tpu.memory_space<vmem>>) dst(%dma_wait3A_220 : memref<128x64xf32, #tpu.memory_space<vmem_shared>>)
    %dma_wait3A_221 = arith.constant 0 : i32
    %dma_wait3A_222 = arith.constant 0 : i32
    %dma_wait3A_223 = tpu.memref_slice %arg17[%dma_wait3A_221, %dma_wait3A_222] : memref<10240x64xf32, #tpu.memory_space<vmem_shared>> -> memref<128x64xf32, #tpu.memory_space<vmem_shared>>
    %dma_wait3A_224 = arith.constant 0 : i32
    %dma_wait3A_225 = arith.constant 0 : i32
    %dma_wait3A_226 = tpu.memref_slice %arg17[%dma_wait3A_224, %dma_wait3A_225] : memref<10240x64xf32, #tpu.memory_space<vmem_shared>> -> memref<128x64xf32, #tpu.memory_space<vmem_shared>>
    tpu.wait_dma2 semaphore(%arg31 : memref<!tpu.dma_semaphore, #tpu.memory_space<semaphore_mem>>) src(%arg14 : memref<128x64xf32, #tpu.memory_space<vmem>>) dst(%dma_wait3A_226 : memref<128x64xf32, #tpu.memory_space<vmem_shared>>)
    %dma_wait3A_227 = arith.constant 0 : i32
    %dma_wait3A_228 = arith.constant 0 : i32
    %dma_wait3A_229 = tpu.memref_slice %arg17[%dma_wait3A_227, %dma_wait3A_228] : memref<10240x64xf32, #tpu.memory_space<vmem_shared>> -> memref<128x64xf32, #tpu.memory_space<vmem_shared>>
    %dma_wait3A_230 = arith.constant 0 : i32
    %dma_wait3A_231 = arith.constant 0 : i32
    %dma_wait3A_232 = tpu.memref_slice %arg17[%dma_wait3A_230, %dma_wait3A_231] : memref<10240x64xf32, #tpu.memory_space<vmem_shared>> -> memref<128x64xf32, #tpu.memory_space<vmem_shared>>
    tpu.wait_dma2 semaphore(%arg32 : memref<!tpu.dma_semaphore, #tpu.memory_space<semaphore_mem>>) src(%arg15 : memref<128x64xf32, #tpu.memory_space<vmem>>) dst(%dma_wait3A_232 : memref<128x64xf32, #tpu.memory_space<vmem_shared>>)
    %dma_wait3A_233 = arith.constant 0 : i32
    %dma_wait3A_234 = arith.constant 0 : i32
    %dma_wait3A_235 = tpu.memref_slice %arg17[%dma_wait3A_233, %dma_wait3A_234] : memref<10240x64xf32, #tpu.memory_space<vmem_shared>> -> memref<128x64xf32, #tpu.memory_space<vmem_shared>>
    %dma_wait3A_236 = arith.constant 0 : i32
    %dma_wait3A_237 = arith.constant 0 : i32
    %dma_wait3A_238 = tpu.memref_slice %arg17[%dma_wait3A_236, %dma_wait3A_237] : memref<10240x64xf32, #tpu.memory_space<vmem_shared>> -> memref<128x64xf32, #tpu.memory_space<vmem_shared>>
    tpu.wait_dma2 semaphore(%arg33 : memref<!tpu.dma_semaphore, #tpu.memory_space<semaphore_mem>>) src(%arg16 : memref<128x64xf32, #tpu.memory_space<vmem>>) dst(%dma_wait3A_238 : memref<128x64xf32, #tpu.memory_space<vmem_shared>>)
    %barrier3A_239 = arith.constant 0 : index
    tpu.barrier barrier_id(%barrier3A_239)
    %eq3A = arith.constant 0 : i32
    %eq3A_240 = arith.cmpi eq, %arg0, %eq3A : i32
    %convert_element_type3A = arith.extui %eq3A_240 : i1 to i32
    %cond3A = arith.constant 0 : i32
    %cond3A_241 = arith.cmpi ne, %convert_element_type3A, %cond3A : i32
    scf.if %cond3A_241 {
      %mul3A_247 = arith.constant 640 : i32
      %mul3A_248 = arith.muli %arg1, %mul3A_247 : i32
      %mul3A_249 = arith.constant 640 : i32
      %mul3A_250 = arith.muli %arg1, %mul3A_249 : i32
      "tpu.region"() ({
        %run_scoped3A = tpu.sem_alloc : memref<!tpu.dma_semaphore, #tpu.memory_space<semaphore_mem>>
        %dma_start3A_251 = arith.constant 0 : i32
        %dma_start3A_252 = tpu.memref_slice %arg5[%mul3A_250, %dma_start3A_251] : memref<10240x64xf32, #tpu.memory_space<hbm>> -> memref<640x64xf32, #tpu.memory_space<hbm>>
        %dma_start3A_253 = arith.constant 0 : i32
        %dma_start3A_254 = tpu.memref_slice %arg17[%mul3A_248, %dma_start3A_253] : memref<10240x64xf32, #tpu.memory_space<vmem_shared>> -> memref<640x64xf32, #tpu.memory_space<vmem_shared>>
        tpu.enqueue_dma source(%dma_start3A_254 : memref<640x64xf32, #tpu.memory_space<vmem_shared>>) target(%dma_start3A_252 : memref<640x64xf32, #tpu.memory_space<hbm>>) target_semaphore(%run_scoped3A : memref<!tpu.dma_semaphore, #tpu.memory_space<semaphore_mem>>)
        %dma_wait3A_255 = arith.constant 0 : i32
        %dma_wait3A_256 = tpu.memref_slice %arg5[%mul3A_250, %dma_wait3A_255] : memref<10240x64xf32, #tpu.memory_space<hbm>> -> memref<640x64xf32, #tpu.memory_space<hbm>>
        %dma_wait3A_257 = arith.constant 0 : i32
        %dma_wait3A_258 = tpu.memref_slice %arg17[%mul3A_248, %dma_wait3A_257] : memref<10240x64xf32, #tpu.memory_space<vmem_shared>> -> memref<640x64xf32, #tpu.memory_space<vmem_shared>>
        tpu.wait_dma2 semaphore(%run_scoped3A : memref<!tpu.dma_semaphore, #tpu.memory_space<semaphore_mem>>) src(%dma_wait3A_258 : memref<640x64xf32, #tpu.memory_space<vmem_shared>>) dst(%dma_wait3A_256 : memref<640x64xf32, #tpu.memory_space<hbm>>)
        tpu.yield
      }) : () -> ()
    } else {
    }
    %eq3A_242 = arith.constant 1 : i32
    %eq3A_243 = arith.cmpi eq, %arg0, %eq3A_242 : i32
    %convert_element_type3A_244 = arith.extui %eq3A_243 : i1 to i32
    %cond3A_245 = arith.constant 0 : i32
    %cond3A_246 = arith.cmpi ne, %convert_element_type3A_244, %cond3A_245 : i32
    scf.if %cond3A_246 {
      %mul3A_247 = arith.constant 640 : i32
      %mul3A_248 = arith.muli %arg1, %mul3A_247 : i32
      %mul3A_249 = arith.constant 640 : i32
      %mul3A_250 = arith.muli %arg1, %mul3A_249 : i32
      "tpu.region"() ({
        %run_scoped3A = tpu.sem_alloc : memref<!tpu.dma_semaphore, #tpu.memory_space<semaphore_mem>>
        %dma_start3A_251 = arith.constant 0 : i32
        %dma_start3A_252 = tpu.memref_slice %arg6[%mul3A_250, %dma_start3A_251] : memref<10240x64xf32, #tpu.memory_space<hbm>> -> memref<640x64xf32, #tpu.memory_space<hbm>>
        %dma_start3A_253 = arith.constant 0 : i32
        %dma_start3A_254 = tpu.memref_slice %arg17[%mul3A_248, %dma_start3A_253] : memref<10240x64xf32, #tpu.memory_space<vmem_shared>> -> memref<640x64xf32, #tpu.memory_space<vmem_shared>>
        tpu.enqueue_dma source(%dma_start3A_254 : memref<640x64xf32, #tpu.memory_space<vmem_shared>>) target(%dma_start3A_252 : memref<640x64xf32, #tpu.memory_space<hbm>>) target_semaphore(%run_scoped3A : memref<!tpu.dma_semaphore, #tpu.memory_space<semaphore_mem>>)
        %dma_wait3A_255 = arith.constant 0 : i32
        %dma_wait3A_256 = tpu.memref_slice %arg6[%mul3A_250, %dma_wait3A_255] : memref<10240x64xf32, #tpu.memory_space<hbm>> -> memref<640x64xf32, #tpu.memory_space<hbm>>
        %dma_wait3A_257 = arith.constant 0 : i32
        %dma_wait3A_258 = tpu.memref_slice %arg17[%mul3A_248, %dma_wait3A_257] : memref<10240x64xf32, #tpu.memory_space<vmem_shared>> -> memref<640x64xf32, #tpu.memory_space<vmem_shared>>
        tpu.wait_dma2 semaphore(%run_scoped3A : memref<!tpu.dma_semaphore, #tpu.memory_space<semaphore_mem>>) src(%dma_wait3A_258 : memref<640x64xf32, #tpu.memory_space<vmem_shared>>) dst(%dma_wait3A_256 : memref<640x64xf32, #tpu.memory_space<hbm>>)
        tpu.yield
      }) : () -> ()
    } else {
    }
    return
  }
}

module attributes {stable_mosaic.version = 14 : i64} {
  func.func @_mid_body(%arg0: i32, %arg1: memref<1024x128xf32, #tpu.memory_space<vmem>>, %arg2: memref<1024x128xf32, #tpu.memory_space<vmem>>, %arg3: memref<1024x128xf32, #tpu.memory_space<vmem>>, %arg4: memref<1x128xf32, #tpu.memory_space<vmem>>, %arg5: memref<128x128xf32, #tpu.memory_space<vmem>>, %arg6: memref<1x128xf32, #tpu.memory_space<vmem>>, %arg7: memref<128x128xf32, #tpu.memory_space<vmem>>, %arg8: memref<1024x128xf32, #tpu.memory_space<vmem>>) attributes {dimension_semantics = [#tpu.dimension_semantics<arbitrary>], iteration_bounds = array<i64: 5>, scalar_prefetch = 0 : i64, scratch_operands = 0 : i64, tpu.core_type = #tpu.core_type<tc>, window_params = [{transform_indices = @transform_0, window_bounds = array<i64: 1024, 128>}, {transform_indices = @transform_1, window_bounds = array<i64: 1024, 128>}, {transform_indices = @transform_2, window_bounds = array<i64: 1024, 128>}, {pipeline_mode = #tpu.pipeline_mode<synchronous>, transform_indices = @transform_3, window_bounds = array<i64: 1, 128>}, {pipeline_mode = #tpu.pipeline_mode<synchronous>, transform_indices = @transform_4, window_bounds = array<i64: 128, 128>}, {pipeline_mode = #tpu.pipeline_mode<synchronous>, transform_indices = @transform_5, window_bounds = array<i64: 1, 128>}, {pipeline_mode = #tpu.pipeline_mode<synchronous>, transform_indices = @transform_6, window_bounds = array<i64: 128, 128>}, {transform_indices = @transform_7, window_bounds = array<i64: 1024, 128>}]} {
    %get3A = arith.constant 0 : index
    %get3A_0 = arith.constant 0 : index
    %get3A_1 = vector.load %arg1[%get3A, %get3A_0] : memref<1024x128xf32, #tpu.memory_space<vmem>>, vector<1024x128xf32>
    %get3A_2 = arith.constant 0 : index
    %get3A_3 = arith.constant 0 : index
    %get3A_4 = vector.load %arg2[%get3A_2, %get3A_3] : memref<1024x128xf32, #tpu.memory_space<vmem>>, vector<1024x128xf32>
    %add3A = arith.addf %get3A_1, %get3A_4 : vector<1024x128xf32>
    %get3A_5 = arith.constant 0 : index
    %get3A_6 = arith.constant 0 : index
    %get3A_7 = vector.load %arg3[%get3A_5, %get3A_6] : memref<1024x128xf32, #tpu.memory_space<vmem>>, vector<1024x128xf32>
    %add3A_8 = arith.addf %add3A, %get3A_7 : vector<1024x128xf32>
    %get3A_9 = arith.constant 0 : index
    %get3A_10 = arith.constant 0 : index
    %get3A_11 = vector.load %arg4[%get3A_9, %get3A_10] : memref<1x128xf32, #tpu.memory_space<vmem>>, vector<1x128xf32>
    %add3A_12 = vector.broadcast %get3A_11 : vector<1x128xf32> to vector<1024x128xf32>
    %add3A_13 = arith.addf %add3A_8, %add3A_12 : vector<1024x128xf32>
    %max3A = arith.constant 0.000000e+00 : f32
    %max3A_14 = vector.broadcast %max3A : f32 to vector<1024x128xf32>
    %max3A_15 = arith.maximumf %add3A_13, %max3A_14 : vector<1024x128xf32>
    %get3A_16 = arith.constant 0 : index
    %get3A_17 = arith.constant 0 : index
    %get3A_18 = vector.load %arg5[%get3A_16, %get3A_17] : memref<128x128xf32, #tpu.memory_space<vmem>>, vector<128x128xf32>
    %dot_general3A = arith.constant dense<0.000000e+00> : vector<1024x128xf32>
    %dot_general3A_19 = tpu.matmul %max3A_15, %get3A_18, %dot_general3A {dimension_numbers = #tpu.dot_dimension_numbers<[1], [0], [0], [1], [0, 0, 1, 1], [], []>, transpose_lhs_hint = false} : vector<1024x128xf32>, vector<128x128xf32>, vector<1024x128xf32> -> vector<1024x128xf32>
    %get3A_20 = arith.constant 0 : index
    %get3A_21 = arith.constant 0 : index
    %get3A_22 = vector.load %arg6[%get3A_20, %get3A_21] : memref<1x128xf32, #tpu.memory_space<vmem>>, vector<1x128xf32>
    %add3A_23 = vector.broadcast %get3A_22 : vector<1x128xf32> to vector<1024x128xf32>
    %add3A_24 = arith.addf %dot_general3A_19, %add3A_23 : vector<1024x128xf32>
    %max3A_25 = arith.constant 0.000000e+00 : f32
    %max3A_26 = vector.broadcast %max3A_25 : f32 to vector<1024x128xf32>
    %max3A_27 = arith.maximumf %add3A_24, %max3A_26 : vector<1024x128xf32>
    %get3A_28 = arith.constant 0 : index
    %get3A_29 = arith.constant 0 : index
    %get3A_30 = vector.load %arg7[%get3A_28, %get3A_29] : memref<128x128xf32, #tpu.memory_space<vmem>>, vector<128x128xf32>
    %dot_general3A_31 = arith.constant dense<0.000000e+00> : vector<1024x128xf32>
    %dot_general3A_32 = tpu.matmul %max3A_27, %get3A_30, %dot_general3A_31 {dimension_numbers = #tpu.dot_dimension_numbers<[1], [0], [0], [1], [0, 0, 1, 1], [], []>, transpose_lhs_hint = false} : vector<1024x128xf32>, vector<128x128xf32>, vector<1024x128xf32> -> vector<1024x128xf32>
    %swap3A = arith.constant 0 : index
    %swap3A_33 = arith.constant 0 : index
    %swap3A_34 = vector.load %arg8[%swap3A, %swap3A_33] : memref<1024x128xf32, #tpu.memory_space<vmem>>, vector<1024x128xf32>
    tpu.vector_store %arg8[%swap3A, %swap3A_33], %dot_general3A_32 {strides = array<i32>} : memref<1024x128xf32, #tpu.memory_space<vmem>>, vector<1024x128xf32>,
    return
  }
  func.func @transform_0(%arg0: i32) -> (i32, i32) {
    %c0_i32 = arith.constant 0 : i32
    %c0_i32_0 = arith.constant 0 : i32
    return %arg0, %c0_i32 : i32, i32
  }
  func.func @transform_1(%arg0: i32) -> (i32, i32) {
    %c0_i32 = arith.constant 0 : i32
    %c0_i32_0 = arith.constant 0 : i32
    return %arg0, %c0_i32 : i32, i32
  }
  func.func @transform_2(%arg0: i32) -> (i32, i32) {
    %c0_i32 = arith.constant 0 : i32
    %c0_i32_0 = arith.constant 0 : i32
    return %arg0, %c0_i32 : i32, i32
  }
  func.func @transform_3(%arg0: i32) -> (i32, i32) {
    %c0_i32 = arith.constant 0 : i32
    %c0_i32_0 = arith.constant 0 : i32
    %c0_i32_1 = arith.constant 0 : i32
    return %c0_i32, %c0_i32_0 : i32, i32
  }
  func.func @transform_4(%arg0: i32) -> (i32, i32) {
    %c0_i32 = arith.constant 0 : i32
    %c0_i32_0 = arith.constant 0 : i32
    %c0_i32_1 = arith.constant 0 : i32
    return %c0_i32, %c0_i32_0 : i32, i32
  }
  func.func @transform_5(%arg0: i32) -> (i32, i32) {
    %c0_i32 = arith.constant 0 : i32
    %c0_i32_0 = arith.constant 0 : i32
    %c0_i32_1 = arith.constant 0 : i32
    return %c0_i32, %c0_i32_0 : i32, i32
  }
  func.func @transform_6(%arg0: i32) -> (i32, i32) {
    %c0_i32 = arith.constant 0 : i32
    %c0_i32_0 = arith.constant 0 : i32
    %c0_i32_1 = arith.constant 0 : i32
    return %c0_i32, %c0_i32_0 : i32, i32
  }
  func.func @transform_7(%arg0: i32) -> (i32, i32) {
    %c0_i32 = arith.constant 0 : i32
    %c0_i32_0 = arith.constant 0 : i32
    return %arg0, %c0_i32 : i32, i32
  }
}

module attributes {stable_mosaic.version = 14 : i64} {
  func.func @_proj_body(%arg0: i32, %arg1: memref<1024x128xf32, #tpu.memory_space<vmem>>, %arg2: memref<1024x128xf32, #tpu.memory_space<vmem>>, %arg3: memref<128x64xf32, #tpu.memory_space<vmem>>, %arg4: memref<2x64000xi32, #tpu.memory_space<vmem>>, %arg5: memref<1024x128xf32, #tpu.memory_space<vmem>>, %arg6: memref<327680xi32, #tpu.memory_space<vmem>>, %arg7: memref<327680xi32, #tpu.memory_space<vmem>>) attributes {dimension_semantics = [#tpu.dimension_semantics<arbitrary>], iteration_bounds = array<i64: 5>, scalar_prefetch = 0 : i64, scratch_operands = 0 : i64, tpu.core_type = #tpu.core_type<tc>, window_params = [{transform_indices = @transform_0, window_bounds = array<i64: 1024, 128>}, {transform_indices = @transform_1, window_bounds = array<i64: 1024, 128>}, {pipeline_mode = #tpu.pipeline_mode<synchronous>, transform_indices = @transform_2, window_bounds = array<i64: 128, 64>}, {transform_indices = @transform_3, window_bounds = array<i64: 2, 64000>}, {transform_indices = @transform_4, window_bounds = array<i64: 1024, 128>}, {pipeline_mode = #tpu.pipeline_mode<synchronous>, transform_indices = @transform_5, window_bounds = array<i64: 327680>}, {pipeline_mode = #tpu.pipeline_mode<synchronous>, transform_indices = @transform_6, window_bounds = array<i64: 327680>}]} {
    %get3A = arith.constant 0 : index
    %get3A_0 = arith.constant 0 : index
    %get3A_1 = vector.load %arg1[%get3A, %get3A_0] : memref<1024x128xf32, #tpu.memory_space<vmem>>, vector<1024x128xf32>
    %get3A_2 = arith.constant 0 : index
    %get3A_3 = arith.constant 0 : index
    %get3A_4 = vector.load %arg3[%get3A_2, %get3A_3] : memref<128x64xf32, #tpu.memory_space<vmem>>, vector<128x64xf32>
    %dot_general3A = arith.constant dense<0.000000e+00> : vector<1024x64xf32>
    %dot_general3A_5 = tpu.matmul %get3A_1, %get3A_4, %dot_general3A {dimension_numbers = #tpu.dot_dimension_numbers<[1], [0], [0], [1], [0, 0, 1, 1], [], []>, transpose_lhs_hint = false} : vector<1024x128xf32>, vector<128x64xf32>, vector<1024x64xf32> -> vector<1024x64xf32>
    %get3A_6 = arith.constant 0 : index
    %get3A_7 = arith.constant 0 : index
    %get3A_8 = vector.load %arg2[%get3A_6, %get3A_7] : memref<1024x128xf32, #tpu.memory_space<vmem>>, vector<1024x128xf32>
    %get3A_9 = arith.constant 0 : index
    %get3A_10 = arith.constant 0 : index
    %get3A_11 = vector.load %arg3[%get3A_9, %get3A_10] : memref<128x64xf32, #tpu.memory_space<vmem>>, vector<128x64xf32>
    %dot_general3A_12 = arith.constant dense<0.000000e+00> : vector<1024x64xf32>
    %dot_general3A_13 = tpu.matmul %get3A_8, %get3A_11, %dot_general3A_12 {dimension_numbers = #tpu.dot_dimension_numbers<[1], [0], [0], [1], [0, 0, 1, 1], [], []>, transpose_lhs_hint = false} : vector<1024x128xf32>, vector<128x64xf32>, vector<1024x64xf32> -> vector<1024x64xf32>
    %mul3A = arith.constant 1024 : i32
    %mul3A_14 = arith.muli %arg0, %mul3A : i32
    %sub3A = arith.constant 4880 : i32
    %sub3A_15 = arith.subi %sub3A, %mul3A_14 : i32
    %iota3A = tpu.iota {dimensions = array<i32: 0>} : vector<1024x64xi32>
    %lt3A = vector.broadcast %sub3A_15 : i32 to vector<1024x64xi32>
    %lt3A_16 = arith.cmpi slt, %iota3A, %lt3A : vector<1024x64xi32>
    %jit3A = arith.constant 0.000000e+00 : f32
    %broadcast_in_dim3A = vector.broadcast %jit3A : f32 to vector<1024x64xf32>
    %select_n3A = arith.select %lt3A_16, %dot_general3A_13, %broadcast_in_dim3A : vector<1024x64xi1>, vector<1024x64xf32>
    %concatenate3A = tpu.concatenate %dot_general3A_5, %select_n3A in 1 : vector<1024x64xf32>, vector<1024x64xf32> -> vector<1024x128xf32>
    %swap3A = arith.constant 0 : index
    %swap3A_17 = arith.constant 0 : index
    %swap3A_18 = vector.load %arg5[%swap3A, %swap3A_17] : memref<1024x128xf32, #tpu.memory_space<vmem>>, vector<1024x128xf32>
    tpu.vector_store %arg5[%swap3A, %swap3A_17], %concatenate3A {strides = array<i32>} : memref<1024x128xf32, #tpu.memory_space<vmem>>, vector<1024x128xf32>,
    %get3A_19 = arith.constant 0 : index
    %get3A_20 = arith.constant 0 : index
    %get3A_21 = vector.load %arg4[%get3A_19, %get3A_20] : memref<2x64000xi32, #tpu.memory_space<vmem>>, vector<1x64000xi32>
    %get3A_22 = vector.shape_cast %get3A_21 : vector<1x64000xi32> to vector<64000xi32>
    %lt3A_23 = arith.constant 5120 : i32
    %lt3A_24 = vector.broadcast %lt3A_23 : i32 to vector<64000xi32>
    %lt3A_25 = arith.cmpi slt, %get3A_22, %lt3A_24 : vector<64000xi32>
    %mul3A_26 = arith.constant 2 : i32
    %mul3A_27 = vector.broadcast %mul3A_26 : i32 to vector<64000xi32>
    %mul3A_28 = arith.muli %mul3A_27, %get3A_22 : vector<64000xi32>
    %mul3A_29 = arith.constant 2 : i32
    %mul3A_30 = vector.broadcast %mul3A_29 : i32 to vector<64000xi32>
    %mul3A_31 = arith.muli %mul3A_30, %get3A_22 : vector<64000xi32>
    %sub3A_32 = arith.constant 10239 : i32
    %sub3A_33 = vector.broadcast %sub3A_32 : i32 to vector<64000xi32>
    %sub3A_34 = arith.subi %mul3A_31, %sub3A_33 : vector<64000xi32>
    %select_n3A_35 = arith.select %lt3A_25, %mul3A_28, %sub3A_34 : vector<64000xi1>, vector<64000xi32>
    %mul3A_36 = arith.constant 64000 : i32
    %mul3A_37 = arith.muli %arg0, %mul3A_36 : i32
    %swap3A_38 = arith.index_cast %mul3A_37 : i32 to index
    %swap3A_39 = vector.load %arg6[%swap3A_38] : memref<327680xi32, #tpu.memory_space<vmem>>, vector<64000xi32>
    tpu.vector_store %arg6[%swap3A_38], %select_n3A_35 {strides = array<i32>} : memref<327680xi32, #tpu.memory_space<vmem>>, vector<64000xi32>,
    %get3A_40 = arith.constant 1 : index
    %get3A_41 = arith.constant 0 : index
    %get3A_42 = vector.load %arg4[%get3A_40, %get3A_41] : memref<2x64000xi32, #tpu.memory_space<vmem>>, vector<1x64000xi32>
    %get3A_43 = vector.shape_cast %get3A_42 : vector<1x64000xi32> to vector<64000xi32>
    %lt3A_44 = arith.constant 5120 : i32
    %lt3A_45 = vector.broadcast %lt3A_44 : i32 to vector<64000xi32>
    %lt3A_46 = arith.cmpi slt, %get3A_43, %lt3A_45 : vector<64000xi32>
    %mul3A_47 = arith.constant 2 : i32
    %mul3A_48 = vector.broadcast %mul3A_47 : i32 to vector<64000xi32>
    %mul3A_49 = arith.muli %mul3A_48, %get3A_43 : vector<64000xi32>
    %mul3A_50 = arith.constant 2 : i32
    %mul3A_51 = vector.broadcast %mul3A_50 : i32 to vector<64000xi32>
    %mul3A_52 = arith.muli %mul3A_51, %get3A_43 : vector<64000xi32>
    %sub3A_53 = arith.constant 10239 : i32
    %sub3A_54 = vector.broadcast %sub3A_53 : i32 to vector<64000xi32>
    %sub3A_55 = arith.subi %mul3A_52, %sub3A_54 : vector<64000xi32>
    %select_n3A_56 = arith.select %lt3A_46, %mul3A_49, %sub3A_55 : vector<64000xi1>, vector<64000xi32>
    %mul3A_57 = arith.constant 64000 : i32
    %mul3A_58 = arith.muli %arg0, %mul3A_57 : i32
    %swap3A_59 = arith.index_cast %mul3A_58 : i32 to index
    %swap3A_60 = vector.load %arg7[%swap3A_59] : memref<327680xi32, #tpu.memory_space<vmem>>, vector<64000xi32>
    tpu.vector_store %arg7[%swap3A_59], %select_n3A_56 {strides = array<i32>} : memref<327680xi32, #tpu.memory_space<vmem>>, vector<64000xi32>,
    %eq3A = arith.constant 4 : i32
    %eq3A_61 = arith.cmpi eq, %arg0, %eq3A : i32
    %convert_element_type3A = arith.extui %eq3A_61 : i1 to i32
    %cond3A = arith.constant 0 : i32
    %cond3A_62 = arith.cmpi ne, %convert_element_type3A, %cond3A : i32
    scf.if %cond3A_62 {
      %iota3A_63 = tpu.iota {dimensions = array<i32: 1>} : vector<1x7680xi32>
      %iota3A_64 = vector.shape_cast %iota3A_63 : vector<1x7680xi32> to vector<7680xi32>
      %jit3A_65 = arith.constant 10000 : i32
      %eq3A_66 = arith.constant 0 : i32
      %eq3A_67 = arith.cmpi eq, %jit3A_65, %eq3A_66 : i32
      %jit3A_68 = arith.constant 1 : i32
      %select_n3A_69 = arith.select %eq3A_67, %jit3A_68, %jit3A_65 : i32
      %rem3A = vector.broadcast %select_n3A_69 : i32 to vector<7680xi32>
      %rem3A_70 = arith.remsi %iota3A_64, %rem3A : vector<7680xi32>
      %ne3A = arith.constant 0 : i32
      %ne3A_71 = vector.broadcast %ne3A : i32 to vector<7680xi32>
      %ne3A_72 = arith.cmpi ne, %rem3A_70, %ne3A_71 : vector<7680xi32>
      %lt3A_73 = arith.constant 0 : i32
      %lt3A_74 = vector.broadcast %lt3A_73 : i32 to vector<7680xi32>
      %lt3A_75 = arith.cmpi slt, %rem3A_70, %lt3A_74 : vector<7680xi32>
      %lt3A_76 = arith.constant 0 : i32
      %lt3A_77 = arith.cmpi slt, %select_n3A_69, %lt3A_76 : i32
      %ne3A_78 = vector.broadcast %lt3A_77 : i1 to vector<7680xi1>
      %ne3A_79 = vector.broadcast %ne3A_78 : vector<7680xi1> to vector<7680xi1>
      %ne3A_80 = arith.xori %lt3A_75, %ne3A_79 : vector<7680xi1>
      %and3A = arith.andi %ne3A_80, %ne3A_72 : vector<7680xi1>
      %add3A = vector.broadcast %select_n3A_69 : i32 to vector<7680xi32>
      %add3A_81 = arith.addi %rem3A_70, %add3A : vector<7680xi32>
      %select_n3A_82 = arith.select %and3A, %add3A_81, %rem3A_70 : vector<7680xi1>, vector<7680xi32>
      %lt3A_83 = arith.constant 5120 : i32
      %lt3A_84 = vector.broadcast %lt3A_83 : i32 to vector<7680xi32>
      %lt3A_85 = arith.cmpi slt, %select_n3A_82, %lt3A_84 : vector<7680xi32>
      %mul3A_86 = arith.constant 2 : i32
      %mul3A_87 = vector.broadcast %mul3A_86 : i32 to vector<7680xi32>
      %mul3A_88 = arith.muli %mul3A_87, %select_n3A_82 : vector<7680xi32>
      %mul3A_89 = arith.constant 2 : i32
      %mul3A_90 = vector.broadcast %mul3A_89 : i32 to vector<7680xi32>
      %mul3A_91 = arith.muli %mul3A_90, %select_n3A_82 : vector<7680xi32>
      %sub3A_92 = arith.constant 10239 : i32
      %sub3A_93 = vector.broadcast %sub3A_92 : i32 to vector<7680xi32>
      %sub3A_94 = arith.subi %mul3A_91, %sub3A_93 : vector<7680xi32>
      %select_n3A_95 = arith.select %lt3A_85, %mul3A_88, %sub3A_94 : vector<7680xi1>, vector<7680xi32>
      %swap3A_96 = arith.constant 320000 : index
      %swap3A_97 = vector.load %arg6[%swap3A_96] : memref<327680xi32, #tpu.memory_space<vmem>>, vector<7680xi32>
      tpu.vector_store %arg6[%swap3A_96], %select_n3A_95 {strides = array<i32>} : memref<327680xi32, #tpu.memory_space<vmem>>, vector<7680xi32>,
      %jit3A_98 = arith.constant 240 : i32
      %eq3A_99 = arith.constant 0 : i32
      %eq3A_100 = arith.cmpi eq, %jit3A_98, %eq3A_99 : i32
      %jit3A_101 = arith.constant 1 : i32
      %select_n3A_102 = arith.select %eq3A_100, %jit3A_101, %jit3A_98 : i32
      %rem3A_103 = vector.broadcast %select_n3A_102 : i32 to vector<7680xi32>
      %rem3A_104 = arith.remsi %iota3A_64, %rem3A_103 : vector<7680xi32>
      %ne3A_105 = arith.constant 0 : i32
      %ne3A_106 = vector.broadcast %ne3A_105 : i32 to vector<7680xi32>
      %ne3A_107 = arith.cmpi ne, %rem3A_104, %ne3A_106 : vector<7680xi32>
      %lt3A_108 = arith.constant 0 : i32
      %lt3A_109 = vector.broadcast %lt3A_108 : i32 to vector<7680xi32>
      %lt3A_110 = arith.cmpi slt, %rem3A_104, %lt3A_109 : vector<7680xi32>
      %lt3A_111 = arith.constant 0 : i32
      %lt3A_112 = arith.cmpi slt, %select_n3A_102, %lt3A_111 : i32
      %ne3A_113 = vector.broadcast %lt3A_112 : i1 to vector<7680xi1>
      %ne3A_114 = vector.broadcast %ne3A_113 : vector<7680xi1> to vector<7680xi1>
      %ne3A_115 = arith.xori %lt3A_110, %ne3A_114 : vector<7680xi1>
      %and3A_116 = arith.andi %ne3A_115, %ne3A_107 : vector<7680xi1>
      %add3A_117 = vector.broadcast %select_n3A_102 : i32 to vector<7680xi32>
      %add3A_118 = arith.addi %rem3A_104, %add3A_117 : vector<7680xi32>
      %select_n3A_119 = arith.select %and3A_116, %add3A_118, %rem3A_104 : vector<7680xi1>, vector<7680xi32>
      %add3A_120 = arith.constant 10000 : i32
      %add3A_121 = vector.broadcast %add3A_120 : i32 to vector<7680xi32>
      %add3A_122 = arith.addi %add3A_121, %select_n3A_119 : vector<7680xi32>
      %lt3A_123 = arith.constant 5120 : i32
      %lt3A_124 = vector.broadcast %lt3A_123 : i32 to vector<7680xi32>
      %lt3A_125 = arith.cmpi slt, %add3A_122, %lt3A_124 : vector<7680xi32>
      %mul3A_126 = arith.constant 2 : i32
      %mul3A_127 = vector.broadcast %mul3A_126 : i32 to vector<7680xi32>
      %mul3A_128 = arith.muli %mul3A_127, %add3A_122 : vector<7680xi32>
      %mul3A_129 = arith.constant 2 : i32
      %mul3A_130 = vector.broadcast %mul3A_129 : i32 to vector<7680xi32>
      %mul3A_131 = arith.muli %mul3A_130, %add3A_122 : vector<7680xi32>
      %sub3A_132 = arith.constant 10239 : i32
      %sub3A_133 = vector.broadcast %sub3A_132 : i32 to vector<7680xi32>
      %sub3A_134 = arith.subi %mul3A_131, %sub3A_133 : vector<7680xi32>
      %select_n3A_135 = arith.select %lt3A_125, %mul3A_128, %sub3A_134 : vector<7680xi1>, vector<7680xi32>
      %swap3A_136 = arith.constant 320000 : index
      %swap3A_137 = vector.load %arg7[%swap3A_136] : memref<327680xi32, #tpu.memory_space<vmem>>, vector<7680xi32>
      tpu.vector_store %arg7[%swap3A_136], %select_n3A_135 {strides = array<i32>} : memref<327680xi32, #tpu.memory_space<vmem>>, vector<7680xi32>,
    } else {
    }
    return
  }
  func.func @transform_0(%arg0: i32) -> (i32, i32) {
    %c0_i32 = arith.constant 0 : i32
    %c0_i32_0 = arith.constant 0 : i32
    return %arg0, %c0_i32 : i32, i32
  }
  func.func @transform_1(%arg0: i32) -> (i32, i32) {
    %add3A = arith.constant 5 : i32
    %add3A_0 = arith.addi %arg0, %add3A : i32
    %c0_i32 = arith.constant 0 : i32
    %c0_i32_1 = arith.constant 0 : i32
    return %add3A_0, %c0_i32 : i32, i32
  }
  func.func @transform_2(%arg0: i32) -> (i32, i32) {
    %c0_i32 = arith.constant 0 : i32
    %c0_i32_0 = arith.constant 0 : i32
    %c0_i32_1 = arith.constant 0 : i32
    return %c0_i32, %c0_i32_0 : i32, i32
  }
  func.func @transform_3(%arg0: i32) -> (i32, i32) {
    %c0_i32 = arith.constant 0 : i32
    %c0_i32_0 = arith.constant 0 : i32
    return %c0_i32, %arg0 : i32, i32
  }
  func.func @transform_4(%arg0: i32) -> (i32, i32) {
    %c0_i32 = arith.constant 0 : i32
    %c0_i32_0 = arith.constant 0 : i32
    return %arg0, %c0_i32 : i32, i32
  }
  func.func @transform_5(%arg0: i32) -> i32 {
    %c0_i32 = arith.constant 0 : i32
    %c0_i32_0 = arith.constant 0 : i32
    return %c0_i32 : i32
  }
  func.func @transform_6(%arg0: i32) -> i32 {
    %c0_i32 = arith.constant 0 : i32
    %c0_i32_0 = arith.constant 0 : i32
    return %c0_i32 : i32
  }
}

module attributes {stable_mosaic.version = 14 : i64} {
  func.func @_tail_body(%arg0: i32, %arg1: memref<1024x128xf32, #tpu.memory_space<vmem>>, %arg2: memref<1024x128xf32, #tpu.memory_space<vmem>>, %arg3: memref<1024x128xf32, #tpu.memory_space<vmem>>, %arg4: memref<1x128xf32, #tpu.memory_space<vmem>>, %arg5: memref<128x128xf32, #tpu.memory_space<vmem>>, %arg6: memref<1x128xf32, #tpu.memory_space<vmem>>, %arg7: memref<10x1024xi32, #tpu.memory_space<vmem>>, %arg8: memref<64x64xf32, #tpu.memory_space<vmem>>, %arg9: memref<1x64xf32, #tpu.memory_space<vmem>>, %arg10: memref<64x5xf32, #tpu.memory_space<vmem>>, %arg11: memref<1x5xf32, #tpu.memory_space<vmem>>, %arg12: memref<128x64xf32, #tpu.memory_space<vmem>>, %arg13: memref<128x5xf32, #tpu.memory_space<vmem>>) attributes {dimension_semantics = [#tpu.dimension_semantics<arbitrary>], iteration_bounds = array<i64: 5>, scalar_prefetch = 0 : i64, scratch_operands = 0 : i64, tpu.core_type = #tpu.core_type<tc>, window_params = [{transform_indices = @transform_0, window_bounds = array<i64: 1024, 128>}, {transform_indices = @transform_1, window_bounds = array<i64: 1024, 128>}, {transform_indices = @transform_2, window_bounds = array<i64: 1024, 128>}, {pipeline_mode = #tpu.pipeline_mode<synchronous>, transform_indices = @transform_3, window_bounds = array<i64: 1, 128>}, {pipeline_mode = #tpu.pipeline_mode<synchronous>, transform_indices = @transform_4, window_bounds = array<i64: 128, 128>}, {pipeline_mode = #tpu.pipeline_mode<synchronous>, transform_indices = @transform_5, window_bounds = array<i64: 1, 128>}, {pipeline_mode = #tpu.pipeline_mode<synchronous>, transform_indices = @transform_6, window_bounds = array<i64: 10, 1024>}, {pipeline_mode = #tpu.pipeline_mode<synchronous>, transform_indices = @transform_7, window_bounds = array<i64: 64, 64>}, {pipeline_mode = #tpu.pipeline_mode<synchronous>, transform_indices = @transform_8, window_bounds = array<i64: 1, 64>}, {pipeline_mode = #tpu.pipeline_mode<synchronous>, transform_indices = @transform_9, window_bounds = array<i64: 64, 5>}, {pipeline_mode = #tpu.pipeline_mode<synchronous>, transform_indices = @transform_10, window_bounds = array<i64: 1, 5>}, {pipeline_mode = #tpu.pipeline_mode<synchronous>, transform_indices = @transform_11, window_bounds = array<i64: 128, 64>}, {pipeline_mode = #tpu.pipeline_mode<synchronous>, transform_indices = @transform_12, window_bounds = array<i64: 128, 5>}]} {
    %get3A = arith.constant 0 : index
    %get3A_0 = arith.constant 0 : index
    %get3A_1 = vector.load %arg1[%get3A, %get3A_0] : memref<1024x128xf32, #tpu.memory_space<vmem>>, vector<1024x128xf32>
    %get3A_2 = arith.constant 0 : index
    %get3A_3 = arith.constant 0 : index
    %get3A_4 = vector.load %arg2[%get3A_2, %get3A_3] : memref<1024x128xf32, #tpu.memory_space<vmem>>, vector<1024x128xf32>
    %add3A = arith.addf %get3A_1, %get3A_4 : vector<1024x128xf32>
    %get3A_5 = arith.constant 0 : index
    %get3A_6 = arith.constant 0 : index
    %get3A_7 = vector.load %arg3[%get3A_5, %get3A_6] : memref<1024x128xf32, #tpu.memory_space<vmem>>, vector<1024x128xf32>
    %add3A_8 = arith.addf %add3A, %get3A_7 : vector<1024x128xf32>
    %get3A_9 = arith.constant 0 : index
    %get3A_10 = arith.constant 0 : index
    %get3A_11 = vector.load %arg4[%get3A_9, %get3A_10] : memref<1x128xf32, #tpu.memory_space<vmem>>, vector<1x128xf32>
    %add3A_12 = vector.broadcast %get3A_11 : vector<1x128xf32> to vector<1024x128xf32>
    %add3A_13 = arith.addf %add3A_8, %add3A_12 : vector<1024x128xf32>
    %max3A = arith.constant 0.000000e+00 : f32
    %max3A_14 = vector.broadcast %max3A : f32 to vector<1024x128xf32>
    %max3A_15 = arith.maximumf %add3A_13, %max3A_14 : vector<1024x128xf32>
    %get3A_16 = arith.constant 0 : index
    %get3A_17 = arith.constant 0 : index
    %get3A_18 = vector.load %arg5[%get3A_16, %get3A_17] : memref<128x128xf32, #tpu.memory_space<vmem>>, vector<128x128xf32>
    %dot_general3A = arith.constant dense<0.000000e+00> : vector<1024x128xf32>
    %dot_general3A_19 = tpu.matmul %max3A_15, %get3A_18, %dot_general3A {dimension_numbers = #tpu.dot_dimension_numbers<[1], [0], [0], [1], [0, 0, 1, 1], [], []>, transpose_lhs_hint = false} : vector<1024x128xf32>, vector<128x128xf32>, vector<1024x128xf32> -> vector<1024x128xf32>
    %get3A_20 = arith.constant 0 : index
    %get3A_21 = arith.constant 0 : index
    %get3A_22 = vector.load %arg6[%get3A_20, %get3A_21] : memref<1x128xf32, #tpu.memory_space<vmem>>, vector<1x128xf32>
    %add3A_23 = vector.broadcast %get3A_22 : vector<1x128xf32> to vector<1024x128xf32>
    %add3A_24 = arith.addf %dot_general3A_19, %add3A_23 : vector<1024x128xf32>
    %max3A_25 = arith.constant 0.000000e+00 : f32
    %max3A_26 = vector.broadcast %max3A_25 : f32 to vector<1024x128xf32>
    %max3A_27 = arith.maximumf %add3A_24, %max3A_26 : vector<1024x128xf32>
    %iota3A = tpu.iota {dimensions = array<i32: 0>} : vector<128x1024xi32>
    %get3A_28 = arith.index_cast %arg0 : i32 to index
    %get3A_29 = arith.constant 0 : index
    %get3A_30 = vector.load %arg7[%get3A_28, %get3A_29] : memref<10x1024xi32, #tpu.memory_space<vmem>>, vector<1x1024xi32>
    %add3A_31 = arith.constant 5 : i32
    %add3A_32 = arith.addi %arg0, %add3A_31 : i32
    %get3A_33 = arith.index_cast %add3A_32 : i32 to index
    %get3A_34 = arith.constant 0 : index
    %get3A_35 = vector.load %arg7[%get3A_33, %get3A_34] : memref<10x1024xi32, #tpu.memory_space<vmem>>, vector<1x1024xi32>
    %broadcast_in_dim3A = vector.shape_cast %get3A_30 : vector<1x1024xi32> to vector<1x1024xi32>
    %broadcast_in_dim3A_36 = vector.broadcast %broadcast_in_dim3A : vector<1x1024xi32> to vector<128x1024xi32>
    %eq3A = arith.cmpi eq, %broadcast_in_dim3A_36, %iota3A : vector<128x1024xi32>
    %convert_element_type3A = arith.extui %eq3A : vector<128x1024xi1> to vector<128x1024xi32>
    %convert_element_type3A_37 = arith.sitofp %convert_element_type3A : vector<128x1024xi32> to vector<128x1024xf32>
    %broadcast_in_dim3A_38 = vector.shape_cast %get3A_35 : vector<1x1024xi32> to vector<1x1024xi32>
    %broadcast_in_dim3A_39 = vector.broadcast %broadcast_in_dim3A_38 : vector<1x1024xi32> to vector<128x1024xi32>
    %eq3A_40 = arith.cmpi eq, %broadcast_in_dim3A_39, %iota3A : vector<128x1024xi32>
    %convert_element_type3A_41 = arith.extui %eq3A_40 : vector<128x1024xi1> to vector<128x1024xi32>
    %convert_element_type3A_42 = arith.sitofp %convert_element_type3A_41 : vector<128x1024xi32> to vector<128x1024xf32>
    %mul3A = arith.constant 1024 : i32
    %mul3A_43 = arith.muli %arg0, %mul3A : i32
    %sub3A = arith.constant 4880 : i32
    %sub3A_44 = arith.subi %sub3A, %mul3A_43 : i32
    %iota3A_45 = tpu.iota {dimensions = array<i32: 0>} : vector<1024x64xi32>
    %lt3A = vector.broadcast %sub3A_44 : i32 to vector<1024x64xi32>
    %lt3A_46 = arith.cmpi slt, %iota3A_45, %lt3A : vector<1024x64xi32>
    %slice3A = vector.extract_strided_slice %max3A_27 {offsets = [0, 64], sizes = [1024, 64], strides = [1, 1]} : vector<1024x128xf32> to vector<1024x64xf32>
    %jit3A = arith.constant 0.000000e+00 : f32
    %broadcast_in_dim3A_47 = vector.broadcast %jit3A : f32 to vector<1024x64xf32>
    %select_n3A = arith.select %lt3A_46, %slice3A, %broadcast_in_dim3A_47 : vector<1024x64xi1>, vector<1024x64xf32>
    %slice3A_48 = vector.extract_strided_slice %max3A_27 {offsets = [0, 0], sizes = [1024, 64], strides = [1, 1]} : vector<1024x128xf32> to vector<1024x64xf32>
    %dot_general3A_49 = arith.constant dense<0.000000e+00> : vector<128x64xf32>
    %dot_general3A_50 = tpu.matmul %convert_element_type3A_37, %slice3A_48, %dot_general3A_49 {dimension_numbers = #tpu.dot_dimension_numbers<[1], [0], [0], [1], [0, 0, 1, 1], [], []>, transpose_lhs_hint = false} : vector<128x1024xf32>, vector<1024x64xf32>, vector<128x64xf32> -> vector<128x64xf32>
    %dot_general3A_51 = arith.constant dense<0.000000e+00> : vector<128x64xf32>
    %dot_general3A_52 = tpu.matmul %convert_element_type3A_42, %select_n3A, %dot_general3A_51 {dimension_numbers = #tpu.dot_dimension_numbers<[1], [0], [0], [1], [0, 0, 1, 1], [], []>, transpose_lhs_hint = false} : vector<128x1024xf32>, vector<1024x64xf32>, vector<128x64xf32> -> vector<128x64xf32>
    %add3A_53 = arith.addf %dot_general3A_50, %dot_general3A_52 : vector<128x64xf32>
    %eq3A_54 = arith.constant 0 : i32
    %eq3A_55 = arith.cmpi eq, %arg0, %eq3A_54 : i32
    %convert_element_type3A_56 = arith.extui %eq3A_55 : i1 to i32
    %cond3A = arith.constant 0 : i32
    %cond3A_57 = arith.cmpi ne, %convert_element_type3A_56, %cond3A : i32
    scf.if %cond3A_57 {
      %swap3A = arith.constant 0 : index
      %swap3A_67 = arith.constant 0 : index
      %swap3A_68 = vector.load %arg12[%swap3A, %swap3A_67] : memref<128x64xf32, #tpu.memory_space<vmem>>, vector<128x64xf32>
      tpu.vector_store %arg12[%swap3A, %swap3A_67], %add3A_53 {strides = array<i32>} : memref<128x64xf32, #tpu.memory_space<vmem>>, vector<128x64xf32>,
    } else {
    }
    %gt3A = arith.constant 0 : i32
    %gt3A_58 = arith.cmpi sgt, %arg0, %gt3A : i32
    %convert_element_type3A_59 = arith.extui %gt3A_58 : i1 to i32
    %cond3A_60 = arith.constant 0 : i32
    %cond3A_61 = arith.cmpi ne, %convert_element_type3A_59, %cond3A_60 : i32
    scf.if %cond3A_61 {
      %get3A_67 = arith.constant 0 : index
      %get3A_68 = arith.constant 0 : index
      %get3A_69 = vector.load %arg12[%get3A_67, %get3A_68] : memref<128x64xf32, #tpu.memory_space<vmem>>, vector<128x64xf32>
      %add3A_70 = arith.addf %get3A_69, %add3A_53 : vector<128x64xf32>
      %swap3A = arith.constant 0 : index
      %swap3A_71 = arith.constant 0 : index
      %swap3A_72 = vector.load %arg12[%swap3A, %swap3A_71] : memref<128x64xf32, #tpu.memory_space<vmem>>, vector<128x64xf32>
      tpu.vector_store %arg12[%swap3A, %swap3A_71], %add3A_70 {strides = array<i32>} : memref<128x64xf32, #tpu.memory_space<vmem>>, vector<128x64xf32>,
    } else {
    }
    %eq3A_62 = arith.constant 4 : i32
    %eq3A_63 = arith.cmpi eq, %arg0, %eq3A_62 : i32
    %convert_element_type3A_64 = arith.extui %eq3A_63 : i1 to i32
    %cond3A_65 = arith.constant 0 : i32
    %cond3A_66 = arith.cmpi ne, %convert_element_type3A_64, %cond3A_65 : i32
    scf.if %cond3A_66 {
      %get3A_67 = arith.constant 0 : index
      %get3A_68 = arith.constant 0 : index
      %get3A_69 = vector.load %arg12[%get3A_67, %get3A_68] : memref<128x64xf32, #tpu.memory_space<vmem>>, vector<128x64xf32>
      %get3A_70 = arith.constant 0 : index
      %get3A_71 = arith.constant 0 : index
      %get3A_72 = vector.load %arg8[%get3A_70, %get3A_71] : memref<64x64xf32, #tpu.memory_space<vmem>>, vector<64x64xf32>
      %dot_general3A_73 = arith.constant dense<0.000000e+00> : vector<128x64xf32>
      %dot_general3A_74 = tpu.matmul %get3A_69, %get3A_72, %dot_general3A_73 {dimension_numbers = #tpu.dot_dimension_numbers<[1], [0], [0], [1], [0, 0, 1, 1], [], []>, transpose_lhs_hint = false} : vector<128x64xf32>, vector<64x64xf32>, vector<128x64xf32> -> vector<128x64xf32>
      %get3A_75 = arith.constant 0 : index
      %get3A_76 = arith.constant 0 : index
      %get3A_77 = vector.load %arg9[%get3A_75, %get3A_76] : memref<1x64xf32, #tpu.memory_space<vmem>>, vector<1x64xf32>
      %add3A_78 = vector.broadcast %get3A_77 : vector<1x64xf32> to vector<128x64xf32>
      %add3A_79 = arith.addf %dot_general3A_74, %add3A_78 : vector<128x64xf32>
      %max3A_80 = arith.constant 0.000000e+00 : f32
      %max3A_81 = vector.broadcast %max3A_80 : f32 to vector<128x64xf32>
      %max3A_82 = arith.maximumf %add3A_79, %max3A_81 : vector<128x64xf32>
      %get3A_83 = arith.constant 0 : index
      %get3A_84 = arith.constant 0 : index
      %get3A_85 = vector.load %arg10[%get3A_83, %get3A_84] : memref<64x5xf32, #tpu.memory_space<vmem>>, vector<64x5xf32>
      %dot_general3A_86 = arith.constant dense<0.000000e+00> : vector<128x5xf32>
      %dot_general3A_87 = tpu.matmul %max3A_82, %get3A_85, %dot_general3A_86 {dimension_numbers = #tpu.dot_dimension_numbers<[1], [0], [0], [1], [0, 0, 1, 1], [], []>, transpose_lhs_hint = false} : vector<128x64xf32>, vector<64x5xf32>, vector<128x5xf32> -> vector<128x5xf32>
      %get3A_88 = arith.constant 0 : index
      %get3A_89 = arith.constant 0 : index
      %get3A_90 = vector.load %arg11[%get3A_88, %get3A_89] : memref<1x5xf32, #tpu.memory_space<vmem>>, vector<1x5xf32>
      %add3A_91 = vector.broadcast %get3A_90 : vector<1x5xf32> to vector<128x5xf32>
      %add3A_92 = arith.addf %dot_general3A_87, %add3A_91 : vector<128x5xf32>
      %swap3A = arith.constant 0 : index
      %swap3A_93 = arith.constant 0 : index
      %swap3A_94 = vector.load %arg13[%swap3A, %swap3A_93] : memref<128x5xf32, #tpu.memory_space<vmem>>, vector<128x5xf32>
      tpu.vector_store %arg13[%swap3A, %swap3A_93], %add3A_92 {strides = array<i32>} : memref<128x5xf32, #tpu.memory_space<vmem>>, vector<128x5xf32>,
    } else {
    }
    return
  }
  func.func @transform_0(%arg0: i32) -> (i32, i32) {
    %c0_i32 = arith.constant 0 : i32
    %c0_i32_0 = arith.constant 0 : i32
    return %arg0, %c0_i32 : i32, i32
  }
  func.func @transform_1(%arg0: i32) -> (i32, i32) {
    %c0_i32 = arith.constant 0 : i32
    %c0_i32_0 = arith.constant 0 : i32
    return %arg0, %c0_i32 : i32, i32
  }
  func.func @transform_2(%arg0: i32) -> (i32, i32) {
    %c0_i32 = arith.constant 0 : i32
    %c0_i32_0 = arith.constant 0 : i32
    return %arg0, %c0_i32 : i32, i32
  }
  func.func @transform_3(%arg0: i32) -> (i32, i32) {
    %c0_i32 = arith.constant 0 : i32
    %c0_i32_0 = arith.constant 0 : i32
    %c0_i32_1 = arith.constant 0 : i32
    return %c0_i32, %c0_i32_0 : i32, i32
  }
  func.func @transform_4(%arg0: i32) -> (i32, i32) {
    %c0_i32 = arith.constant 0 : i32
    %c0_i32_0 = arith.constant 0 : i32
    %c0_i32_1 = arith.constant 0 : i32
    return %c0_i32, %c0_i32_0 : i32, i32
  }
  func.func @transform_5(%arg0: i32) -> (i32, i32) {
    %c0_i32 = arith.constant 0 : i32
    %c0_i32_0 = arith.constant 0 : i32
    %c0_i32_1 = arith.constant 0 : i32
    return %c0_i32, %c0_i32_0 : i32, i32
  }
  func.func @transform_6(%arg0: i32) -> (i32, i32) {
    %c0_i32 = arith.constant 0 : i32
    %c0_i32_0 = arith.constant 0 : i32
    %c0_i32_1 = arith.constant 0 : i32
    return %c0_i32, %c0_i32_0 : i32, i32
  }
  func.func @transform_7(%arg0: i32) -> (i32, i32) {
    %c0_i32 = arith.constant 0 : i32
    %c0_i32_0 = arith.constant 0 : i32
    %c0_i32_1 = arith.constant 0 : i32
    return %c0_i32, %c0_i32_0 : i32, i32
  }
  func.func @transform_8(%arg0: i32) -> (i32, i32) {
    %c0_i32 = arith.constant 0 : i32
    %c0_i32_0 = arith.constant 0 : i32
    %c0_i32_1 = arith.constant 0 : i32
    return %c0_i32, %c0_i32_0 : i32, i32
  }
  func.func @transform_9(%arg0: i32) -> (i32, i32) {
    %c0_i32 = arith.constant 0 : i32
    %c0_i32_0 = arith.constant 0 : i32
    %c0_i32_1 = arith.constant 0 : i32
    return %c0_i32, %c0_i32_0 : i32, i32
  }
  func.func @transform_10(%arg0: i32) -> (i32, i32) {
    %c0_i32 = arith.constant 0 : i32
    %c0_i32_0 = arith.constant 0 : i32
    %c0_i32_1 = arith.constant 0 : i32
    return %c0_i32, %c0_i32_0 : i32, i32
  }
  func.func @transform_11(%arg0: i32) -> (i32, i32) {
    %c0_i32 = arith.constant 0 : i32
    %c0_i32_0 = arith.constant 0 : i32
    %c0_i32_1 = arith.constant 0 : i32
    return %c0_i32, %c0_i32_0 : i32, i32
  }
  func.func @transform_12(%arg0: i32) -> (i32, i32) {
    %c0_i32 = arith.constant 0 : i32
    %c0_i32_0 = arith.constant 0 : i32
    %c0_i32_1 = arith.constant 0 : i32
    return %c0_i32, %c0_i32_0 : i32, i32
  }
}

</mosaic_0001>

<sc_bundles>
// kernel: kernel.10.cloned.1.call-start
scs
__scs_entry_jumppad:
0x0: {  	(pc) =	sbr.rel $0x88, $3  }
0x1: {  	(tag) =	ssettag $0x0;
	lr =	simm.s32 $0x1  }
0x2: {  	[smem:$0x3F92] =	sst lr;
	_ =	strace $0xD0000000  }
0x3: {  	_ = 	snop  }
0x4: {  	_ = 	snop  }
0x5: {  	_ = 	snop  }
0x6: {  	_ = 	snop  }
0x7: {  	_ = 	snop  }
__scs_overlays_trampoline_lowered:
0x8: {  	[smem:$0x3FA1] =	sst s0  }
0x9: {  	[smem:$0x3FA2] =	sst s1  }
0xa: {  	[smem:$0x3FA3] =	sst s2  }
0xb: {  	[smem:$0x3FA4] =	sst s3  }
0xc: {  	[smem:$0x3FA5] =	sst s4  }
0xd: {  	[smem:$0x3FA6] =	sst s5  }
0xe: {  	[smem:$0x3FA7] =	sst s6  }
0xf: {  	[smem:$0x3FA8] =	sst s7  }
0x10: {  	[smem:$0x3FA9] =	sst s8  }
0x11: {  	[smem:$0x3FAA] =	sst s9;
	s0 =	simm.s32 @!p0 $0x0  }
0x12: {  	s1 =	sld [smem:$0x3F90];
	s0 =	simm.s32 @p0 $0x1  }
0x13: {  	[smem:$0x3FAB] =	sst s0;
	s0 =	simm.s32 @!p1 $0x0  }
0x14: {  	s2 =	sld [smem:$0x3F8F];
	s0 =	simm.s32 @p1 $0x1  }
0x15: {  	[smem:$0x3FAC] =	sst s0;
	s0 =	simm.s32 @!p2 $0x0  }
0x16: {  	s3 =	sld [smem:$0x3FDB];
	s0 =	simm.s32 @p2 $0x1  }
0x17: {  	s4 =	simm.s32 $0x1BF5;
	[smem:$0x3FAE] =	sst s0  }
0x18: {  	s0 =	sld [smem:$0x3F91];
	_ =	swait.ge [sflag:s4], $0x0  }
0x19: {  	s7 =	sld [smem:$0x3F92]  }
0x1a: {  	s8 =	sadd.s32 $0xFFFFE003, lr  }
0x1b: {  	s9 =	sadd.s32 $0xFFFFFEF7, lr;
	s5 =	simm.s32 $0xFFFFFFFF;
	p2 =	slt.u32 s8, $0xFFFFF086  }
0x1c: {  	p1 =	slt.u32 s9, $0xF7A;
	s5 =	simm.s32 @!p2 $0x0  }
0x1d: {  	s5 =	simm.s32 @p1 $0x1;
	p0 =	seq.s32 s7, s2  }
0x1e: {  	s7 =	smul.u32 @!p0 $0xF7A, s2;
	p2 =	seq.s32 @!p0 s5, $0x0  }
0x1f: {  	s9 =	smul.u32 $0xF7A, s1;
	s8 =	simm.s32 @!p0 $0x1BF5;
	p2 =	por !p2, p0  }
0x20: {  	[sflag:s8] =	ssyncset.s32 @!p0 $0xFFFFF086;
	s6 =	sadd.s32 @!p0 s3, s7;
	s7 =	simm.s32 @!p0 $0x108  }
0x21: {  	s3 =	sadd.s32 s3, s9;
	s6 =	sadd.s32 @!p0 $0x88, s6;
	s7 =	simm.s32 @p2 $0x1082  }
0x22: {  	[simem:s7], [sflag:s8] =	dma.local @!p0 [hbm:s6], $0xF7A  }
0x23: {  	s9 =	sor.u32 $0xD0000000, s2;
	s6 =	simm.s32 $0x108;
	_ =	swait.ge @!p0 [sflag:s8], $0x0  }
0x24: {  	s3 =	sadd.s32 $0x88, s3;
	s6 =	simm.s32 @!p1 $0x1082;
	[sflag:s4] =	ssyncset.s32 $0xFFFFF086  }
0x25: {  	[simem:s6], [sflag:s4] =	dma.local [hbm:s3], $0xF7A  }
0x26: {  	[smem:$0x3F92] =	sst s1;
	(tag) =	ssettag s2;
	_ =	strace s9  }
0x27: {  	s1 =	sld [smem:$0x3FA2]  }
0x28: {  	s2 =	sld [smem:$0x3FA3]  }
0x29: {  	s4 =	sld [smem:$0x3FA5]  }
0x2a: {  	p0 =	seq.s32 s5, $0x0;
	s5 =	sld [smem:$0x3FA6]  }
0x2b: {  	s6 =	sld [smem:$0x3FA7]  }
0x2c: {  	s7 =	sld [smem:$0x3FA8]  }
0x2d: {  	s3 =	simm.s32 $0x108;
	s8 =	sld [smem:$0x3FA9]  }
0x2e: {  	s3 =	simm.s32 @!p0 $0x1082;
	s9 =	sld [smem:$0x3FAA]  }
0x2f: {  	lr =	sadd.s32 s0, s3;
	s0 =	sld [smem:$0x3FA1]  }
0x30: {  	s3 =	sld [smem:$0x3FA4]  }
0x31: {  	[smem:$0x3FAD] =	sst s10  }
0x32: {  	s10 =	sld [smem:$0x3FAB];
	_ =	sdelay $0x3  }
0x33: {  	p0 =	seq.s32 s10, $0x1;
	s10 =	sld [smem:$0x3FAD];
	_ =	sdelay $0x3  }
0x34: {  	[smem:$0x3FAD] =	sst s10  }
0x35: {  	s10 =	sld [smem:$0x3FAC];
	_ =	sdelay $0x3  }
0x36: {  	p1 =	seq.s32 s10, $0x1;
	s10 =	sld [smem:$0x3FAD];
	_ =	sdelay $0x3  }
0x37: {  	[smem:$0x3FAD] =	sst s10  }
0x38: {  	s10 =	sld [smem:$0x3FAE]  }
0x39: {  	_ = 	snop;
	(pc) =	sbr.ind lr, $3  }
0x3a: {  	_ = 	snop  }
0x3b: {  	_ = 	snop  }
0x3c: {  	p2 =	seq.s32 s10, $0x1;
	s10 =	sld [smem:$0x3FAD]  }
0x3d: {  	_ =	shalt  }
0x3e: {  	_ =	shalt  }
0x3f: {  	_ =	shalt  }
0x40: {  	_ =	shalt  }
0x41: {  	_ =	shalt  }
0x42: {  	_ =	shalt  }
0x43: {  	_ =	shalt  }
0x44: {  	_ =	shalt  }
0x45: {  	_ =	shalt  }
0x46: {  	_ =	shalt  }
0x47: {  	_ =	shalt  }
0x48: {  	_ =	shalt  }
0x49: {  	_ =	shalt  }
0x4a: {  	_ =	shalt  }
0x4b: {  	_ =	shalt  }
0x4c: {  	_ =	shalt  }
0x4d: {  	_ =	shalt  }
0x4e: {  	_ =	shalt  }
0x4f: {  	_ =	shalt  }
0x50: {  	_ =	shalt  }
0x51: {  	_ =	shalt  }
0x52: {  	_ =	shalt  }
0x53: {  	_ =	shalt  }
0x54: {  	_ =	shalt  }
0x55: {  	_ =	shalt  }
0x56: {  	_ =	shalt  }
0x57: {  	_ =	shalt  }
0x58: {  	_ =	shalt  }
0x59: {  	_ =	shalt  }
0x5a: {  	_ =	shalt  }
0x5b: {  	_ =	shalt  }
0x5c: {  	_ =	shalt  }
0x5d: {  	_ =	shalt  }
0x5e: {  	_ =	shalt  }
0x5f: {  	_ =	shalt  }
0x60: {  	_ =	shalt  }
0x61: {  	_ =	shalt  }
0x62: {  	_ =	shalt  }
0x63: {  	_ =	shalt  }
0x64: {  	_ =	shalt  }
0x65: {  	_ =	shalt  }
0x66: {  	_ =	shalt  }
0x67: {  	_ =	shalt  }
0x68: {  	_ =	shalt  }
0x69: {  	_ =	shalt  }
0x6a: {  	_ =	shalt  }
0x6b: {  	_ =	shalt  }
0x6c: {  	_ =	shalt  }
0x6d: {  	_ =	shalt  }
0x6e: {  	_ =	shalt  }
0x6f: {  	_ =	shalt  }
0x70: {  	_ =	shalt  }
0x71: {  	_ =	shalt  }
0x72: {  	_ =	shalt  }
0x73: {  	_ =	shalt  }
0x74: {  	_ =	shalt  }
0x75: {  	_ =	shalt  }
0x76: {  	_ =	shalt  }
0x77: {  	_ =	shalt  }
0x78: {  	_ =	shalt  }
0x79: {  	_ =	shalt  }
0x7a: {  	_ =	shalt  }
0x7b: {  	_ =	shalt  }
0x7c: {  	_ =	shalt  }
0x7d: {  	_ =	shalt  }
0x7e: {  	_ =	shalt  }
0x7f: {  	_ =	shalt  }
0x80: {  	_ =	shalt  }
0x81: {  	_ =	shalt  }
0x82: {  	_ =	shalt  }
0x83: {  	_ =	shalt  }
0x84: {  	_ =	shalt  }
0x85: {  	_ =	shalt  }
0x86: {  	_ =	shalt  }
0x87: {  	_ =	shalt  }
.Lfunc_end0:
.L_simem_size_0:
called_computation.1_lowered:
.L_overlay_start_0:
0x88: {  	s2 =	sld [smem:$0x3FD9]  }
0x89: {  	s3 =	sld [smem:$0x3FFE];
	_ =	sdelay $0x1  }
0x8a: {  	s1 =	srdreg.scid  }
0x8b: {  	s0 =	sand.u32 $0x1, s1  }
0x8c: {  	s16 =	sshll.u32 s0, $0xA;
	s2 =	sadd.s32 s3, s2  }
0x8d: {  	s2 =	sadd.s32 s2, s16  }
0x8e: {  	[smem:$0x3FB9] =	sst s2  }
0x8f: {  	_ = 	snop  }
0x90: {  	(tm) =	ssettm $0x1  }
0x91: {  	s17 =	sld [smem:$0x3FFB];
	_ =	sdelay $0x3  }
0x92: {  	_ =	strace s17  }
0x93: {  	s2 =	sld [smem:$0x3FFC];
	_ =	sdelay $0x3  }
0x94: {  	_ =	strace s2  }
0x95: {  	s2 =	sld [smem:$0x3FFD];
	_ =	sdelay $0x3  }
0x96: {  	_ =	strace s2  }
0x97: {  	_ =	strace $0x8FFFFFFF  }
0x98: {  	s18 =	sld [smem:$0x3FDB];
	_ =	sdelay $0x1  }
0x99: {  	s19 =	simm.s32 $_scs_section_size  }
0x9a: {  	s4 =	simm.s32 $_size__tile_overlayer_lowered;
	s5 =	simm.s32 $_tile_overlayer_lowered  }
0x9b: {  	s22 =	simm.s32 $0x1BFF;
	s21 =	sshll.u32 s5, $0x1;
	s2 =	sadd.s32 s19, s18  }
0x9c: {  	s6 =	simm.s32 $0x0;
	s20 =	sshll.u32 s4, $0x1;
	s4 =	sadd.s32 s21, s2  }
0x9d: {  	[timem:s6], [sflag:s22] =	dma.local [hbm:s4], s20  }
0x9e: {  	_ =	swait.ge [sflag:s22], s20  }
0x9f: {  	s3 =	ssub.s32 $0x0, s20;
	[sflag:s22] =	ssyncset.done $0x0  }
0xa0: {  	[sflag:s22] =	ssyncadd.s32 s3;
	_ =	sdelay $0x1  }
0xa1: {  	s23 =	simm.s32 $0x1B8B  }
0xa2: {  	_ =	swait.ge [sflag:s23], $0x1  }
0xa3: {  	[sflag:s23] =	ssyncset.done $0x0  }
0xa4: {  	s25 =	simm.s32 $0x1B8E;
	s24 =	sld [smem:$0x3FFE];
	[sflag:s23] =	ssyncadd.s32 $0xFFFFFFFF  }
0xa5: {  	s26 =	simm.s32 $execute0_lowered;
	[smem:$0x3FD2] =	sst s25  }
0xa6: {  	s4 =	sshll.u32 s26, $0x1;
	_ =	strace $0x80000049;
	[dreg:$0x1] =	wrdreg $0xFFFFFFFF  }
0xa7: {  	s28 =	simm.s32 $_size_execute0_lowered;
	s2 =	sadd.s32 s2, s4;
	[dreg:$0x0] =	wrdreg $0x0  }
0xa8: {  	s4 =	sshll.u32 s28, $0x1;
	[dreg:$0x2] =	wrdreg s2  }
0xa9: {  	[dreg:$0x3] =	wrdreg s4  }
0xaa: {  	[dreg:$0x4] =	wrdreg $0xC0  }
0xab: {  	_ =	task [dreg:s6], $0x5FFFF  }
0xac: {  	[dreg:$0x1] =	wrdreg $0xFFFFFFFF  }
0xad: {  	[dreg:$0x0] =	wrdreg $0x60  }
0xae: {  	[dreg:$0x2] =	wrdreg s24  }
0xaf: {  	[dreg:$0x3] =	wrdreg $0x150000  }
0xb0: {  	[dreg:$0x4] =	wrdreg $0x9  }
0xb1: {  	_ =	task.clear_ibuf [dreg:s6], $0x5FFFF;
	_ =	strace $0x90000049  }
0xb2: {  	s29 =	simm.s32 $0x9;
	_ =	strace $0x8000004B  }
0xb3: {  	_ =	swait.ge [sflag:s29], $0x1  }
0xb4: {  	[sflag:s29] =	ssyncadd.s32 $0xFFFFFFFF  }
0xb5: {  	_ =	strace $0x9000004B  }
0xb6: {  	_ =	sfence  }
0xb7: {  	s30 =	sld [smem:$0x0];
	_ =	sdelay $0x2  }
0xb8: {  	s31 =	sshll.u32 s1, $0xD;
	s1 =	sshrl.u32 s1, $0x2  }
0xb9: {  	s3 =	sand.u32 $0x4000, s31;
	s1 =	sadd.s32 s1, s30  }
0xba: {  	s0 =	sor.u32 s3, s0;
	s1 =	sshll.u32 s1, $0x11  }
0xbb: {  	s0 =	sor.u32 s1, s0  }
0xbc: {  	s0 =	sadd.s32 $0x8F2B, s0  }
0xbd: {  	[sflag:s0] =	ssyncadd.remote.s32 $0x1  }
0xbe: {  	_ =	sfence.sel $0xFFFF  }
0xbf: {  	[dreg:$0x0] =	wrdreg $0xFFFFFFFF;
	(pc) =	sbr.abs _section_cstart, $3  }
0xc0: {  	[dreg:$0x1] =	wrdreg $0xFFFFFFFF  }
0xc1: {  	_ =	task.clear_ibuf [dreg:s6], $0x2FFFF;
	_ =	strace $0x9FFFFFFF  }
0xc2: {  	(tm) =	ssettm $0x7FFFFFFF  }
0xc3: {  	_ =	shalt  }
tec
execute0_lowered:
.L_overlay_start_1:
0x0: {  	(tag) =	ssettag $0x1  }
0x1: {  	s0 =	rddreg [dreg:$0x0]  }
0x2: {  	s1 =	rddreg [dreg:$0x1];
	s2 =	srdreg.scid  }
0x3: {  	s13 =	simm.s32 $0x0;
	s3 =	stileid.u32;
	s14 =	simm.s32 $0x5000  }
0x4: {  	s15 =	simm.s32 $0x11;
	s17 =	simm.s32 $0x80;
	s18 =	simm.s32 $0x7000  }
0x5: {  	s28 =	simm.s32 $0xF000;
	s29 =	simm.s32 $0x2;
	s30 =	simm.s32 $0x4  }
0x6: {  	s31 =	simm.s32 $0x6;
	s10 =	simm.s32 $0xD;
	s11 =	simm.s32 $0xE  }
0x7: {  	s16 =	simm.s32 $0xF;
	s12 =	simm.s32 $0x10;
	s6 =	smul.u32 $0x28000, s3  }
0x8: {  	s2 =	sand.u32 $0x1, s2;
	[smem:$0x7FF] =	sst s13;
	s9 =	smul.u32 $0xA000, s3  }
0x9: {  	s4 =	sshll.u32 s2, $0x4;
	_ =	strace $0x8000004A;
	s7 =	ssub.s32 $0x2, s2  }
0xa: {  	p0 =	seq.s32 s2, $0x1;
	s2 =	simm.s32 $0x40A00;
	s5 =	sor.u32 s3, s4  }
0xb: {  	s4 =	sadd.s32 $0x18A00, s0;
	s8 =	sshrl.u32 s7, $0x1;
	s6 =	sshrl.u32 s6, $0x2  }
0xc: {  	s3 =	sadd.s32 s9, s1;
	s2 =	simm.s32 @!p0 $0x2CA00;
	s25 =	sshrl.u32 s9, $0x3  }
0xd: {  	s9 =	simm.s32 $0x8;
	s5 =	smul.u32 $0x500, s5;
	s6 =	sadd.s32 s6, s1  }
0xe: {  	s7 =	ssub.s32 s7, s8;
	[dreg:$0x4] =	wrdreg s3;
	s19 =	sadd.s32 $0x2000, s6  }
0xf: {  	s8 =	simm.s32 $0xC;
	s20 =	sadd.s32 $0x4000, s6;
	[dreg:$0x5] =	wrdreg s19  }
0x10: {  	s21 =	sadd.s32 $0x6000, s6;
	s22 =	sadd.s32 $0x8000, s6;
	[dreg:$0x6] =	wrdreg s20  }
0x11: {  	s26 =	smax.u32 s7, $0x1;
	s6 =	simm.s32 $0xB;
	[dreg:$0x7] =	wrdreg s21  }
0x12: {  	s7 =	simm.s32 $0x7;
	s5 =	sadd.s32 s5, s0;
	[dreg:$0x8] =	wrdreg s22  }
0x13: {  	s0 =	sadd.s32 s2, s0;
	[dreg:$0xb] =	wrdreg s26;
	s20 =	simm.s32 $0x9000  }
0x14: {  	s22 =	simm.s32 $0xB000;
	s19 =	simm.s32 $0x3;
	s23 =	sadd.s32 $0x4A00, s5  }
0x15: {  	s26 =	simm.s32 $0x13000;
	s24 =	sadd.s32 $0xEA00, s5;
	[dreg:$0x9] =	wrdreg s23  }
0x16: {  	s2 =	simm.s32 $0x9;
	s0 =	sadd.s32 s0, s25;
	[dreg:$0xa] =	wrdreg s24  }
0x17: {  	s21 =	simm.s32 $0x5;
	s25 =	simm.s32 $0x1;
	[dreg:$0xc] =	wrdreg s0  }
0x18: {  	v0 =	vimm.f32 $0.0e+00;
	s24 =	simm.s32 $0xD000;
	s0 =	simm.s32 $0x11000;
	s23 =	simm.s32 $0xA  }
.LBB2_1:
0x19: {  	[dreg:$0x3] =	wrdreg s13;
	s13 =	simm.s32 $0x100;
	s5 =	simm.s32 $0x0  }
.LBB2_2:
0x1a: {  	p0 =	sne.s32 s13, $0x7F00;
	[tilespmem:s5+$0x5030] =	vst v0;
	s3 =	smov.u32 s13;
	s13 =	sadd.s32 $0x100, s13  }
.Ltmp0:
0x1b: {  	[tilespmem:s5+$0x5020] =	vst v0;
	(pc) =	sbr.rel @p0 .LBB2_2-.Ltmp0, $3  }
0x1c: {  	[tilespmem:s5+$0x5000] =	vst v0  }
0x1d: {  	[tilespmem:s5+$0x5010] =	vst v0;
	_ =	sdelay $0x1  }
0x1e: {  	s5 =	sshra.s32 s3, $0x2  }
0x1f: {  	[tilespmem:s5+$0x5030] =	vst v0  }
0x20: {  	[tilespmem:s5+$0x5020] =	vst v0  }
0x21: {  	[tilespmem:s5+$0x5000] =	vst v0  }
0x22: {  	[tilespmem:s5+$0x5010] =	vst v0;
	s3 =	rddreg [dreg:$0x4]  }
0x23: {  	[spmem:s3] =	stream.linear.scatter [tilespmem:s14], [sflag:$0x11], $0x2000, $0x38;
	[tilespmem:$0x1F000] =	vst v63  }
0x24: {  	_ =	swait.ge [sflag:s15], $0x2000  }
0x25: {  	[sflag:s15] =	ssyncset.done $0x0  }
0x26: {  	s13 =	rddreg [dreg:$0x5];
	[sflag:s15] =	ssyncadd.s32 $0xFFFFE000  }
0x27: {  	[spmem:s13] =	stream.linear.scatter [tilespmem:s14], [sflag:$0x11], $0x2000, $0x38;
	[tilespmem:$0x1F000] =	vst v63  }
0x28: {  	_ =	swait.ge [sflag:s15], $0x2000  }
0x29: {  	[sflag:s15] =	ssyncset.done $0x0  }
0x2a: {  	s5 =	rddreg [dreg:$0x6];
	[sflag:s15] =	ssyncadd.s32 $0xFFFFE000  }
0x2b: {  	[spmem:s5] =	stream.linear.scatter [tilespmem:s14], [sflag:$0x11], $0x2000, $0x38;
	[tilespmem:$0x1F000] =	vst v63  }
0x2c: {  	_ =	swait.ge [sflag:s15], $0x2000  }
0x2d: {  	[sflag:s15] =	ssyncset.done $0x0  }
0x2e: {  	s13 =	rddreg [dreg:$0x7];
	[sflag:s15] =	ssyncadd.s32 $0xFFFFE000  }
0x2f: {  	[spmem:s13] =	stream.linear.scatter [tilespmem:s14], [sflag:$0x11], $0x2000, $0x38;
	[tilespmem:$0x1F000] =	vst v63  }
0x30: {  	_ =	swait.ge [sflag:s15], $0x2000  }
0x31: {  	[sflag:s15] =	ssyncset.done $0x0  }
0x32: {  	s5 =	rddreg [dreg:$0x8];
	[sflag:s15] =	ssyncadd.s32 $0xFFFFE000  }
0x33: {  	[spmem:s5] =	stream.linear.scatter [tilespmem:s14], [sflag:$0x11], $0x2000, $0x38;
	[tilespmem:$0x1F000] =	vst v63  }
0x34: {  	_ =	swait.ge [sflag:s15], $0x2000  }
0x35: {  	[sflag:s15] =	ssyncset.done $0x0  }
0x36: {  	s3 =	simm.s32 $0x0;
	s13 =	rddreg [dreg:$0x9];
	[sflag:s15] =	ssyncadd.s32 $0xFFFFE000  }
0x37: {  	[tilespmem:s3], [sflag:$0x11] =	stream.linear.gather [hbm4b:s13+s3], $0x2800, $0x38;
	[tilespmem:$0x1F000] =	vst v63  }
0x38: {  	_ =	swait.ge [sflag:s15], $0x2800  }
0x39: {  	[sflag:s15] =	ssyncset.done $0x0  }
0x3a: {  	s13 =	simm.s32 $0x2800;
	s5 =	rddreg [dreg:$0xa];
	[sflag:s15] =	ssyncadd.s32 $0xFFFFD800  }
0x3b: {  	[tilespmem:s13], [sflag:$0x11] =	stream.linear.gather [hbm4b:s5+s3], $0x2800, $0x38;
	[tilespmem:$0x1F000] =	vst v63  }
0x3c: {  	_ =	swait.ge [sflag:s15], $0x2800  }
0x3d: {  	[sflag:s15] =	ssyncset.done $0x0  }
0x3e: {  	[sflag:s15] =	ssyncadd.s32 $0xFFFFD800  }
0x3f: {  	[bflag:$0x0] =	sbarrier.arrive $0xFFFF  }
0x40: {  	[tilespmem:s14], [sflag:$0x1] =	stream.indirect.gather [hbm4b:s4+s17], $0x40, s3, s17, $0xb8;
	[tilespmem:$0x1F000] =	vst v63  }
0x41: {  	_ = 	snop  }
0x42: {  	[tilespmem:s18], [sflag:$0x2] =	stream.indirect.gather [hbm4b:s4+s17], $0x40, s17, s17, $0xb8;
	[tilespmem:$0x1F000] =	vst v63  }
0x43: {  	s5 =	simm.s32 $0x100  }
0x44: {  	[tilespmem:s20], [sflag:$0x3] =	stream.indirect.gather [hbm4b:s4+s17], $0x40, s5, s17, $0xb8;
	[tilespmem:$0x1F000] =	vst v63  }
0x45: {  	s5 =	simm.s32 $0x180  }
0x46: {  	[tilespmem:s22], [sflag:$0x4] =	stream.indirect.gather [hbm4b:s4+s17], $0x40, s5, s17, $0xb8;
	[tilespmem:$0x1F000] =	vst v63  }
0x47: {  	s5 =	simm.s32 $0x200  }
0x48: {  	[tilespmem:s24], [sflag:$0x5] =	stream.indirect.gather [hbm4b:s4+s17], $0x40, s5, s17, $0xb8;
	[tilespmem:$0x1F000] =	vst v63  }
0x49: {  	_ =	swait.ge [sflag:s25], $0x2000  }
0x4a: {  	[sflag:s25] =	ssyncset.done $0x0  }
0x4b: {  	[sflag:s25] =	ssyncadd.s32 $0xFFFFE000  }
0x4c: {  	[spmem:s1] =	stream.indirect.scatter.add.f32 [tilespmem:s14], [sflag:$0x9], $0x40, s13, s17, $0xb8;
	[tilespmem:$0x1F000] =	vst v63  }
0x4d: {  	s13 =	simm.s32 $0x280  }
0x4e: {  	[tilespmem:s28], [sflag:$0x6] =	stream.indirect.gather [hbm4b:s4+s17], $0x40, s13, s17, $0xb8;
	[tilespmem:$0x1F000] =	vst v63  }
0x4f: {  	_ =	swait.ge [sflag:s29], $0x2000  }
0x50: {  	[sflag:s29] =	ssyncset.done $0x0  }
0x51: {  	s5 =	simm.s32 $0x2880;
	[sflag:s29] =	ssyncadd.s32 $0xFFFFE000  }
0x52: {  	[spmem:s1] =	stream.indirect.scatter.add.f32 [tilespmem:s18], [sflag:$0xA], $0x40, s5, s17, $0xb8;
	[tilespmem:$0x1F000] =	vst v63  }
0x53: {  	s13 =	simm.s32 $0x300  }
0x54: {  	[tilespmem:s0], [sflag:$0x7] =	stream.indirect.gather [hbm4b:s4+s17], $0x40, s13, s17, $0xb8;
	[tilespmem:$0x1F000] =	vst v63  }
0x55: {  	_ =	swait.ge [sflag:s19], $0x2000  }
0x56: {  	[sflag:s19] =	ssyncset.done $0x0  }
0x57: {  	s5 =	simm.s32 $0x2900;
	[sflag:s19] =	ssyncadd.s32 $0xFFFFE000  }
0x58: {  	[spmem:s1] =	stream.indirect.scatter.add.f32 [tilespmem:s20], [sflag:$0xB], $0x40, s5, s17, $0xb8;
	[tilespmem:$0x1F000] =	vst v63  }
0x59: {  	s13 =	simm.s32 $0x380  }
0x5a: {  	[tilespmem:s26], [sflag:$0x8] =	stream.indirect.gather [hbm4b:s4+s17], $0x40, s13, s17, $0xb8;
	[tilespmem:$0x1F000] =	vst v63  }
0x5b: {  	_ =	swait.ge [sflag:s30], $0x2000  }
0x5c: {  	[sflag:s30] =	ssyncset.done $0x0  }
0x5d: {  	s5 =	simm.s32 $0x2980;
	[sflag:s30] =	ssyncadd.s32 $0xFFFFE000  }
0x5e: {  	[spmem:s1] =	stream.indirect.scatter.add.f32 [tilespmem:s22], [sflag:$0xC], $0x40, s5, s17, $0xb8;
	[tilespmem:$0x1F000] =	vst v63  }
0x5f: {  	_ =	swait.ge [sflag:s2], $0x2000  }
0x60: {  	[sflag:s2] =	ssyncset.done $0x0  }
0x61: {  	s13 =	simm.s32 $0x400;
	[sflag:s2] =	ssyncadd.s32 $0xFFFFE000  }
0x62: {  	[tilespmem:s14], [sflag:$0x1] =	stream.indirect.gather [hbm4b:s4+s17], $0x40, s13, s17, $0xb8;
	[tilespmem:$0x1F000] =	vst v63  }
0x63: {  	_ =	swait.ge [sflag:s21], $0x2000  }
0x64: {  	[sflag:s21] =	ssyncset.done $0x0  }
0x65: {  	s5 =	simm.s32 $0x2A00;
	[sflag:s21] =	ssyncadd.s32 $0xFFFFE000  }
0x66: {  	[spmem:s1] =	stream.indirect.scatter.add.f32 [tilespmem:s24], [sflag:$0xD], $0x40, s5, s17, $0xb8;
	[tilespmem:$0x1F000] =	vst v63  }
0x67: {  	_ =	swait.ge [sflag:s23], $0x2000  }
0x68: {  	[sflag:s23] =	ssyncset.done $0x0  }
0x69: {  	s13 =	simm.s32 $0x480;
	[sflag:s23] =	ssyncadd.s32 $0xFFFFE000  }
0x6a: {  	[tilespmem:s18], [sflag:$0x2] =	stream.indirect.gather [hbm4b:s4+s17], $0x40, s13, s17, $0xb8;
	[tilespmem:$0x1F000] =	vst v63  }
0x6b: {  	_ =	swait.ge [sflag:s31], $0x2000  }
0x6c: {  	[sflag:s31] =	ssyncset.done $0x0  }
0x6d: {  	s5 =	simm.s32 $0x2A80;
	[sflag:s31] =	ssyncadd.s32 $0xFFFFE000  }
0x6e: {  	[spmem:s1] =	stream.indirect.scatter.add.f32 [tilespmem:s28], [sflag:$0xE], $0x40, s5, s17, $0xb8;
	[tilespmem:$0x1F000] =	vst v63  }
0x6f: {  	_ =	swait.ge [sflag:s6], $0x2000  }
0x70: {  	[sflag:s6] =	ssyncset.done $0x0  }
0x71: {  	s13 =	simm.s32 $0x500;
	[sflag:s6] =	ssyncadd.s32 $0xFFFFE000  }
0x72: {  	[tilespmem:s20], [sflag:$0x3] =	stream.indirect.gather [hbm4b:s4+s17], $0x40, s13, s17, $0xb8;
	[tilespmem:$0x1F000] =	vst v63  }
0x73: {  	_ =	swait.ge [sflag:s7], $0x2000  }
0x74: {  	[sflag:s7] =	ssyncset.done $0x0  }
0x75: {  	s5 =	simm.s32 $0x2B00;
	[sflag:s7] =	ssyncadd.s32 $0xFFFFE000  }
0x76: {  	[spmem:s1] =	stream.indirect.scatter.add.f32 [tilespmem:s0], [sflag:$0xF], $0x40, s5, s17, $0xb8;
	[tilespmem:$0x1F000] =	vst v63  }
0x77: {  	_ =	swait.ge [sflag:s8], $0x2000  }
0x78: {  	[sflag:s8] =	ssyncset.done $0x0  }
0x79: {  	s13 =	simm.s32 $0x580;
	[sflag:s8] =	ssyncadd.s32 $0xFFFFE000  }
0x7a: {  	[tilespmem:s22], [sflag:$0x4] =	stream.indirect.gather [hbm4b:s4+s17], $0x40, s13, s17, $0xb8;
	[tilespmem:$0x1F000] =	vst v63  }
0x7b: {  	_ =	swait.ge [sflag:s9], $0x2000  }
0x7c: {  	[sflag:s9] =	ssyncset.done $0x0  }
0x7d: {  	s5 =	simm.s32 $0x2B80;
	[sflag:s9] =	ssyncadd.s32 $0xFFFFE000  }
0x7e: {  	[spmem:s1] =	stream.indirect.scatter.add.f32 [tilespmem:s26], [sflag:$0x10], $0x40, s5, s17, $0xb8;
	[tilespmem:$0x1F000] =	vst v63  }
0x7f: {  	_ =	swait.ge [sflag:s10], $0x2000  }
0x80: {  	[sflag:s10] =	ssyncset.done $0x0  }
0x81: {  	s13 =	simm.s32 $0x600;
	[sflag:s10] =	ssyncadd.s32 $0xFFFFE000  }
0x82: {  	[tilespmem:s24], [sflag:$0x5] =	stream.indirect.gather [hbm4b:s4+s17], $0x40, s13, s17, $0xb8;
	[tilespmem:$0x1F000] =	vst v63  }
0x83: {  	_ =	swait.ge [sflag:s25], $0x2000  }
0x84: {  	[sflag:s25] =	ssyncset.done $0x0  }
0x85: {  	s5 =	simm.s32 $0x2C00;
	[sflag:s25] =	ssyncadd.s32 $0xFFFFE000  }
0x86: {  	[spmem:s1] =	stream.indirect.scatter.add.f32 [tilespmem:s14], [sflag:$0x9], $0x40, s5, s17, $0xb8;
	[tilespmem:$0x1F000] =	vst v63  }
0x87: {  	_ =	swait.ge [sflag:s11], $0x2000  }
0x88: {  	[sflag:s11] =	ssyncset.done $0x0  }
0x89: {  	s13 =	simm.s32 $0x680;
	[sflag:s11] =	ssyncadd.s32 $0xFFFFE000  }
0x8a: {  	[tilespmem:s28], [sflag:$0x6] =	stream.indirect.gather [hbm4b:s4+s17], $0x40, s13, s17, $0xb8;
	[tilespmem:$0x1F000] =	vst v63  }
0x8b: {  	_ =	swait.ge [sflag:s29], $0x2000  }
0x8c: {  	[sflag:s29] =	ssyncset.done $0x0  }
0x8d: {  	s5 =	simm.s32 $0x2C80;
	[sflag:s29] =	ssyncadd.s32 $0xFFFFE000  }
0x8e: {  	[spmem:s1] =	stream.indirect.scatter.add.f32 [tilespmem:s18], [sflag:$0xA], $0x40, s5, s17, $0xb8;
	[tilespmem:$0x1F000] =	vst v63  }
0x8f: {  	_ =	swait.ge [sflag:s16], $0x2000  }
0x90: {  	[sflag:s16] =	ssyncset.done $0x0  }
0x91: {  	s13 =	simm.s32 $0x700;
	[sflag:s16] =	ssyncadd.s32 $0xFFFFE000  }
0x92: {  	[tilespmem:s0], [sflag:$0x7] =	stream.indirect.gather [hbm4b:s4+s17], $0x40, s13, s17, $0xb8;
	[tilespmem:$0x1F000] =	vst v63  }
0x93: {  	_ =	swait.ge [sflag:s19], $0x2000  }
0x94: {  	[sflag:s19] =	ssyncset.done $0x0  }
0x95: {  	s5 =	simm.s32 $0x2D00;
	[sflag:s19] =	ssyncadd.s32 $0xFFFFE000  }
0x96: {  	[spmem:s1] =	stream.indirect.scatter.add.f32 [tilespmem:s20], [sflag:$0xB], $0x40, s5, s17, $0xb8;
	[tilespmem:$0x1F000] =	vst v63  }
0x97: {  	_ =	swait.ge [sflag:s12], $0x2000  }
0x98: {  	[sflag:s12] =	ssyncset.done $0x0  }
0x99: {  	s13 =	simm.s32 $0x780;
	[sflag:s12] =	ssyncadd.s32 $0xFFFFE000  }
0x9a: {  	[tilespmem:s26], [sflag:$0x8] =	stream.indirect.gather [hbm4b:s4+s17], $0x40, s13, s17, $0xb8;
	[tilespmem:$0x1F000] =	vst v63  }
0x9b: {  	_ =	swait.ge [sflag:s30], $0x2000  }
0x9c: {  	[sflag:s30] =	ssyncset.done $0x0  }
0x9d: {  	s5 =	simm.s32 $0x2D80;
	s13 =	simm.s32 $0x1000;
	[sflag:s30] =	ssyncadd.s32 $0xFFFFE000  }
.LBB2_4:
0x9e: {  	[spmem:s1] =	stream.indirect.scatter.add.f32 [tilespmem:s22], [sflag:$0xC], $0x40, s5, s17, $0xb8;
	[tilespmem:$0x1F000] =	vst v63  }
0x9f: {  	s3 =	smov.u32 s13  }
0xa0: {  	p0 =	sne.s32 s13, $0x8000;
	s13 =	sadd.s32 $0x1000, s13;
	_ =	swait.ge [sflag:s2], $0x2000  }
0xa1: {  	s5 =	sshra.s32 s3, $0x2;
	[sflag:s2] =	ssyncset.done $0x0  }
0xa2: {  	s3 =	sadd.s32 $0x400, s5;
	[sflag:s2] =	ssyncadd.s32 $0xFFFFE000  }
0xa3: {  	[tilespmem:s14], [sflag:$0x1] =	stream.indirect.gather [hbm4b:s4+s17], $0x40, s3, s17, $0xb8;
	[tilespmem:$0x1F000] =	vst v63  }
0xa4: {  	_ =	swait.ge [sflag:s21], $0x2000  }
0xa5: {  	[sflag:s21] =	ssyncset.done $0x0  }
0xa6: {  	s3 =	sadd.s32 $0x2A00, s5;
	[sflag:s21] =	ssyncadd.s32 $0xFFFFE000  }
0xa7: {  	[spmem:s1] =	stream.indirect.scatter.add.f32 [tilespmem:s24], [sflag:$0xD], $0x40, s3, s17, $0xb8;
	[tilespmem:$0x1F000] =	vst v63  }
0xa8: {  	_ =	swait.ge [sflag:s23], $0x2000  }
0xa9: {  	[sflag:s23] =	ssyncset.done $0x0  }
0xaa: {  	s3 =	sadd.s32 $0x480, s5;
	[sflag:s23] =	ssyncadd.s32 $0xFFFFE000  }
0xab: {  	[tilespmem:s18], [sflag:$0x2] =	stream.indirect.gather [hbm4b:s4+s17], $0x40, s3, s17, $0xb8;
	[tilespmem:$0x1F000] =	vst v63  }
0xac: {  	_ =	swait.ge [sflag:s31], $0x2000  }
0xad: {  	[sflag:s31] =	ssyncset.done $0x0  }
0xae: {  	s3 =	sadd.s32 $0x2A80, s5;
	[sflag:s31] =	ssyncadd.s32 $0xFFFFE000  }
0xaf: {  	[spmem:s1] =	stream.indirect.scatter.add.f32 [tilespmem:s28], [sflag:$0xE], $0x40, s3, s17, $0xb8;
	[tilespmem:$0x1F000] =	vst v63  }
0xb0: {  	_ =	swait.ge [sflag:s6], $0x2000  }
0xb1: {  	[sflag:s6] =	ssyncset.done $0x0  }
0xb2: {  	s3 =	sadd.s32 $0x500, s5;
	[sflag:s6] =	ssyncadd.s32 $0xFFFFE000  }
0xb3: {  	[tilespmem:s20], [sflag:$0x3] =	stream.indirect.gather [hbm4b:s4+s17], $0x40, s3, s17, $0xb8;
	[tilespmem:$0x1F000] =	vst v63  }
0xb4: {  	_ =	swait.ge [sflag:s7], $0x2000  }
0xb5: {  	[sflag:s7] =	ssyncset.done $0x0  }
0xb6: {  	s3 =	sadd.s32 $0x2B00, s5;
	[sflag:s7] =	ssyncadd.s32 $0xFFFFE000  }
0xb7: {  	[spmem:s1] =	stream.indirect.scatter.add.f32 [tilespmem:s0], [sflag:$0xF], $0x40, s3, s17, $0xb8;
	[tilespmem:$0x1F000] =	vst v63  }
0xb8: {  	_ =	swait.ge [sflag:s8], $0x2000  }
0xb9: {  	[sflag:s8] =	ssyncset.done $0x0  }
0xba: {  	s3 =	sadd.s32 $0x580, s5;
	[sflag:s8] =	ssyncadd.s32 $0xFFFFE000  }
0xbb: {  	[tilespmem:s22], [sflag:$0x4] =	stream.indirect.gather [hbm4b:s4+s17], $0x40, s3, s17, $0xb8;
	[tilespmem:$0x1F000] =	vst v63  }
0xbc: {  	_ =	swait.ge [sflag:s9], $0x2000  }
0xbd: {  	[sflag:s9] =	ssyncset.done $0x0  }
0xbe: {  	s3 =	sadd.s32 $0x2B80, s5;
	[sflag:s9] =	ssyncadd.s32 $0xFFFFE000  }
0xbf: {  	[spmem:s1] =	stream.indirect.scatter.add.f32 [tilespmem:s26], [sflag:$0x10], $0x40, s3, s17, $0xb8;
	[tilespmem:$0x1F000] =	vst v63  }
0xc0: {  	_ =	swait.ge [sflag:s10], $0x2000  }
0xc1: {  	[sflag:s10] =	ssyncset.done $0x0  }
0xc2: {  	s3 =	sadd.s32 $0x600, s5;
	[sflag:s10] =	ssyncadd.s32 $0xFFFFE000  }
0xc3: {  	[tilespmem:s24], [sflag:$0x5] =	stream.indirect.gather [hbm4b:s4+s17], $0x40, s3, s17, $0xb8;
	[tilespmem:$0x1F000] =	vst v63  }
0xc4: {  	_ =	swait.ge [sflag:s25], $0x2000  }
0xc5: {  	[sflag:s25] =	ssyncset.done $0x0  }
0xc6: {  	s3 =	sadd.s32 $0x2C00, s5;
	[sflag:s25] =	ssyncadd.s32 $0xFFFFE000  }
0xc7: {  	[spmem:s1] =	stream.indirect.scatter.add.f32 [tilespmem:s14], [sflag:$0x9], $0x40, s3, s17, $0xb8;
	[tilespmem:$0x1F000] =	vst v63  }
0xc8: {  	_ =	swait.ge [sflag:s11], $0x2000  }
0xc9: {  	[sflag:s11] =	ssyncset.done $0x0  }
0xca: {  	s3 =	sadd.s32 $0x680, s5;
	[sflag:s11] =	ssyncadd.s32 $0xFFFFE000  }
0xcb: {  	[tilespmem:s28], [sflag:$0x6] =	stream.indirect.gather [hbm4b:s4+s17], $0x40, s3, s17, $0xb8;
	[tilespmem:$0x1F000] =	vst v63  }
0xcc: {  	_ =	swait.ge [sflag:s29], $0x2000  }
0xcd: {  	[sflag:s29] =	ssyncset.done $0x0  }
0xce: {  	s3 =	sadd.s32 $0x2C80, s5;
	[sflag:s29] =	ssyncadd.s32 $0xFFFFE000  }
0xcf: {  	[spmem:s1] =	stream.indirect.scatter.add.f32 [tilespmem:s18], [sflag:$0xA], $0x40, s3, s17, $0xb8;
	[tilespmem:$0x1F000] =	vst v63  }
0xd0: {  	_ =	swait.ge [sflag:s16], $0x2000  }
0xd1: {  	[sflag:s16] =	ssyncset.done $0x0  }
0xd2: {  	s3 =	sadd.s32 $0x700, s5;
	[sflag:s16] =	ssyncadd.s32 $0xFFFFE000  }
0xd3: {  	[tilespmem:s0], [sflag:$0x7] =	stream.indirect.gather [hbm4b:s4+s17], $0x40, s3, s17, $0xb8;
	[tilespmem:$0x1F000] =	vst v63  }
0xd4: {  	_ =	swait.ge [sflag:s19], $0x2000  }
0xd5: {  	[sflag:s19] =	ssyncset.done $0x0  }
0xd6: {  	s3 =	sadd.s32 $0x2D00, s5;
	[sflag:s19] =	ssyncadd.s32 $0xFFFFE000  }
0xd7: {  	[spmem:s1] =	stream.indirect.scatter.add.f32 [tilespmem:s20], [sflag:$0xB], $0x40, s3, s17, $0xb8;
	[tilespmem:$0x1F000] =	vst v63  }
0xd8: {  	_ =	swait.ge [sflag:s12], $0x2000  }
0xd9: {  	[sflag:s12] =	ssyncset.done $0x0  }
.Ltmp1:
0xda: {  	s3 =	sadd.s32 $0x780, s5;
	[sflag:s12] =	ssyncadd.s32 $0xFFFFE000;
	(pc) =	sbr.rel @p0 .LBB2_4-.Ltmp1, $4  }
0xdb: {  	[tilespmem:s26], [sflag:$0x8] =	stream.indirect.gather [hbm4b:s4+s17], $0x40, s3, s17, $0xb8;
	[tilespmem:$0x1F000] =	vst v63  }
0xdc: {  	_ =	swait.ge [sflag:s30], $0x2000  }
0xdd: {  	[sflag:s30] =	ssyncset.done $0x0  }
0xde: {  	s5 =	sadd.s32 $0x2D80, s5;
	[sflag:s30] =	ssyncadd.s32 $0xFFFFE000  }
0xdf: {  	[spmem:s1] =	stream.indirect.scatter.add.f32 [tilespmem:s22], [sflag:$0xC], $0x40, s5, s17, $0xb8;
	[tilespmem:$0x1F000] =	vst v63  }
0xe0: {  	_ =	swait.ge [sflag:s21], $0x2000  }
0xe1: {  	[sflag:s21] =	ssyncset.done $0x0  }
0xe2: {  	s3 =	simm.s32 $0x4E00;
	[sflag:s21] =	ssyncadd.s32 $0xFFFFE000  }
0xe3: {  	[spmem:s1] =	stream.indirect.scatter.add.f32 [tilespmem:s24], [sflag:$0xD], $0x40, s3, s17, $0xb8;
	[tilespmem:$0x1F000] =	vst v63  }
0xe4: {  	_ =	swait.ge [sflag:s31], $0x2000  }
0xe5: {  	[sflag:s31] =	ssyncset.done $0x0  }
0xe6: {  	s13 =	simm.s32 $0x4E80;
	[sflag:s31] =	ssyncadd.s32 $0xFFFFE000  }
0xe7: {  	[spmem:s1] =	stream.indirect.scatter.add.f32 [tilespmem:s28], [sflag:$0xE], $0x40, s13, s17, $0xb8;
	[tilespmem:$0x1F000] =	vst v63  }
0xe8: {  	_ =	swait.ge [sflag:s7], $0x2000  }
0xe9: {  	[sflag:s7] =	ssyncset.done $0x0  }
0xea: {  	s5 =	simm.s32 $0x4F00;
	[sflag:s7] =	ssyncadd.s32 $0xFFFFE000  }
0xeb: {  	[spmem:s1] =	stream.indirect.scatter.add.f32 [tilespmem:s0], [sflag:$0xF], $0x40, s5, s17, $0xb8;
	[tilespmem:$0x1F000] =	vst v63  }
0xec: {  	_ =	swait.ge [sflag:s9], $0x2000  }
0xed: {  	[sflag:s9] =	ssyncset.done $0x0  }
0xee: {  	s13 =	simm.s32 $0x4F80;
	[sflag:s9] =	ssyncadd.s32 $0xFFFFE000  }
0xef: {  	[spmem:s1] =	stream.indirect.scatter.add.f32 [tilespmem:s26], [sflag:$0x10], $0x40, s13, s17, $0xb8;
	[tilespmem:$0x1F000] =	vst v63  }
0xf0: {  	_ =	swait.ge [sflag:s2], $0x2000  }
0xf1: {  	[sflag:s2] =	ssyncset.done $0x0  }
0xf2: {  	[sflag:s2] =	ssyncadd.s32 $0xFFFFE000  }
0xf3: {  	_ =	swait.ge [sflag:s23], $0x2000  }
0xf4: {  	[sflag:s23] =	ssyncset.done $0x0  }
0xf5: {  	[sflag:s23] =	ssyncadd.s32 $0xFFFFE000  }
0xf6: {  	_ =	swait.ge [sflag:s6], $0x2000  }
0xf7: {  	[sflag:s6] =	ssyncset.done $0x0  }
0xf8: {  	[sflag:s6] =	ssyncadd.s32 $0xFFFFE000  }
0xf9: {  	_ =	swait.ge [sflag:s8], $0x2000  }
0xfa: {  	[sflag:s8] =	ssyncset.done $0x0  }
0xfb: {  	[sflag:s8] =	ssyncadd.s32 $0xFFFFE000  }
0xfc: {  	_ =	swait.ge [sflag:s10], $0x2000  }
0xfd: {  	[sflag:s10] =	ssyncset.done $0x0  }
0xfe: {  	[sflag:s10] =	ssyncadd.s32 $0xFFFFE000  }
0xff: {  	_ =	swait.ge [sflag:s11], $0x2000  }
0x100: {  	[sflag:s11] =	ssyncset.done $0x0  }
0x101: {  	[sflag:s11] =	ssyncadd.s32 $0xFFFFE000  }
0x102: {  	_ =	swait.ge [sflag:s16], $0x2000  }
0x103: {  	[sflag:s16] =	ssyncset.done $0x0  }
0x104: {  	[sflag:s16] =	ssyncadd.s32 $0xFFFFE000  }
0x105: {  	_ =	swait.ge [sflag:s12], $0x2000  }
0x106: {  	[sflag:s12] =	ssyncset.done $0x0  }
0x107: {  	[sflag:s12] =	ssyncadd.s32 $0xFFFFE000  }
0x108: {  	s5 =	stileid.u32;
	[bflag:$0x0] =	sbarrier.arrive $0xFFFF  }
0x109: {  	s3 =	sshll.u32 s5, $0x6;
	s13 =	rddreg [dreg:$0x4]  }
0x10a: {  	s3 =	sor.u32 $0x1C11, s3;
	s5 =	sshrl.u32 s13, $0x3;
	s13 =	rddreg [dreg:$0xc]  }
0x10b: {  	[hbm:s13], [sflag:s3] =	dma.local [spmem:s5], $0x1400  }
0x10c: {  	_ =	swait.ge [sflag:s15], $0x1400  }
0x10d: {  	s3 =	rddreg [dreg:$0x3]  }
0x10e: {  	s5 =	rddreg [dreg:$0xb];
	s13 =	sadd.s32 $0x1, s3  }
0x10f: {  	p0 =	sne.s32 s13, s5  }
.Ltmp2:
0x110: {  	_ = 	snop;
	(pc) =	sbr.rel @p0 .LBB2_1-.Ltmp2, $3  }
0x111: {  	_ =	sdelay $0x1  }
0x112: {  	[sflag:s15] =	ssyncset.done $0x0  }
0x113: {  	[sflag:s15] =	ssyncadd.s32 $0xFFFFEC00  }
0x114: {  	_ =	sfence.sel $0x180000  }
0x115: {  	[bflag:$0x0] =	sbarrier.arrive $0xFFFF  }
0x116: {  	_ =	strace $0x9000004A  }
0x117: {  	s0 =	stileid.u32;
	[bflag:$0x2] =	sbarrier.arrive $0xFFFF  }
0x118: {  	p0 =	sne.s32 s0, $0x0;
	s0 =	rddreg [dreg:$0x2]  }
0x119: {  	s0 =	sadd.s32 @!p0 $0x100000, s0  }
0x11a: {  	[sflag:s0] =	ssyncadd.tile.s32 @!p0 $0x1;
	_ =	shalt  }
.Lfunc_end2:
_tile_overlayer_lowered:
.L_overlay_start_2:
0x11b: {  	(tag) =	ssettag $0x2  }
0x11c: {  	s0 =	rddreg [dreg:$0x0];
	s2 =	stileid.u32  }
0x11d: {  	s1 =	rddreg [dreg:$0x1];
	p0 =	sne.s32 s2, $0x0  }
0x11e: {  	s3 =	rddreg [dreg:$0x2];
	[bflag:$0x3] =	sbarrier.arrive $0xFFFF;
	s2 =	simm.s32 @!p0 $0x1C11  }
0x11f: {  	[timem:s3], [sflag:s2] =	dma.local @!p0 [hbm:s0], s1  }
0x120: {  	s0 =	simm.s32 @!p0 $0x11  }
0x121: {  	_ =	swait.ge @!p0 [sflag:s0], s1  }
0x122: {  	s1 =	ssub.s32 @!p0 $0x0, s1;
	[sflag:s0] =	ssyncset.done @!p0 $0x0  }
0x123: {  	[sflag:s0] =	ssyncadd.s32 @!p0 s1  }
0x124: {  	[bflag:$0x3] =	sbarrier.arrive $0xFFFF  }
0x125: {  	_ =	shalt  }

// kernel: kernel.7.cloned.1.call-start
scs
__scs_entry_jumppad:
0x0: {  	(pc) =	sbr.rel $0x88, $3  }
0x1: {  	(tag) =	ssettag $0x0;
	lr =	simm.s32 $0x1  }
0x2: {  	[smem:$0x3F92] =	sst lr;
	_ =	strace $0xD0000000  }
0x3: {  	_ = 	snop  }
0x4: {  	_ = 	snop  }
0x5: {  	_ = 	snop  }
0x6: {  	_ = 	snop  }
0x7: {  	_ = 	snop  }
__scs_overlays_trampoline_lowered:
0x8: {  	[smem:$0x3FA1] =	sst s0  }
0x9: {  	[smem:$0x3FA2] =	sst s1  }
0xa: {  	[smem:$0x3FA3] =	sst s2  }
0xb: {  	[smem:$0x3FA4] =	sst s3  }
0xc: {  	[smem:$0x3FA5] =	sst s4  }
0xd: {  	[smem:$0x3FA6] =	sst s5  }
0xe: {  	[smem:$0x3FA7] =	sst s6  }
0xf: {  	[smem:$0x3FA8] =	sst s7  }
0x10: {  	[smem:$0x3FA9] =	sst s8  }
0x11: {  	[smem:$0x3FAA] =	sst s9;
	s0 =	simm.s32 @!p0 $0x0  }
0x12: {  	s1 =	sld [smem:$0x3F90];
	s0 =	simm.s32 @p0 $0x1  }
0x13: {  	[smem:$0x3FAB] =	sst s0;
	s0 =	simm.s32 @!p1 $0x0  }
0x14: {  	s2 =	sld [smem:$0x3F8F];
	s0 =	simm.s32 @p1 $0x1  }
0x15: {  	[smem:$0x3FAC] =	sst s0;
	s0 =	simm.s32 @!p2 $0x0  }
0x16: {  	s3 =	sld [smem:$0x3FDB];
	s0 =	simm.s32 @p2 $0x1  }
0x17: {  	s4 =	simm.s32 $0x1BF5;
	[smem:$0x3FAE] =	sst s0  }
0x18: {  	s0 =	sld [smem:$0x3F91];
	_ =	swait.ge [sflag:s4], $0x0  }
0x19: {  	s7 =	sld [smem:$0x3F92]  }
0x1a: {  	s8 =	sadd.s32 $0xFFFFE003, lr  }
0x1b: {  	s9 =	sadd.s32 $0xFFFFFEF7, lr;
	s5 =	simm.s32 $0xFFFFFFFF;
	p2 =	slt.u32 s8, $0xFFFFF086  }
0x1c: {  	p1 =	slt.u32 s9, $0xF7A;
	s5 =	simm.s32 @!p2 $0x0  }
0x1d: {  	s5 =	simm.s32 @p1 $0x1;
	p0 =	seq.s32 s7, s2  }
0x1e: {  	s7 =	smul.u32 @!p0 $0xF7A, s2;
	p2 =	seq.s32 @!p0 s5, $0x0  }
0x1f: {  	s9 =	smul.u32 $0xF7A, s1;
	s8 =	simm.s32 @!p0 $0x1BF5;
	p2 =	por !p2, p0  }
0x20: {  	[sflag:s8] =	ssyncset.s32 @!p0 $0xFFFFF086;
	s6 =	sadd.s32 @!p0 s3, s7;
	s7 =	simm.s32 @!p0 $0x108  }
0x21: {  	s3 =	sadd.s32 s3, s9;
	s6 =	sadd.s32 @!p0 $0x88, s6;
	s7 =	simm.s32 @p2 $0x1082  }
0x22: {  	[simem:s7], [sflag:s8] =	dma.local @!p0 [hbm:s6], $0xF7A  }
0x23: {  	s9 =	sor.u32 $0xD0000000, s2;
	s6 =	simm.s32 $0x108;
	_ =	swait.ge @!p0 [sflag:s8], $0x0  }
0x24: {  	s3 =	sadd.s32 $0x88, s3;
	s6 =	simm.s32 @!p1 $0x1082;
	[sflag:s4] =	ssyncset.s32 $0xFFFFF086  }
0x25: {  	[simem:s6], [sflag:s4] =	dma.local [hbm:s3], $0xF7A  }
0x26: {  	[smem:$0x3F92] =	sst s1;
	(tag) =	ssettag s2;
	_ =	strace s9  }
0x27: {  	s1 =	sld [smem:$0x3FA2]  }
0x28: {  	s2 =	sld [smem:$0x3FA3]  }
0x29: {  	s4 =	sld [smem:$0x3FA5]  }
0x2a: {  	p0 =	seq.s32 s5, $0x0;
	s5 =	sld [smem:$0x3FA6]  }
0x2b: {  	s6 =	sld [smem:$0x3FA7]  }
0x2c: {  	s7 =	sld [smem:$0x3FA8]  }
0x2d: {  	s3 =	simm.s32 $0x108;
	s8 =	sld [smem:$0x3FA9]  }
0x2e: {  	s3 =	simm.s32 @!p0 $0x1082;
	s9 =	sld [smem:$0x3FAA]  }
0x2f: {  	lr =	sadd.s32 s0, s3;
	s0 =	sld [smem:$0x3FA1]  }
0x30: {  	s3 =	sld [smem:$0x3FA4]  }
0x31: {  	[smem:$0x3FAD] =	sst s10  }
0x32: {  	s10 =	sld [smem:$0x3FAB];
	_ =	sdelay $0x3  }
0x33: {  	p0 =	seq.s32 s10, $0x1;
	s10 =	sld [smem:$0x3FAD];
	_ =	sdelay $0x3  }
0x34: {  	[smem:$0x3FAD] =	sst s10  }
0x35: {  	s10 =	sld [smem:$0x3FAC];
	_ =	sdelay $0x3  }
0x36: {  	p1 =	seq.s32 s10, $0x1;
	s10 =	sld [smem:$0x3FAD];
	_ =	sdelay $0x3  }
0x37: {  	[smem:$0x3FAD] =	sst s10  }
0x38: {  	s10 =	sld [smem:$0x3FAE]  }
0x39: {  	_ = 	snop;
	(pc) =	sbr.ind lr, $3  }
0x3a: {  	_ = 	snop  }
0x3b: {  	_ = 	snop  }
0x3c: {  	p2 =	seq.s32 s10, $0x1;
	s10 =	sld [smem:$0x3FAD]  }
0x3d: {  	_ =	shalt  }
0x3e: {  	_ =	shalt  }
0x3f: {  	_ =	shalt  }
0x40: {  	_ =	shalt  }
0x41: {  	_ =	shalt  }
0x42: {  	_ =	shalt  }
0x43: {  	_ =	shalt  }
0x44: {  	_ =	shalt  }
0x45: {  	_ =	shalt  }
0x46: {  	_ =	shalt  }
0x47: {  	_ =	shalt  }
0x48: {  	_ =	shalt  }
0x49: {  	_ =	shalt  }
0x4a: {  	_ =	shalt  }
0x4b: {  	_ =	shalt  }
0x4c: {  	_ =	shalt  }
0x4d: {  	_ =	shalt  }
0x4e: {  	_ =	shalt  }
0x4f: {  	_ =	shalt  }
0x50: {  	_ =	shalt  }
0x51: {  	_ =	shalt  }
0x52: {  	_ =	shalt  }
0x53: {  	_ =	shalt  }
0x54: {  	_ =	shalt  }
0x55: {  	_ =	shalt  }
0x56: {  	_ =	shalt  }
0x57: {  	_ =	shalt  }
0x58: {  	_ =	shalt  }
0x59: {  	_ =	shalt  }
0x5a: {  	_ =	shalt  }
0x5b: {  	_ =	shalt  }
0x5c: {  	_ =	shalt  }
0x5d: {  	_ =	shalt  }
0x5e: {  	_ =	shalt  }
0x5f: {  	_ =	shalt  }
0x60: {  	_ =	shalt  }
0x61: {  	_ =	shalt  }
0x62: {  	_ =	shalt  }
0x63: {  	_ =	shalt  }
0x64: {  	_ =	shalt  }
0x65: {  	_ =	shalt  }
0x66: {  	_ =	shalt  }
0x67: {  	_ =	shalt  }
0x68: {  	_ =	shalt  }
0x69: {  	_ =	shalt  }
0x6a: {  	_ =	shalt  }
0x6b: {  	_ =	shalt  }
0x6c: {  	_ =	shalt  }
0x6d: {  	_ =	shalt  }
0x6e: {  	_ =	shalt  }
0x6f: {  	_ =	shalt  }
0x70: {  	_ =	shalt  }
0x71: {  	_ =	shalt  }
0x72: {  	_ =	shalt  }
0x73: {  	_ =	shalt  }
0x74: {  	_ =	shalt  }
0x75: {  	_ =	shalt  }
0x76: {  	_ =	shalt  }
0x77: {  	_ =	shalt  }
0x78: {  	_ =	shalt  }
0x79: {  	_ =	shalt  }
0x7a: {  	_ =	shalt  }
0x7b: {  	_ =	shalt  }
0x7c: {  	_ =	shalt  }
0x7d: {  	_ =	shalt  }
0x7e: {  	_ =	shalt  }
0x7f: {  	_ =	shalt  }
0x80: {  	_ =	shalt  }
0x81: {  	_ =	shalt  }
0x82: {  	_ =	shalt  }
0x83: {  	_ =	shalt  }
0x84: {  	_ =	shalt  }
0x85: {  	_ =	shalt  }
0x86: {  	_ =	shalt  }
0x87: {  	_ =	shalt  }
.Lfunc_end0:
.L_simem_size_0:
called_computation_lowered:
.L_overlay_start_0:
0x88: {  	s2 =	sld [smem:$0x3FD9]  }
0x89: {  	s3 =	sld [smem:$0x3FFE];
	_ =	sdelay $0x1  }
0x8a: {  	s1 =	srdreg.scid  }
0x8b: {  	s0 =	sand.u32 $0x1, s1  }
0x8c: {  	s16 =	sshll.u32 s0, $0xA;
	s2 =	sadd.s32 s3, s2  }
0x8d: {  	s2 =	sadd.s32 s2, s16  }
0x8e: {  	[smem:$0x3FB9] =	sst s2  }
0x8f: {  	_ = 	snop  }
0x90: {  	(tm) =	ssettm $0x1  }
0x91: {  	s17 =	sld [smem:$0x3FFB];
	_ =	sdelay $0x3  }
0x92: {  	_ =	strace s17  }
0x93: {  	s2 =	sld [smem:$0x3FFC];
	_ =	sdelay $0x3  }
0x94: {  	_ =	strace s2  }
0x95: {  	s2 =	sld [smem:$0x3FFD];
	_ =	sdelay $0x3  }
0x96: {  	_ =	strace s2  }
0x97: {  	_ =	strace $0x8FFFFFFF  }
0x98: {  	s18 =	sld [smem:$0x3FDB];
	_ =	sdelay $0x1  }
0x99: {  	s19 =	simm.s32 $_scs_section_size  }
0x9a: {  	s4 =	simm.s32 $_size__tile_overlayer_lowered;
	s5 =	simm.s32 $_tile_overlayer_lowered  }
0x9b: {  	s22 =	simm.s32 $0x1BFF;
	s21 =	sshll.u32 s5, $0x1;
	s2 =	sadd.s32 s19, s18  }
0x9c: {  	s6 =	simm.s32 $0x0;
	s20 =	sshll.u32 s4, $0x1;
	s4 =	sadd.s32 s21, s2  }
0x9d: {  	[timem:s6], [sflag:s22] =	dma.local [hbm:s4], s20  }
0x9e: {  	_ =	swait.ge [sflag:s22], s20  }
0x9f: {  	s3 =	ssub.s32 $0x0, s20;
	[sflag:s22] =	ssyncset.done $0x0  }
0xa0: {  	[sflag:s22] =	ssyncadd.s32 s3;
	_ =	sdelay $0x1  }
0xa1: {  	s23 =	simm.s32 $0x1B8B  }
0xa2: {  	_ =	swait.ge [sflag:s23], $0x1  }
0xa3: {  	[sflag:s23] =	ssyncset.done $0x0  }
0xa4: {  	s25 =	simm.s32 $0x1B8E;
	s24 =	sld [smem:$0x3FFE];
	[sflag:s23] =	ssyncadd.s32 $0xFFFFFFFF  }
0xa5: {  	s26 =	simm.s32 $execute0_lowered;
	[smem:$0x3FD2] =	sst s25  }
0xa6: {  	s4 =	sshll.u32 s26, $0x1;
	_ =	strace $0x80000046;
	[dreg:$0x1] =	wrdreg $0xFFFFFFFF  }
0xa7: {  	s28 =	simm.s32 $_size_execute0_lowered;
	s2 =	sadd.s32 s2, s4;
	[dreg:$0x0] =	wrdreg $0x0  }
0xa8: {  	s4 =	sshll.u32 s28, $0x1;
	[dreg:$0x2] =	wrdreg s2  }
0xa9: {  	[dreg:$0x3] =	wrdreg s4  }
0xaa: {  	[dreg:$0x4] =	wrdreg $0xC0  }
0xab: {  	_ =	task [dreg:s6], $0x5FFFF  }
0xac: {  	[dreg:$0x1] =	wrdreg $0xFFFFFFFF  }
0xad: {  	[dreg:$0x0] =	wrdreg $0x60  }
0xae: {  	[dreg:$0x2] =	wrdreg s24  }
0xaf: {  	[dreg:$0x3] =	wrdreg $0x150000  }
0xb0: {  	[dreg:$0x4] =	wrdreg $0x9  }
0xb1: {  	_ =	task.clear_ibuf [dreg:s6], $0x5FFFF;
	_ =	strace $0x90000046  }
0xb2: {  	s29 =	simm.s32 $0x9;
	_ =	strace $0x80000048  }
0xb3: {  	_ =	swait.ge [sflag:s29], $0x1  }
0xb4: {  	[sflag:s29] =	ssyncadd.s32 $0xFFFFFFFF  }
0xb5: {  	_ =	strace $0x90000048  }
0xb6: {  	_ =	sfence  }
0xb7: {  	s30 =	sld [smem:$0x0];
	_ =	sdelay $0x2  }
0xb8: {  	s31 =	sshll.u32 s1, $0xD;
	s1 =	sshrl.u32 s1, $0x2  }
0xb9: {  	s3 =	sand.u32 $0x4000, s31;
	s1 =	sadd.s32 s1, s30  }
0xba: {  	s0 =	sor.u32 s3, s0;
	s1 =	sshll.u32 s1, $0x11  }
0xbb: {  	s0 =	sor.u32 s1, s0  }
0xbc: {  	s0 =	sadd.s32 $0x8F2B, s0  }
0xbd: {  	[sflag:s0] =	ssyncadd.remote.s32 $0x1  }
0xbe: {  	_ =	sfence.sel $0xFFFF  }
0xbf: {  	[dreg:$0x0] =	wrdreg $0xFFFFFFFF;
	(pc) =	sbr.abs _section_cstart, $3  }
0xc0: {  	[dreg:$0x1] =	wrdreg $0xFFFFFFFF  }
0xc1: {  	_ =	task.clear_ibuf [dreg:s6], $0x2FFFF;
	_ =	strace $0x9FFFFFFF  }
0xc2: {  	(tm) =	ssettm $0x7FFFFFFF  }
0xc3: {  	_ =	shalt  }
tec
execute0_lowered:
.L_overlay_start_1:
0x0: {  	(tag) =	ssettag $0x1  }
0x1: {  	s0 =	rddreg [dreg:$0x0]  }
0x2: {  	s1 =	rddreg [dreg:$0x1];
	s2 =	srdreg.scid  }
0x3: {  	s13 =	simm.s32 $0x0;
	s3 =	stileid.u32;
	s14 =	simm.s32 $0x5000  }
0x4: {  	s15 =	simm.s32 $0x11;
	s17 =	simm.s32 $0x80;
	s18 =	simm.s32 $0x7000  }
0x5: {  	s28 =	simm.s32 $0xF000;
	s29 =	simm.s32 $0x2;
	s30 =	simm.s32 $0x4  }
0x6: {  	s31 =	simm.s32 $0x6;
	s10 =	simm.s32 $0xD;
	s11 =	simm.s32 $0xE  }
0x7: {  	s16 =	simm.s32 $0xF;
	s12 =	simm.s32 $0x10;
	s6 =	smul.u32 $0x28000, s3  }
0x8: {  	s2 =	sand.u32 $0x1, s2;
	[smem:$0x7FF] =	sst s13;
	s9 =	smul.u32 $0xA000, s3  }
0x9: {  	s4 =	sshll.u32 s2, $0x4;
	_ =	strace $0x80000047;
	s7 =	ssub.s32 $0x2, s2  }
0xa: {  	p0 =	seq.s32 s2, $0x1;
	s2 =	simm.s32 $0x40A00;
	s5 =	sor.u32 s3, s4  }
0xb: {  	s4 =	sadd.s32 $0x18A00, s0;
	s8 =	sshrl.u32 s7, $0x1;
	s6 =	sshrl.u32 s6, $0x2  }
0xc: {  	s3 =	sadd.s32 s9, s1;
	s2 =	simm.s32 @!p0 $0x2CA00;
	s25 =	sshrl.u32 s9, $0x3  }
0xd: {  	s9 =	simm.s32 $0x8;
	s5 =	smul.u32 $0x500, s5;
	s6 =	sadd.s32 s6, s1  }
0xe: {  	s7 =	ssub.s32 s7, s8;
	[dreg:$0x4] =	wrdreg s3;
	s19 =	sadd.s32 $0x2000, s6  }
0xf: {  	s8 =	simm.s32 $0xC;
	s20 =	sadd.s32 $0x4000, s6;
	[dreg:$0x5] =	wrdreg s19  }
0x10: {  	s21 =	sadd.s32 $0x6000, s6;
	s22 =	sadd.s32 $0x8000, s6;
	[dreg:$0x6] =	wrdreg s20  }
0x11: {  	s26 =	smax.u32 s7, $0x1;
	s6 =	simm.s32 $0xB;
	[dreg:$0x7] =	wrdreg s21  }
0x12: {  	s7 =	simm.s32 $0x7;
	s5 =	sadd.s32 s5, s0;
	[dreg:$0x8] =	wrdreg s22  }
0x13: {  	s0 =	sadd.s32 s2, s0;
	[dreg:$0xb] =	wrdreg s26;
	s20 =	simm.s32 $0x9000  }
0x14: {  	s22 =	simm.s32 $0xB000;
	s19 =	simm.s32 $0x3;
	s23 =	sadd.s32 $0x4A00, s5  }
0x15: {  	s26 =	simm.s32 $0x13000;
	s24 =	sadd.s32 $0xEA00, s5;
	[dreg:$0x9] =	wrdreg s23  }
0x16: {  	s2 =	simm.s32 $0x9;
	s0 =	sadd.s32 s0, s25;
	[dreg:$0xa] =	wrdreg s24  }
0x17: {  	s21 =	simm.s32 $0x5;
	s25 =	simm.s32 $0x1;
	[dreg:$0xc] =	wrdreg s0  }
0x18: {  	v0 =	vimm.f32 $0.0e+00;
	s24 =	simm.s32 $0xD000;
	s0 =	simm.s32 $0x11000;
	s23 =	simm.s32 $0xA  }
.LBB2_1:
0x19: {  	[dreg:$0x3] =	wrdreg s13;
	s13 =	simm.s32 $0x100;
	s5 =	simm.s32 $0x0  }
.LBB2_2:
0x1a: {  	p0 =	sne.s32 s13, $0x7F00;
	[tilespmem:s5+$0x5030] =	vst v0;
	s3 =	smov.u32 s13;
	s13 =	sadd.s32 $0x100, s13  }
.Ltmp0:
0x1b: {  	[tilespmem:s5+$0x5020] =	vst v0;
	(pc) =	sbr.rel @p0 .LBB2_2-.Ltmp0, $3  }
0x1c: {  	[tilespmem:s5+$0x5000] =	vst v0  }
0x1d: {  	[tilespmem:s5+$0x5010] =	vst v0;
	_ =	sdelay $0x1  }
0x1e: {  	s5 =	sshra.s32 s3, $0x2  }
0x1f: {  	[tilespmem:s5+$0x5030] =	vst v0  }
0x20: {  	[tilespmem:s5+$0x5020] =	vst v0  }
0x21: {  	[tilespmem:s5+$0x5000] =	vst v0  }
0x22: {  	[tilespmem:s5+$0x5010] =	vst v0;
	s3 =	rddreg [dreg:$0x4]  }
0x23: {  	[spmem:s3] =	stream.linear.scatter [tilespmem:s14], [sflag:$0x11], $0x2000, $0x38;
	[tilespmem:$0x1F000] =	vst v63  }
0x24: {  	_ =	swait.ge [sflag:s15], $0x2000  }
0x25: {  	[sflag:s15] =	ssyncset.done $0x0  }
0x26: {  	s13 =	rddreg [dreg:$0x5];
	[sflag:s15] =	ssyncadd.s32 $0xFFFFE000  }
0x27: {  	[spmem:s13] =	stream.linear.scatter [tilespmem:s14], [sflag:$0x11], $0x2000, $0x38;
	[tilespmem:$0x1F000] =	vst v63  }
0x28: {  	_ =	swait.ge [sflag:s15], $0x2000  }
0x29: {  	[sflag:s15] =	ssyncset.done $0x0  }
0x2a: {  	s5 =	rddreg [dreg:$0x6];
	[sflag:s15] =	ssyncadd.s32 $0xFFFFE000  }
0x2b: {  	[spmem:s5] =	stream.linear.scatter [tilespmem:s14], [sflag:$0x11], $0x2000, $0x38;
	[tilespmem:$0x1F000] =	vst v63  }
0x2c: {  	_ =	swait.ge [sflag:s15], $0x2000  }
0x2d: {  	[sflag:s15] =	ssyncset.done $0x0  }
0x2e: {  	s13 =	rddreg [dreg:$0x7];
	[sflag:s15] =	ssyncadd.s32 $0xFFFFE000  }
0x2f: {  	[spmem:s13] =	stream.linear.scatter [tilespmem:s14], [sflag:$0x11], $0x2000, $0x38;
	[tilespmem:$0x1F000] =	vst v63  }
0x30: {  	_ =	swait.ge [sflag:s15], $0x2000  }
0x31: {  	[sflag:s15] =	ssyncset.done $0x0  }
0x32: {  	s5 =	rddreg [dreg:$0x8];
	[sflag:s15] =	ssyncadd.s32 $0xFFFFE000  }
0x33: {  	[spmem:s5] =	stream.linear.scatter [tilespmem:s14], [sflag:$0x11], $0x2000, $0x38;
	[tilespmem:$0x1F000] =	vst v63  }
0x34: {  	_ =	swait.ge [sflag:s15], $0x2000  }
0x35: {  	[sflag:s15] =	ssyncset.done $0x0  }
0x36: {  	s3 =	simm.s32 $0x0;
	s13 =	rddreg [dreg:$0x9];
	[sflag:s15] =	ssyncadd.s32 $0xFFFFE000  }
0x37: {  	[tilespmem:s3], [sflag:$0x11] =	stream.linear.gather [hbm4b:s13+s3], $0x2800, $0x38;
	[tilespmem:$0x1F000] =	vst v63  }
0x38: {  	_ =	swait.ge [sflag:s15], $0x2800  }
0x39: {  	[sflag:s15] =	ssyncset.done $0x0  }
0x3a: {  	s13 =	simm.s32 $0x2800;
	s5 =	rddreg [dreg:$0xa];
	[sflag:s15] =	ssyncadd.s32 $0xFFFFD800  }
0x3b: {  	[tilespmem:s13], [sflag:$0x11] =	stream.linear.gather [hbm4b:s5+s3], $0x2800, $0x38;
	[tilespmem:$0x1F000] =	vst v63  }
0x3c: {  	_ =	swait.ge [sflag:s15], $0x2800  }
0x3d: {  	[sflag:s15] =	ssyncset.done $0x0  }
0x3e: {  	[sflag:s15] =	ssyncadd.s32 $0xFFFFD800  }
0x3f: {  	[bflag:$0x0] =	sbarrier.arrive $0xFFFF  }
0x40: {  	[tilespmem:s14], [sflag:$0x1] =	stream.indirect.gather [hbm4b:s4+s17], $0x40, s3, s17, $0xb8;
	[tilespmem:$0x1F000] =	vst v63  }
0x41: {  	_ = 	snop  }
0x42: {  	[tilespmem:s18], [sflag:$0x2] =	stream.indirect.gather [hbm4b:s4+s17], $0x40, s17, s17, $0xb8;
	[tilespmem:$0x1F000] =	vst v63  }
0x43: {  	s5 =	simm.s32 $0x100  }
0x44: {  	[tilespmem:s20], [sflag:$0x3] =	stream.indirect.gather [hbm4b:s4+s17], $0x40, s5, s17, $0xb8;
	[tilespmem:$0x1F000] =	vst v63  }
0x45: {  	s5 =	simm.s32 $0x180  }
0x46: {  	[tilespmem:s22], [sflag:$0x4] =	stream.indirect.gather [hbm4b:s4+s17], $0x40, s5, s17, $0xb8;
	[tilespmem:$0x1F000] =	vst v63  }
0x47: {  	s5 =	simm.s32 $0x200  }
0x48: {  	[tilespmem:s24], [sflag:$0x5] =	stream.indirect.gather [hbm4b:s4+s17], $0x40, s5, s17, $0xb8;
	[tilespmem:$0x1F000] =	vst v63  }
0x49: {  	_ =	swait.ge [sflag:s25], $0x2000  }
0x4a: {  	[sflag:s25] =	ssyncset.done $0x0  }
0x4b: {  	[sflag:s25] =	ssyncadd.s32 $0xFFFFE000  }
0x4c: {  	[spmem:s1] =	stream.indirect.scatter.add.f32 [tilespmem:s14], [sflag:$0x9], $0x40, s13, s17, $0xb8;
	[tilespmem:$0x1F000] =	vst v63  }
0x4d: {  	s13 =	simm.s32 $0x280  }
0x4e: {  	[tilespmem:s28], [sflag:$0x6] =	stream.indirect.gather [hbm4b:s4+s17], $0x40, s13, s17, $0xb8;
	[tilespmem:$0x1F000] =	vst v63  }
0x4f: {  	_ =	swait.ge [sflag:s29], $0x2000  }
0x50: {  	[sflag:s29] =	ssyncset.done $0x0  }
0x51: {  	s5 =	simm.s32 $0x2880;
	[sflag:s29] =	ssyncadd.s32 $0xFFFFE000  }
0x52: {  	[spmem:s1] =	stream.indirect.scatter.add.f32 [tilespmem:s18], [sflag:$0xA], $0x40, s5, s17, $0xb8;
	[tilespmem:$0x1F000] =	vst v63  }
0x53: {  	s13 =	simm.s32 $0x300  }
0x54: {  	[tilespmem:s0], [sflag:$0x7] =	stream.indirect.gather [hbm4b:s4+s17], $0x40, s13, s17, $0xb8;
	[tilespmem:$0x1F000] =	vst v63  }
0x55: {  	_ =	swait.ge [sflag:s19], $0x2000  }
0x56: {  	[sflag:s19] =	ssyncset.done $0x0  }
0x57: {  	s5 =	simm.s32 $0x2900;
	[sflag:s19] =	ssyncadd.s32 $0xFFFFE000  }
0x58: {  	[spmem:s1] =	stream.indirect.scatter.add.f32 [tilespmem:s20], [sflag:$0xB], $0x40, s5, s17, $0xb8;
	[tilespmem:$0x1F000] =	vst v63  }
0x59: {  	s13 =	simm.s32 $0x380  }
0x5a: {  	[tilespmem:s26], [sflag:$0x8] =	stream.indirect.gather [hbm4b:s4+s17], $0x40, s13, s17, $0xb8;
	[tilespmem:$0x1F000] =	vst v63  }
0x5b: {  	_ =	swait.ge [sflag:s30], $0x2000  }
0x5c: {  	[sflag:s30] =	ssyncset.done $0x0  }
0x5d: {  	s5 =	simm.s32 $0x2980;
	[sflag:s30] =	ssyncadd.s32 $0xFFFFE000  }
0x5e: {  	[spmem:s1] =	stream.indirect.scatter.add.f32 [tilespmem:s22], [sflag:$0xC], $0x40, s5, s17, $0xb8;
	[tilespmem:$0x1F000] =	vst v63  }
0x5f: {  	_ =	swait.ge [sflag:s2], $0x2000  }
0x60: {  	[sflag:s2] =	ssyncset.done $0x0  }
0x61: {  	s13 =	simm.s32 $0x400;
	[sflag:s2] =	ssyncadd.s32 $0xFFFFE000  }
0x62: {  	[tilespmem:s14], [sflag:$0x1] =	stream.indirect.gather [hbm4b:s4+s17], $0x40, s13, s17, $0xb8;
	[tilespmem:$0x1F000] =	vst v63  }
0x63: {  	_ =	swait.ge [sflag:s21], $0x2000  }
0x64: {  	[sflag:s21] =	ssyncset.done $0x0  }
0x65: {  	s5 =	simm.s32 $0x2A00;
	[sflag:s21] =	ssyncadd.s32 $0xFFFFE000  }
0x66: {  	[spmem:s1] =	stream.indirect.scatter.add.f32 [tilespmem:s24], [sflag:$0xD], $0x40, s5, s17, $0xb8;
	[tilespmem:$0x1F000] =	vst v63  }
0x67: {  	_ =	swait.ge [sflag:s23], $0x2000  }
0x68: {  	[sflag:s23] =	ssyncset.done $0x0  }
0x69: {  	s13 =	simm.s32 $0x480;
	[sflag:s23] =	ssyncadd.s32 $0xFFFFE000  }
0x6a: {  	[tilespmem:s18], [sflag:$0x2] =	stream.indirect.gather [hbm4b:s4+s17], $0x40, s13, s17, $0xb8;
	[tilespmem:$0x1F000] =	vst v63  }
0x6b: {  	_ =	swait.ge [sflag:s31], $0x2000  }
0x6c: {  	[sflag:s31] =	ssyncset.done $0x0  }
0x6d: {  	s5 =	simm.s32 $0x2A80;
	[sflag:s31] =	ssyncadd.s32 $0xFFFFE000  }
0x6e: {  	[spmem:s1] =	stream.indirect.scatter.add.f32 [tilespmem:s28], [sflag:$0xE], $0x40, s5, s17, $0xb8;
	[tilespmem:$0x1F000] =	vst v63  }
0x6f: {  	_ =	swait.ge [sflag:s6], $0x2000  }
0x70: {  	[sflag:s6] =	ssyncset.done $0x0  }
0x71: {  	s13 =	simm.s32 $0x500;
	[sflag:s6] =	ssyncadd.s32 $0xFFFFE000  }
0x72: {  	[tilespmem:s20], [sflag:$0x3] =	stream.indirect.gather [hbm4b:s4+s17], $0x40, s13, s17, $0xb8;
	[tilespmem:$0x1F000] =	vst v63  }
0x73: {  	_ =	swait.ge [sflag:s7], $0x2000  }
0x74: {  	[sflag:s7] =	ssyncset.done $0x0  }
0x75: {  	s5 =	simm.s32 $0x2B00;
	[sflag:s7] =	ssyncadd.s32 $0xFFFFE000  }
0x76: {  	[spmem:s1] =	stream.indirect.scatter.add.f32 [tilespmem:s0], [sflag:$0xF], $0x40, s5, s17, $0xb8;
	[tilespmem:$0x1F000] =	vst v63  }
0x77: {  	_ =	swait.ge [sflag:s8], $0x2000  }
0x78: {  	[sflag:s8] =	ssyncset.done $0x0  }
0x79: {  	s13 =	simm.s32 $0x580;
	[sflag:s8] =	ssyncadd.s32 $0xFFFFE000  }
0x7a: {  	[tilespmem:s22], [sflag:$0x4] =	stream.indirect.gather [hbm4b:s4+s17], $0x40, s13, s17, $0xb8;
	[tilespmem:$0x1F000] =	vst v63  }
0x7b: {  	_ =	swait.ge [sflag:s9], $0x2000  }
0x7c: {  	[sflag:s9] =	ssyncset.done $0x0  }
0x7d: {  	s5 =	simm.s32 $0x2B80;
	[sflag:s9] =	ssyncadd.s32 $0xFFFFE000  }
0x7e: {  	[spmem:s1] =	stream.indirect.scatter.add.f32 [tilespmem:s26], [sflag:$0x10], $0x40, s5, s17, $0xb8;
	[tilespmem:$0x1F000] =	vst v63  }
0x7f: {  	_ =	swait.ge [sflag:s10], $0x2000  }
0x80: {  	[sflag:s10] =	ssyncset.done $0x0  }
0x81: {  	s13 =	simm.s32 $0x600;
	[sflag:s10] =	ssyncadd.s32 $0xFFFFE000  }
0x82: {  	[tilespmem:s24], [sflag:$0x5] =	stream.indirect.gather [hbm4b:s4+s17], $0x40, s13, s17, $0xb8;
	[tilespmem:$0x1F000] =	vst v63  }
0x83: {  	_ =	swait.ge [sflag:s25], $0x2000  }
0x84: {  	[sflag:s25] =	ssyncset.done $0x0  }
0x85: {  	s5 =	simm.s32 $0x2C00;
	[sflag:s25] =	ssyncadd.s32 $0xFFFFE000  }
0x86: {  	[spmem:s1] =	stream.indirect.scatter.add.f32 [tilespmem:s14], [sflag:$0x9], $0x40, s5, s17, $0xb8;
	[tilespmem:$0x1F000] =	vst v63  }
0x87: {  	_ =	swait.ge [sflag:s11], $0x2000  }
0x88: {  	[sflag:s11] =	ssyncset.done $0x0  }
0x89: {  	s13 =	simm.s32 $0x680;
	[sflag:s11] =	ssyncadd.s32 $0xFFFFE000  }
0x8a: {  	[tilespmem:s28], [sflag:$0x6] =	stream.indirect.gather [hbm4b:s4+s17], $0x40, s13, s17, $0xb8;
	[tilespmem:$0x1F000] =	vst v63  }
0x8b: {  	_ =	swait.ge [sflag:s29], $0x2000  }
0x8c: {  	[sflag:s29] =	ssyncset.done $0x0  }
0x8d: {  	s5 =	simm.s32 $0x2C80;
	[sflag:s29] =	ssyncadd.s32 $0xFFFFE000  }
0x8e: {  	[spmem:s1] =	stream.indirect.scatter.add.f32 [tilespmem:s18], [sflag:$0xA], $0x40, s5, s17, $0xb8;
	[tilespmem:$0x1F000] =	vst v63  }
0x8f: {  	_ =	swait.ge [sflag:s16], $0x2000  }
0x90: {  	[sflag:s16] =	ssyncset.done $0x0  }
0x91: {  	s13 =	simm.s32 $0x700;
	[sflag:s16] =	ssyncadd.s32 $0xFFFFE000  }
0x92: {  	[tilespmem:s0], [sflag:$0x7] =	stream.indirect.gather [hbm4b:s4+s17], $0x40, s13, s17, $0xb8;
	[tilespmem:$0x1F000] =	vst v63  }
0x93: {  	_ =	swait.ge [sflag:s19], $0x2000  }
0x94: {  	[sflag:s19] =	ssyncset.done $0x0  }
0x95: {  	s5 =	simm.s32 $0x2D00;
	[sflag:s19] =	ssyncadd.s32 $0xFFFFE000  }
0x96: {  	[spmem:s1] =	stream.indirect.scatter.add.f32 [tilespmem:s20], [sflag:$0xB], $0x40, s5, s17, $0xb8;
	[tilespmem:$0x1F000] =	vst v63  }
0x97: {  	_ =	swait.ge [sflag:s12], $0x2000  }
0x98: {  	[sflag:s12] =	ssyncset.done $0x0  }
0x99: {  	s13 =	simm.s32 $0x780;
	[sflag:s12] =	ssyncadd.s32 $0xFFFFE000  }
0x9a: {  	[tilespmem:s26], [sflag:$0x8] =	stream.indirect.gather [hbm4b:s4+s17], $0x40, s13, s17, $0xb8;
	[tilespmem:$0x1F000] =	vst v63  }
0x9b: {  	_ =	swait.ge [sflag:s30], $0x2000  }
0x9c: {  	[sflag:s30] =	ssyncset.done $0x0  }
0x9d: {  	s5 =	simm.s32 $0x2D80;
	s13 =	simm.s32 $0x1000;
	[sflag:s30] =	ssyncadd.s32 $0xFFFFE000  }
.LBB2_4:
0x9e: {  	[spmem:s1] =	stream.indirect.scatter.add.f32 [tilespmem:s22], [sflag:$0xC], $0x40, s5, s17, $0xb8;
	[tilespmem:$0x1F000] =	vst v63  }
0x9f: {  	s3 =	smov.u32 s13  }
0xa0: {  	p0 =	sne.s32 s13, $0x8000;
	s13 =	sadd.s32 $0x1000, s13;
	_ =	swait.ge [sflag:s2], $0x2000  }
0xa1: {  	s5 =	sshra.s32 s3, $0x2;
	[sflag:s2] =	ssyncset.done $0x0  }
0xa2: {  	s3 =	sadd.s32 $0x400, s5;
	[sflag:s2] =	ssyncadd.s32 $0xFFFFE000  }
0xa3: {  	[tilespmem:s14], [sflag:$0x1] =	stream.indirect.gather [hbm4b:s4+s17], $0x40, s3, s17, $0xb8;
	[tilespmem:$0x1F000] =	vst v63  }
0xa4: {  	_ =	swait.ge [sflag:s21], $0x2000  }
0xa5: {  	[sflag:s21] =	ssyncset.done $0x0  }
0xa6: {  	s3 =	sadd.s32 $0x2A00, s5;
	[sflag:s21] =	ssyncadd.s32 $0xFFFFE000  }
0xa7: {  	[spmem:s1] =	stream.indirect.scatter.add.f32 [tilespmem:s24], [sflag:$0xD], $0x40, s3, s17, $0xb8;
	[tilespmem:$0x1F000] =	vst v63  }
0xa8: {  	_ =	swait.ge [sflag:s23], $0x2000  }
0xa9: {  	[sflag:s23] =	ssyncset.done $0x0  }
0xaa: {  	s3 =	sadd.s32 $0x480, s5;
	[sflag:s23] =	ssyncadd.s32 $0xFFFFE000  }
0xab: {  	[tilespmem:s18], [sflag:$0x2] =	stream.indirect.gather [hbm4b:s4+s17], $0x40, s3, s17, $0xb8;
	[tilespmem:$0x1F000] =	vst v63  }
0xac: {  	_ =	swait.ge [sflag:s31], $0x2000  }
0xad: {  	[sflag:s31] =	ssyncset.done $0x0  }
0xae: {  	s3 =	sadd.s32 $0x2A80, s5;
	[sflag:s31] =	ssyncadd.s32 $0xFFFFE000  }
0xaf: {  	[spmem:s1] =	stream.indirect.scatter.add.f32 [tilespmem:s28], [sflag:$0xE], $0x40, s3, s17, $0xb8;
	[tilespmem:$0x1F000] =	vst v63  }
0xb0: {  	_ =	swait.ge [sflag:s6], $0x2000  }
0xb1: {  	[sflag:s6] =	ssyncset.done $0x0  }
0xb2: {  	s3 =	sadd.s32 $0x500, s5;
	[sflag:s6] =	ssyncadd.s32 $0xFFFFE000  }
0xb3: {  	[tilespmem:s20], [sflag:$0x3] =	stream.indirect.gather [hbm4b:s4+s17], $0x40, s3, s17, $0xb8;
	[tilespmem:$0x1F000] =	vst v63  }
0xb4: {  	_ =	swait.ge [sflag:s7], $0x2000  }
0xb5: {  	[sflag:s7] =	ssyncset.done $0x0  }
0xb6: {  	s3 =	sadd.s32 $0x2B00, s5;
	[sflag:s7] =	ssyncadd.s32 $0xFFFFE000  }
0xb7: {  	[spmem:s1] =	stream.indirect.scatter.add.f32 [tilespmem:s0], [sflag:$0xF], $0x40, s3, s17, $0xb8;
	[tilespmem:$0x1F000] =	vst v63  }
0xb8: {  	_ =	swait.ge [sflag:s8], $0x2000  }
0xb9: {  	[sflag:s8] =	ssyncset.done $0x0  }
0xba: {  	s3 =	sadd.s32 $0x580, s5;
	[sflag:s8] =	ssyncadd.s32 $0xFFFFE000  }
0xbb: {  	[tilespmem:s22], [sflag:$0x4] =	stream.indirect.gather [hbm4b:s4+s17], $0x40, s3, s17, $0xb8;
	[tilespmem:$0x1F000] =	vst v63  }
0xbc: {  	_ =	swait.ge [sflag:s9], $0x2000  }
0xbd: {  	[sflag:s9] =	ssyncset.done $0x0  }
0xbe: {  	s3 =	sadd.s32 $0x2B80, s5;
	[sflag:s9] =	ssyncadd.s32 $0xFFFFE000  }
0xbf: {  	[spmem:s1] =	stream.indirect.scatter.add.f32 [tilespmem:s26], [sflag:$0x10], $0x40, s3, s17, $0xb8;
	[tilespmem:$0x1F000] =	vst v63  }
0xc0: {  	_ =	swait.ge [sflag:s10], $0x2000  }
0xc1: {  	[sflag:s10] =	ssyncset.done $0x0  }
0xc2: {  	s3 =	sadd.s32 $0x600, s5;
	[sflag:s10] =	ssyncadd.s32 $0xFFFFE000  }
0xc3: {  	[tilespmem:s24], [sflag:$0x5] =	stream.indirect.gather [hbm4b:s4+s17], $0x40, s3, s17, $0xb8;
	[tilespmem:$0x1F000] =	vst v63  }
0xc4: {  	_ =	swait.ge [sflag:s25], $0x2000  }
0xc5: {  	[sflag:s25] =	ssyncset.done $0x0  }
0xc6: {  	s3 =	sadd.s32 $0x2C00, s5;
	[sflag:s25] =	ssyncadd.s32 $0xFFFFE000  }
0xc7: {  	[spmem:s1] =	stream.indirect.scatter.add.f32 [tilespmem:s14], [sflag:$0x9], $0x40, s3, s17, $0xb8;
	[tilespmem:$0x1F000] =	vst v63  }
0xc8: {  	_ =	swait.ge [sflag:s11], $0x2000  }
0xc9: {  	[sflag:s11] =	ssyncset.done $0x0  }
0xca: {  	s3 =	sadd.s32 $0x680, s5;
	[sflag:s11] =	ssyncadd.s32 $0xFFFFE000  }
0xcb: {  	[tilespmem:s28], [sflag:$0x6] =	stream.indirect.gather [hbm4b:s4+s17], $0x40, s3, s17, $0xb8;
	[tilespmem:$0x1F000] =	vst v63  }
0xcc: {  	_ =	swait.ge [sflag:s29], $0x2000  }
0xcd: {  	[sflag:s29] =	ssyncset.done $0x0  }
0xce: {  	s3 =	sadd.s32 $0x2C80, s5;
	[sflag:s29] =	ssyncadd.s32 $0xFFFFE000  }
0xcf: {  	[spmem:s1] =	stream.indirect.scatter.add.f32 [tilespmem:s18], [sflag:$0xA], $0x40, s3, s17, $0xb8;
	[tilespmem:$0x1F000] =	vst v63  }
0xd0: {  	_ =	swait.ge [sflag:s16], $0x2000  }
0xd1: {  	[sflag:s16] =	ssyncset.done $0x0  }
0xd2: {  	s3 =	sadd.s32 $0x700, s5;
	[sflag:s16] =	ssyncadd.s32 $0xFFFFE000  }
0xd3: {  	[tilespmem:s0], [sflag:$0x7] =	stream.indirect.gather [hbm4b:s4+s17], $0x40, s3, s17, $0xb8;
	[tilespmem:$0x1F000] =	vst v63  }
0xd4: {  	_ =	swait.ge [sflag:s19], $0x2000  }
0xd5: {  	[sflag:s19] =	ssyncset.done $0x0  }
0xd6: {  	s3 =	sadd.s32 $0x2D00, s5;
	[sflag:s19] =	ssyncadd.s32 $0xFFFFE000  }
0xd7: {  	[spmem:s1] =	stream.indirect.scatter.add.f32 [tilespmem:s20], [sflag:$0xB], $0x40, s3, s17, $0xb8;
	[tilespmem:$0x1F000] =	vst v63  }
0xd8: {  	_ =	swait.ge [sflag:s12], $0x2000  }
0xd9: {  	[sflag:s12] =	ssyncset.done $0x0  }
.Ltmp1:
0xda: {  	s3 =	sadd.s32 $0x780, s5;
	[sflag:s12] =	ssyncadd.s32 $0xFFFFE000;
	(pc) =	sbr.rel @p0 .LBB2_4-.Ltmp1, $4  }
0xdb: {  	[tilespmem:s26], [sflag:$0x8] =	stream.indirect.gather [hbm4b:s4+s17], $0x40, s3, s17, $0xb8;
	[tilespmem:$0x1F000] =	vst v63  }
0xdc: {  	_ =	swait.ge [sflag:s30], $0x2000  }
0xdd: {  	[sflag:s30] =	ssyncset.done $0x0  }
0xde: {  	s5 =	sadd.s32 $0x2D80, s5;
	[sflag:s30] =	ssyncadd.s32 $0xFFFFE000  }
0xdf: {  	[spmem:s1] =	stream.indirect.scatter.add.f32 [tilespmem:s22], [sflag:$0xC], $0x40, s5, s17, $0xb8;
	[tilespmem:$0x1F000] =	vst v63  }
0xe0: {  	_ =	swait.ge [sflag:s21], $0x2000  }
0xe1: {  	[sflag:s21] =	ssyncset.done $0x0  }
0xe2: {  	s3 =	simm.s32 $0x4E00;
	[sflag:s21] =	ssyncadd.s32 $0xFFFFE000  }
0xe3: {  	[spmem:s1] =	stream.indirect.scatter.add.f32 [tilespmem:s24], [sflag:$0xD], $0x40, s3, s17, $0xb8;
	[tilespmem:$0x1F000] =	vst v63  }
0xe4: {  	_ =	swait.ge [sflag:s31], $0x2000  }
0xe5: {  	[sflag:s31] =	ssyncset.done $0x0  }
0xe6: {  	s13 =	simm.s32 $0x4E80;
	[sflag:s31] =	ssyncadd.s32 $0xFFFFE000  }
0xe7: {  	[spmem:s1] =	stream.indirect.scatter.add.f32 [tilespmem:s28], [sflag:$0xE], $0x40, s13, s17, $0xb8;
	[tilespmem:$0x1F000] =	vst v63  }
0xe8: {  	_ =	swait.ge [sflag:s7], $0x2000  }
0xe9: {  	[sflag:s7] =	ssyncset.done $0x0  }
0xea: {  	s5 =	simm.s32 $0x4F00;
	[sflag:s7] =	ssyncadd.s32 $0xFFFFE000  }
0xeb: {  	[spmem:s1] =	stream.indirect.scatter.add.f32 [tilespmem:s0], [sflag:$0xF], $0x40, s5, s17, $0xb8;
	[tilespmem:$0x1F000] =	vst v63  }
0xec: {  	_ =	swait.ge [sflag:s9], $0x2000  }
0xed: {  	[sflag:s9] =	ssyncset.done $0x0  }
0xee: {  	s13 =	simm.s32 $0x4F80;
	[sflag:s9] =	ssyncadd.s32 $0xFFFFE000  }
0xef: {  	[spmem:s1] =	stream.indirect.scatter.add.f32 [tilespmem:s26], [sflag:$0x10], $0x40, s13, s17, $0xb8;
	[tilespmem:$0x1F000] =	vst v63  }
0xf0: {  	_ =	swait.ge [sflag:s2], $0x2000  }
0xf1: {  	[sflag:s2] =	ssyncset.done $0x0  }
0xf2: {  	[sflag:s2] =	ssyncadd.s32 $0xFFFFE000  }
0xf3: {  	_ =	swait.ge [sflag:s23], $0x2000  }
0xf4: {  	[sflag:s23] =	ssyncset.done $0x0  }
0xf5: {  	[sflag:s23] =	ssyncadd.s32 $0xFFFFE000  }
0xf6: {  	_ =	swait.ge [sflag:s6], $0x2000  }
0xf7: {  	[sflag:s6] =	ssyncset.done $0x0  }
0xf8: {  	[sflag:s6] =	ssyncadd.s32 $0xFFFFE000  }
0xf9: {  	_ =	swait.ge [sflag:s8], $0x2000  }
0xfa: {  	[sflag:s8] =	ssyncset.done $0x0  }
0xfb: {  	[sflag:s8] =	ssyncadd.s32 $0xFFFFE000  }
0xfc: {  	_ =	swait.ge [sflag:s10], $0x2000  }
0xfd: {  	[sflag:s10] =	ssyncset.done $0x0  }
0xfe: {  	[sflag:s10] =	ssyncadd.s32 $0xFFFFE000  }
0xff: {  	_ =	swait.ge [sflag:s11], $0x2000  }
0x100: {  	[sflag:s11] =	ssyncset.done $0x0  }
0x101: {  	[sflag:s11] =	ssyncadd.s32 $0xFFFFE000  }
0x102: {  	_ =	swait.ge [sflag:s16], $0x2000  }
0x103: {  	[sflag:s16] =	ssyncset.done $0x0  }
0x104: {  	[sflag:s16] =	ssyncadd.s32 $0xFFFFE000  }
0x105: {  	_ =	swait.ge [sflag:s12], $0x2000  }
0x106: {  	[sflag:s12] =	ssyncset.done $0x0  }
0x107: {  	[sflag:s12] =	ssyncadd.s32 $0xFFFFE000  }
0x108: {  	s5 =	stileid.u32;
	[bflag:$0x0] =	sbarrier.arrive $0xFFFF  }
0x109: {  	s3 =	sshll.u32 s5, $0x6;
	s13 =	rddreg [dreg:$0x4]  }
0x10a: {  	s3 =	sor.u32 $0x1C11, s3;
	s5 =	sshrl.u32 s13, $0x3;
	s13 =	rddreg [dreg:$0xc]  }
0x10b: {  	[hbm:s13], [sflag:s3] =	dma.local [spmem:s5], $0x1400  }
0x10c: {  	_ =	swait.ge [sflag:s15], $0x1400  }
0x10d: {  	s3 =	rddreg [dreg:$0x3]  }
0x10e: {  	s5 =	rddreg [dreg:$0xb];
	s13 =	sadd.s32 $0x1, s3  }
0x10f: {  	p0 =	sne.s32 s13, s5  }
.Ltmp2:
0x110: {  	_ = 	snop;
	(pc) =	sbr.rel @p0 .LBB2_1-.Ltmp2, $3  }
0x111: {  	_ =	sdelay $0x1  }
0x112: {  	[sflag:s15] =	ssyncset.done $0x0  }
0x113: {  	[sflag:s15] =	ssyncadd.s32 $0xFFFFEC00  }
0x114: {  	_ =	sfence.sel $0x180000  }
0x115: {  	[bflag:$0x0] =	sbarrier.arrive $0xFFFF  }
0x116: {  	_ =	strace $0x90000047  }
0x117: {  	s0 =	stileid.u32;
	[bflag:$0x2] =	sbarrier.arrive $0xFFFF  }
0x118: {  	p0 =	sne.s32 s0, $0x0;
	s0 =	rddreg [dreg:$0x2]  }
0x119: {  	s0 =	sadd.s32 @!p0 $0x100000, s0  }
0x11a: {  	[sflag:s0] =	ssyncadd.tile.s32 @!p0 $0x1;
	_ =	shalt  }
.Lfunc_end2:
_tile_overlayer_lowered:
.L_overlay_start_2:
0x11b: {  	(tag) =	ssettag $0x2  }
0x11c: {  	s0 =	rddreg [dreg:$0x0];
	s2 =	stileid.u32  }
0x11d: {  	s1 =	rddreg [dreg:$0x1];
	p0 =	sne.s32 s2, $0x0  }
0x11e: {  	s3 =	rddreg [dreg:$0x2];
	[bflag:$0x3] =	sbarrier.arrive $0xFFFF;
	s2 =	simm.s32 @!p0 $0x1C11  }
0x11f: {  	[timem:s3], [sflag:s2] =	dma.local @!p0 [hbm:s0], s1  }
0x120: {  	s0 =	simm.s32 @!p0 $0x11  }
0x121: {  	_ =	swait.ge @!p0 [sflag:s0], s1  }
0x122: {  	s1 =	ssub.s32 @!p0 $0x0, s1;
	[sflag:s0] =	ssyncset.done @!p0 $0x0  }
0x123: {  	[sflag:s0] =	ssyncadd.s32 @!p0 s1  }
0x124: {  	[bflag:$0x3] =	sbarrier.arrive $0xFFFF  }
0x125: {  	_ =	shalt  }

</sc_bundles>
